<compile_context>
chip_gen: v7x
topology: tpu7x:2x2x1
jax: 0.10.2.dev20260603
libtpu: 0.0.44.dev20260713+nightly
codegen_flags: <defaults>
</compile_context>

<pallas_src>
import functools

import jax
import jax.numpy as jnp
from jax import lax
from jax.experimental import pallas as pl
from jax.experimental.pallas import tpu as pltpu
from jax.experimental.pallas import tpu_sc as plsc

NC = 2
NS = 16
K = 80


def _sc_agg(x, eflat, z2, z1, NP, with_counts):
    N, D = x.shape
    NW = NC * NS
    E = eflat.shape[0] // 2
    ept = E // NW
    n_chunks = ept // K
    rpt = NP // NS
    assert E % NW == 0 and ept % K == 0 and rpt % 8 == 0
    assert z2.shape == (rpt, D) and z1.shape == (NP,)
    assert n_chunks % 3 == 2 and n_chunks >= 8

    mesh = plsc.VectorSubcoreMesh(core_axis_name="c", subcore_axis_name="s")

    out_type = [jax.ShapeDtypeStruct((NC, NP, D), jnp.float32)]
    if with_counts:
        out_type += [jax.ShapeDtypeStruct((NP,), jnp.float32),
                     jax.ShapeDtypeStruct((NP,), jnp.float32)]

    @functools.partial(
        pl.kernel, mesh=mesh, out_type=out_type,
        scratch_types=[
            pltpu.VMEM((ept,), jnp.int32),
            pltpu.VMEM((K,), jnp.int32),
            pltpu.VMEM((K,), jnp.int32),
            pltpu.VMEM((K,), jnp.int32),
            pltpu.VMEM((K, D), jnp.float32),
            pltpu.VMEM((K, D), jnp.float32),
            pltpu.VMEM((K, D), jnp.float32),
            pltpu.VMEM((K,), jnp.float32),
            pltpu.VMEM_SHARED((NP, D), jnp.float32),
            pltpu.VMEM_SHARED((NP,), jnp.float32),
        ] + [pltpu.SemaphoreType.DMA] * 12,
    )
    def agg(*refs):
        if with_counts:
            (x_hbm, e_hbm, z2_hbm, z1_hbm,
             out_hbm, c0_hbm, c1_hbm, sidx,
             dx0, dx1, dx2, rw0, rw1, rw2, ones, acc, cacc, *sems) = refs
        else:
            (x_hbm, e_hbm, z2_hbm, z1_hbm, out_hbm, sidx,
             dx0, dx1, dx2, rw0, rw1, rw2, ones, acc, cacc, *sems) = refs
        didxs = [dx0, dx1, dx2]
        rows = [rw0, rw1, rw2]
        gsem = sems[0:3]
        ssem = sems[3:6]
        isem = sems[6:9]
        csem = sems[9:12]
        c = lax.axis_index("c")
        s = lax.axis_index("s")
        wid = c * NS + s
        ebase = wid * ept
        dbase = E + wid * ept

        zcp = pltpu.async_copy(z2_hbm, acc.at[pl.ds(s * rpt, rpt)], gsem[0])
        scp = pltpu.async_copy(e_hbm.at[pl.ds(ebase, ept)], sidx, gsem[1])
        if with_counts:
            @pl.when(s == 0)
            def _():
                pltpu.sync_copy(z1_hbm, cacc)

            for j in range(K // 16):
                ones[pl.ds(j * 16, 16)] = jnp.ones((16,), jnp.float32)
        zcp.wait()
        scp.wait()

        plsc.subcore_barrier()

        def ifire(ci, b):
            pltpu.async_copy(e_hbm.at[pl.ds(dbase + ci * K, K)],
                             didxs[b], isem[b])

        def idrain(b):
            pltpu.make_async_copy(e_hbm.at[pl.ds(0, K)],
                                  didxs[b], isem[b]).wait()

        def gfire(ci, b):
            pltpu.async_copy(x_hbm.at[sidx.at[pl.ds(ci * K, K)]],
                             rows[b], gsem[b])

        def gdrain(b):
            pltpu.make_async_copy(x_hbm.at[sidx.at[pl.ds(0, K)]],
                                  rows[b], gsem[b]).wait()

        def sfire(b):
            pltpu.async_copy(rows[b], acc.at[didxs[b]], ssem[b], add=True)

        def sdrain(b):
            pltpu.make_async_copy(rows[b], acc.at[didxs[b]], ssem[b]).wait()

        def cfire(b):
            pltpu.async_copy(ones, cacc.at[didxs[b]], csem[b], add=True)

        def cdrain(b):
            pltpu.make_async_copy(ones, cacc.at[didxs[b]], csem[b]).wait()

        def proc(ci, b, drain_prev=True, fire_next=True):
            bn = (b + 1) % 3
            if drain_prev:
                sdrain(bn)
                if with_counts:
                    cdrain(bn)
            if fire_next:
                ifire(ci + 1, bn)
                gfire(ci + 1, bn)
            gdrain(b)
            idrain(b)
            sfire(b)
            if with_counts:
                cfire(b)

        ifire(0, 0)
        gfire(0, 0)
        proc(0, 0, drain_prev=False)
        proc(1, 1, drain_prev=False)
        proc(2, 2)

        def triple(t, carry):
            c0 = 3 * t
            proc(c0, 0)
            proc(c0 + 1, 1)
            proc(c0 + 2, 2)
            return carry

        lax.fori_loop(1, (n_chunks - 8) // 3 + 1, triple, 0)

        proc(n_chunks - 5, 0)
        proc(n_chunks - 4, 1)
        proc(n_chunks - 3, 2)
        proc(n_chunks - 2, 0)
        proc(n_chunks - 1, 1, fire_next=False)
        for b in (0, 1):
            sdrain(b)
            if with_counts:
                cdrain(b)

        plsc.subcore_barrier()

        pltpu.sync_copy(acc.at[pl.ds(s * rpt, rpt)],
                        out_hbm.at[c, pl.ds(s * rpt, rpt)])

        if with_counts:
            @pl.when(jnp.logical_and(s == 0, c == 0))
            def _():
                pltpu.sync_copy(cacc, c0_hbm)

            @pl.when(jnp.logical_and(s == 0, c == 1))
            def _():
                pltpu.sync_copy(cacc, c1_hbm)

    res = agg(x, eflat, z2, z1)
    if not with_counts and isinstance(res, (list, tuple)):
        return res[0]
    return res


def _tc_self(x, wr, b2d):
    N, D = x.shape
    BN = 2048
    grid = (N + BN - 1) // BN

    def body(x_ref, wr_ref, b_ref, o_ref):
        dn = (((1,), (1,)), ((), ()))
        o_ref[...] = lax.dot_general(
            x_ref[...], wr_ref[...], dn,
            preferred_element_type=jnp.float32) + b_ref[...]

    return pl.pallas_call(
        body,
        grid=(grid,),
        in_specs=[
            pl.BlockSpec((BN, D), lambda i: (i, 0)),
            pl.BlockSpec((D, D), lambda i: (0, 0)),
            pl.BlockSpec((1, D), lambda i: (0, 0)),
        ],
        out_specs=pl.BlockSpec((BN, D), lambda i: (i, 0)),
        out_shape=jax.ShapeDtypeStruct((N, D), jnp.float32),
    )(x, wr, b2d)


def _tc_mean(parts, cnt0, cnt1, sp, wl, relu, N):
    NP = parts.shape[1]
    D = parts.shape[2]
    BN = 2048
    grid = (N + BN - 1) // BN
    assert grid * BN <= NP

    def body(part_ref, c0_ref, c1_ref, sp_ref, wl_ref, o_ref):
        i = pl.program_id(0)
        csum = c0_ref[pl.ds(i * BN, BN)] + c1_ref[pl.ds(i * BN, BN)]
        inv = 1.0 / jnp.maximum(csum, 1.0)
        agg = part_ref[0] + part_ref[1]
        mean = agg * inv[:, None]
        dn = (((1,), (1,)), ((), ()))
        h = lax.dot_general(mean, wl_ref[...], dn,
                            preferred_element_type=jnp.float32) + sp_ref[...]
        if relu:
            h = jnp.maximum(h, 0.0)
        o_ref[...] = h

    return pl.pallas_call(
        body,
        grid=(grid,),
        in_specs=[
            pl.BlockSpec((2, BN, D), lambda i: (0, i, 0)),
            pl.BlockSpec((NP,), lambda i: (0,)),
            pl.BlockSpec((NP,), lambda i: (0,)),
            pl.BlockSpec((BN, D), lambda i: (i, 0)),
            pl.BlockSpec((D, D), lambda i: (0, 0)),
        ],
        out_specs=pl.BlockSpec((BN, D), lambda i: (i, 0)),
        out_shape=jax.ShapeDtypeStruct((N, D), jnp.float32),
    )(parts, cnt0, cnt1, sp, wl)


@jax.jit
def kernel(x, edge_index, W1l, b1, W1r, W2l, b2, W2r):
    N, D = x.shape
    NP = ((N + 2047) // 2048) * 2048
    E = edge_index.shape[1]
    eflat = edge_index.reshape(2 * E)
    z2 = jnp.zeros((NP // NS, D), jnp.float32)
    z1 = jnp.zeros((NP,), jnp.float32)

    sp1 = _tc_self(x, W1r, b1.reshape(1, D))
    p1, c1a, c1b = _sc_agg(x, eflat, z2, z1, NP, with_counts=True)
    h = _tc_mean(p1, c1a, c1b, sp1, W1l, True, N)
    sp2 = _tc_self(h, W2r, b2.reshape(1, D))
    p2 = _sc_agg(h, eflat, z2, z1, NP, with_counts=False)
    out = _tc_mean(p2, c1a, c1b, sp2, W2l, False, N)
    return out

# --- scband reference (transcript-rebuilt; emitter-appended) ---
"""Pipeline reference for scband-graph-sagemodel-v0-68977174774176 (READ-ONLY COPY).

The authoritative reference and input builder live on the scoring server;
editing this copy changes nothing except your own understanding.
"""

import jax, jax.numpy as jnp
import numpy as np

N_NODES = 10000
N_EDGES = 320000
D = 128


def _sage_conv(x, edge_index, W_l, b_l, W_r):
    # PyG-style SAGEConv with mean aggregation:
    # out = lin_l(mean_{j in N(i)} x_j) + lin_r(x_i)
    src = edge_index[0]
    dst = edge_index[1]
    msgs = x[src]  # gather source-node features  [E, d]
    n = x.shape[0]
    agg_sum = jax.ops.segment_sum(msgs, dst, num_segments=n)
    cnt = jax.ops.segment_sum(jnp.ones((msgs.shape[0],), dtype=x.dtype), dst, num_segments=n)
    agg_mean = agg_sum / jnp.maximum(cnt, 1.0)[:, None]
    return agg_mean @ W_l.T + b_l + x @ W_r.T


def setup_inputs(seed: int = 0) -> dict:
    key = jax.random.key(seed)
    ks = jax.random.split(key, 8)
    x = jax.random.normal(ks[0], (N_NODES, D), dtype=jnp.float32)
    edge_index = jax.random.randint(ks[1], (2, N_EDGES), 0, N_NODES, dtype=jnp.int64) if jax.config.jax_enable_x64 else jax.random.randint(ks[1], (2, N_EDGES), 0, N_NODES).astype(jnp.int32)
    s = 1.0 / np.sqrt(D)
    W1l = jax.random.uniform(ks[2], (D, D), jnp.float32, -s, s)
    b1 = jnp.zeros((D,), jnp.float32)
    W1r = jax.random.uniform(ks[3], (D, D), jnp.float32, -s, s)
    W2l = jax.random.uniform(ks[4], (D, D), jnp.float32, -s, s)
    b2 = jnp.zeros((D,), jnp.float32)
    W2r = jax.random.uniform(ks[5], (D, D), jnp.float32, -s, s)
    return {"x": x, "edge_index": edge_index, "W1l": W1l, "b1": b1, "W1r": W1r, "W2l": W2l, "b2": b2, "W2r": W2r}


def reference(x, edge_index, W1l, b1, W1r, W2l, b2, W2r):
    # layer 1 + relu (dropout=0.0 -> identity in eval math)
    h = _sage_conv(x, edge_index, W1l, b1, W1r)
    h = jax.nn.relu(h)
    # layer 2 (output layer, no activation)
    out = _sage_conv(h, edge_index, W2l, b2, W2r)
    return out

if __name__ == "__main__":
    import jax
    _d = setup_inputs()
    print(jax.jit(kernel)(*tuple(_d.values())))

</pallas_src>

<mosaic_0001>
#map = affine_map<(d0, d1) -> (0, 0)>
#map1 = affine_map<(d0, d1) -> (0)>
#map2 = affine_map<(d0, d1) -> (0, 0, 0)>
module attributes {stable_mosaic.version = 14 : i64} {
  func.func @agg(%arg0: i32, %arg1: i32, %arg2: memref<10000x128xf32, #tpu.memory_space<hbm>>, %arg3: memref<640000xi32, #tpu.memory_space<hbm>>, %arg4: memref<640x128xf32, #tpu.memory_space<hbm>>, %arg5: memref<10240xf32, #tpu.memory_space<hbm>>, %arg6: memref<2x10240x128xf32, #tpu.memory_space<hbm>>, %arg7: memref<10240xf32, #tpu.memory_space<hbm>>, %arg8: memref<10240xf32, #tpu.memory_space<hbm>>, %arg9: memref<10000xi32, #tpu.memory_space<vmem>>, %arg10: memref<80xi32, #tpu.memory_space<vmem>>, %arg11: memref<80xi32, #tpu.memory_space<vmem>>, %arg12: memref<80xi32, #tpu.memory_space<vmem>>, %arg13: memref<80x128xf32, #tpu.memory_space<vmem>>, %arg14: memref<80x128xf32, #tpu.memory_space<vmem>>, %arg15: memref<80x128xf32, #tpu.memory_space<vmem>>, %arg16: memref<80xf32, #tpu.memory_space<vmem>>, %arg17: memref<10240x128xf32, #tpu.memory_space<vmem_shared>>, %arg18: memref<10240xf32, #tpu.memory_space<vmem_shared>>, %arg19: memref<!tpu.dma_semaphore, #tpu.memory_space<semaphore_mem>>, %arg20: memref<!tpu.dma_semaphore, #tpu.memory_space<semaphore_mem>>, %arg21: memref<!tpu.dma_semaphore, #tpu.memory_space<semaphore_mem>>, %arg22: memref<!tpu.dma_semaphore, #tpu.memory_space<semaphore_mem>>, %arg23: memref<!tpu.dma_semaphore, #tpu.memory_space<semaphore_mem>>, %arg24: memref<!tpu.dma_semaphore, #tpu.memory_space<semaphore_mem>>, %arg25: memref<!tpu.dma_semaphore, #tpu.memory_space<semaphore_mem>>, %arg26: memref<!tpu.dma_semaphore, #tpu.memory_space<semaphore_mem>>, %arg27: memref<!tpu.dma_semaphore, #tpu.memory_space<semaphore_mem>>, %arg28: memref<!tpu.dma_semaphore, #tpu.memory_space<semaphore_mem>>, %arg29: memref<!tpu.dma_semaphore, #tpu.memory_space<semaphore_mem>>, %arg30: memref<!tpu.dma_semaphore, #tpu.memory_space<semaphore_mem>>) attributes {dimension_semantics = [#tpu.dimension_semantics<core_parallel>, #tpu.dimension_semantics<subcore_parallel>], iteration_bounds = array<i64: 2, 16>, scalar_prefetch = 0 : i64, scratch_operands = 22 : i64, tpu.core_type = #tpu.core_type<sc_vector_subcore>, window_params = [{transform_indices = #map}, {transform_indices = #map1}, {transform_indices = #map}, {transform_indices = #map1}, {transform_indices = #map2}, {transform_indices = #map1}, {transform_indices = #map1}]} {
    %mul3A = arith.constant 16 : i32
    %mul3A_0 = arith.muli %arg0, %mul3A : i32
    %add3A = arith.addi %mul3A_0, %arg1 : i32
    %mul3A_1 = arith.constant 10000 : i32
    %mul3A_2 = arith.muli %add3A, %mul3A_1 : i32
    %mul3A_3 = arith.constant 10000 : i32
    %mul3A_4 = arith.muli %add3A, %mul3A_3 : i32
    %add3A_5 = arith.constant 320000 : i32
    %add3A_6 = arith.addi %add3A_5, %mul3A_4 : i32
    %mul3A_7 = arith.constant 640 : i32
    %mul3A_8 = arith.muli %arg1, %mul3A_7 : i32
    %dma_start3A = arith.constant 0 : i32
    %dma_start3A_9 = tpu.memref_slice %arg17[%mul3A_8, %dma_start3A] : memref<10240x128xf32, #tpu.memory_space<vmem_shared>> -> memref<640x128xf32, #tpu.memory_space<vmem_shared>>
    tpu.enqueue_dma source(%arg4 : memref<640x128xf32, #tpu.memory_space<hbm>>) target(%dma_start3A_9 : memref<640x128xf32, #tpu.memory_space<vmem_shared>>) target_semaphore(%arg19 : memref<!tpu.dma_semaphore, #tpu.memory_space<semaphore_mem>>)
    %dma_start3A_10 = tpu.memref_slice %arg3[%mul3A_2] : memref<640000xi32, #tpu.memory_space<hbm>> -> memref<10000xi32, #tpu.memory_space<hbm>>
    %dma_start3A_11 = tpu.memref_slice %arg3[%mul3A_2] : memref<640000xi32, #tpu.memory_space<hbm>> -> memref<10000xi32, #tpu.memory_space<hbm>>
    tpu.enqueue_dma source(%dma_start3A_11 : memref<10000xi32, #tpu.memory_space<hbm>>) target(%arg9 : memref<10000xi32, #tpu.memory_space<vmem>>) target_semaphore(%arg20 : memref<!tpu.dma_semaphore, #tpu.memory_space<semaphore_mem>>)
    %eq3A = arith.constant 0 : i32
    %eq3A_12 = arith.cmpi eq, %arg1, %eq3A : i32
    %convert_element_type3A = arith.extui %eq3A_12 : i1 to i32
    %cond3A = arith.constant 0 : i32
    %cond3A_13 = arith.cmpi ne, %convert_element_type3A, %cond3A : i32
    scf.if %cond3A_13 {
      "tpu.region"() ({
        %run_scoped3A = tpu.sem_alloc : memref<!tpu.dma_semaphore, #tpu.memory_space<semaphore_mem>>
        tpu.enqueue_dma source(%arg5 : memref<10240xf32, #tpu.memory_space<hbm>>) target(%arg18 : memref<10240xf32, #tpu.memory_space<vmem_shared>>) target_semaphore(%run_scoped3A : memref<!tpu.dma_semaphore, #tpu.memory_space<semaphore_mem>>)
        tpu.wait_dma2 semaphore(%run_scoped3A : memref<!tpu.dma_semaphore, #tpu.memory_space<semaphore_mem>>) src(%arg5 : memref<10240xf32, #tpu.memory_space<hbm>>) dst(%arg18 : memref<10240xf32, #tpu.memory_space<vmem_shared>>)
        tpu.yield
      }) : () -> ()
    } else {
    }
    %broadcast_in_dim3A = arith.constant 1.000000e+00 : f32
    %broadcast_in_dim3A_14 = vector.broadcast %broadcast_in_dim3A : f32 to vector<16xf32>
    %swap3A = arith.constant 0 : index
    %swap3A_15 = tpu.vector_load %arg16[%swap3A] {strides = array<i32>} : memref<80xf32, #tpu.memory_space<vmem>>, vector<16xf32>,
    %swap3A_16 = vector.shape_cast %swap3A_15 : vector<16xf32> to vector<16xf32>
    %swap3A_17 = vector.shape_cast %broadcast_in_dim3A_14 : vector<16xf32> to vector<16xf32>
    tpu.vector_store %arg16[%swap3A], %swap3A_17 {strides = array<i32>} : memref<80xf32, #tpu.memory_space<vmem>>, vector<16xf32>,
    %broadcast_in_dim3A_18 = arith.constant 1.000000e+00 : f32
    %broadcast_in_dim3A_19 = vector.broadcast %broadcast_in_dim3A_18 : f32 to vector<16xf32>
    %swap3A_20 = arith.constant 16 : index
    %swap3A_21 = tpu.vector_load %arg16[%swap3A_20] {strides = array<i32>} : memref<80xf32, #tpu.memory_space<vmem>>, vector<16xf32>,
    %swap3A_22 = vector.shape_cast %swap3A_21 : vector<16xf32> to vector<16xf32>
    %swap3A_23 = vector.shape_cast %broadcast_in_dim3A_19 : vector<16xf32> to vector<16xf32>
    tpu.vector_store %arg16[%swap3A_20], %swap3A_23 {strides = array<i32>} : memref<80xf32, #tpu.memory_space<vmem>>, vector<16xf32>,
    %broadcast_in_dim3A_24 = arith.constant 1.000000e+00 : f32
    %broadcast_in_dim3A_25 = vector.broadcast %broadcast_in_dim3A_24 : f32 to vector<16xf32>
    %swap3A_26 = arith.constant 32 : index
    %swap3A_27 = tpu.vector_load %arg16[%swap3A_26] {strides = array<i32>} : memref<80xf32, #tpu.memory_space<vmem>>, vector<16xf32>,
    %swap3A_28 = vector.shape_cast %swap3A_27 : vector<16xf32> to vector<16xf32>
    %swap3A_29 = vector.shape_cast %broadcast_in_dim3A_25 : vector<16xf32> to vector<16xf32>
    tpu.vector_store %arg16[%swap3A_26], %swap3A_29 {strides = array<i32>} : memref<80xf32, #tpu.memory_space<vmem>>, vector<16xf32>,
    %broadcast_in_dim3A_30 = arith.constant 1.000000e+00 : f32
    %broadcast_in_dim3A_31 = vector.broadcast %broadcast_in_dim3A_30 : f32 to vector<16xf32>
    %swap3A_32 = arith.constant 48 : index
    %swap3A_33 = tpu.vector_load %arg16[%swap3A_32] {strides = array<i32>} : memref<80xf32, #tpu.memory_space<vmem>>, vector<16xf32>,
    %swap3A_34 = vector.shape_cast %swap3A_33 : vector<16xf32> to vector<16xf32>
    %swap3A_35 = vector.shape_cast %broadcast_in_dim3A_31 : vector<16xf32> to vector<16xf32>
    tpu.vector_store %arg16[%swap3A_32], %swap3A_35 {strides = array<i32>} : memref<80xf32, #tpu.memory_space<vmem>>, vector<16xf32>,
    %broadcast_in_dim3A_36 = arith.constant 1.000000e+00 : f32
    %broadcast_in_dim3A_37 = vector.broadcast %broadcast_in_dim3A_36 : f32 to vector<16xf32>
    %swap3A_38 = arith.constant 64 : index
    %swap3A_39 = tpu.vector_load %arg16[%swap3A_38] {strides = array<i32>} : memref<80xf32, #tpu.memory_space<vmem>>, vector<16xf32>,
    %swap3A_40 = vector.shape_cast %swap3A_39 : vector<16xf32> to vector<16xf32>
    %swap3A_41 = vector.shape_cast %broadcast_in_dim3A_37 : vector<16xf32> to vector<16xf32>
    tpu.vector_store %arg16[%swap3A_38], %swap3A_41 {strides = array<i32>} : memref<80xf32, #tpu.memory_space<vmem>>, vector<16xf32>,
    %dma_wait3A = arith.constant 0 : i32
    %dma_wait3A_42 = tpu.memref_slice %arg17[%mul3A_8, %dma_wait3A] : memref<10240x128xf32, #tpu.memory_space<vmem_shared>> -> memref<640x128xf32, #tpu.memory_space<vmem_shared>>
    tpu.wait_dma2 semaphore(%arg19 : memref<!tpu.dma_semaphore, #tpu.memory_space<semaphore_mem>>) src(%arg4 : memref<640x128xf32, #tpu.memory_space<hbm>>) dst(%dma_wait3A_42 : memref<640x128xf32, #tpu.memory_space<vmem_shared>>)
    %dma_wait3A_43 = tpu.memref_slice %arg3[%mul3A_2] : memref<640000xi32, #tpu.memory_space<hbm>> -> memref<10000xi32, #tpu.memory_space<hbm>>
    %dma_wait3A_44 = tpu.memref_slice %arg3[%mul3A_2] : memref<640000xi32, #tpu.memory_space<hbm>> -> memref<10000xi32, #tpu.memory_space<hbm>>
    tpu.wait_dma2 semaphore(%arg20 : memref<!tpu.dma_semaphore, #tpu.memory_space<semaphore_mem>>) src(%dma_wait3A_44 : memref<10000xi32, #tpu.memory_space<hbm>>) dst(%arg9 : memref<10000xi32, #tpu.memory_space<vmem>>)
    %barrier3A = arith.constant 0 : index
    tpu.barrier barrier_id(%barrier3A)
    %add3A_45 = arith.constant 0 : i32
    %add3A_46 = arith.addi %add3A_6, %add3A_45 : i32
    %dma_start3A_47 = tpu.memref_slice %arg3[%add3A_46] : memref<640000xi32, #tpu.memory_space<hbm>> -> memref<80xi32, #tpu.memory_space<hbm>>
    %dma_start3A_48 = tpu.memref_slice %arg3[%add3A_46] : memref<640000xi32, #tpu.memory_space<hbm>> -> memref<80xi32, #tpu.memory_space<hbm>>
    tpu.enqueue_dma source(%dma_start3A_48 : memref<80xi32, #tpu.memory_space<hbm>>) target(%arg10 : memref<80xi32, #tpu.memory_space<vmem>>) target_semaphore(%arg25 : memref<!tpu.dma_semaphore, #tpu.memory_space<semaphore_mem>>)
    %dma_start3A_49 = arith.constant 0 : i32
    %dma_start3A_50 = tpu.memref_slice %arg9[%dma_start3A_49] : memref<10000xi32, #tpu.memory_space<vmem>> -> memref<80xi32, #tpu.memory_space<vmem>>
    %dma_start3A_51 = arith.constant 0 : i32
    %dma_start3A_52 = arith.constant 0 : i32
    %dma_start3A_53 = tpu.memref_slice %arg2[%dma_start3A_51, %dma_start3A_52] : memref<10000x128xf32, #tpu.memory_space<hbm>> -> memref<10000x128xf32, #tpu.memory_space<hbm>>
    tpu.enqueue_indirect_dma source(%dma_start3A_53 : memref<10000x128xf32, #tpu.memory_space<hbm>>) target(%arg13 : memref<80x128xf32, #tpu.memory_space<vmem>>) offsets(%dma_start3A_50 : memref<80xi32, #tpu.memory_space<vmem>>) semaphore(%arg19 : memref<!tpu.dma_semaphore, #tpu.memory_space<semaphore_mem>>)
    %add3A_54 = arith.constant 80 : i32
    %add3A_55 = arith.addi %add3A_6, %add3A_54 : i32
    %dma_start3A_56 = tpu.memref_slice %arg3[%add3A_55] : memref<640000xi32, #tpu.memory_space<hbm>> -> memref<80xi32, #tpu.memory_space<hbm>>
    %dma_start3A_57 = tpu.memref_slice %arg3[%add3A_55] : memref<640000xi32, #tpu.memory_space<hbm>> -> memref<80xi32, #tpu.memory_space<hbm>>
    tpu.enqueue_dma source(%dma_start3A_57 : memref<80xi32, #tpu.memory_space<hbm>>) target(%arg11 : memref<80xi32, #tpu.memory_space<vmem>>) target_semaphore(%arg26 : memref<!tpu.dma_semaphore, #tpu.memory_space<semaphore_mem>>)
    %dma_start3A_58 = arith.constant 80 : i32
    %dma_start3A_59 = tpu.memref_slice %arg9[%dma_start3A_58] : memref<10000xi32, #tpu.memory_space<vmem>> -> memref<80xi32, #tpu.memory_space<vmem>>
    %dma_start3A_60 = arith.constant 0 : i32
    %dma_start3A_61 = arith.constant 0 : i32
    %dma_start3A_62 = tpu.memref_slice %arg2[%dma_start3A_60, %dma_start3A_61] : memref<10000x128xf32, #tpu.memory_space<hbm>> -> memref<10000x128xf32, #tpu.memory_space<hbm>>
    tpu.enqueue_indirect_dma source(%dma_start3A_62 : memref<10000x128xf32, #tpu.memory_space<hbm>>) target(%arg14 : memref<80x128xf32, #tpu.memory_space<vmem>>) offsets(%dma_start3A_59 : memref<80xi32, #tpu.memory_space<vmem>>) semaphore(%arg20 : memref<!tpu.dma_semaphore, #tpu.memory_space<semaphore_mem>>)
    %dma_wait3A_63 = arith.constant 0 : i32
    %dma_wait3A_64 = tpu.memref_slice %arg9[%dma_wait3A_63] : memref<10000xi32, #tpu.memory_space<vmem>> -> memref<80xi32, #tpu.memory_space<vmem>>
    %dma_wait3A_65 = arith.constant 0 : i32
    %dma_wait3A_66 = arith.constant 0 : i32
    %dma_wait3A_67 = tpu.memref_slice %arg2[%dma_wait3A_65, %dma_wait3A_66] : memref<10000x128xf32, #tpu.memory_space<hbm>> -> memref<10000x128xf32, #tpu.memory_space<hbm>>
    tpu.wait_indirect_dma semaphore(%arg19 : memref<!tpu.dma_semaphore, #tpu.memory_space<semaphore_mem>>) src(%dma_wait3A_67 : memref<10000x128xf32, #tpu.memory_space<hbm>>) dst(%arg13 : memref<80x128xf32, #tpu.memory_space<vmem>>)
    %dma_wait3A_68 = arith.constant 0 : i32
    %dma_wait3A_69 = tpu.memref_slice %arg3[%dma_wait3A_68] : memref<640000xi32, #tpu.memory_space<hbm>> -> memref<80xi32, #tpu.memory_space<hbm>>
    %dma_wait3A_70 = arith.constant 0 : i32
    %dma_wait3A_71 = tpu.memref_slice %arg3[%dma_wait3A_70] : memref<640000xi32, #tpu.memory_space<hbm>> -> memref<80xi32, #tpu.memory_space<hbm>>
    tpu.wait_dma2 semaphore(%arg25 : memref<!tpu.dma_semaphore, #tpu.memory_space<semaphore_mem>>) src(%dma_wait3A_71 : memref<80xi32, #tpu.memory_space<hbm>>) dst(%arg10 : memref<80xi32, #tpu.memory_space<vmem>>)
    %dma_start3A_72 = arith.constant 0 : i32
    %dma_start3A_73 = arith.constant 0 : i32
    %dma_start3A_74 = tpu.memref_slice %arg17[%dma_start3A_72, %dma_start3A_73] : memref<10240x128xf32, #tpu.memory_space<vmem_shared>> -> memref<10240x128xf32, #tpu.memory_space<vmem_shared>>
    tpu.enqueue_indirect_dma source(%arg13 : memref<80x128xf32, #tpu.memory_space<vmem>>) target(%dma_start3A_74 : memref<10240x128xf32, #tpu.memory_space<vmem_shared>>) offsets(%arg10 : memref<80xi32, #tpu.memory_space<vmem>>) semaphore(%arg22 : memref<!tpu.dma_semaphore, #tpu.memory_space<semaphore_mem>>) {add = true}
    %dma_start3A_75 = arith.constant 0 : i32
    %dma_start3A_76 = tpu.memref_slice %arg18[%dma_start3A_75] : memref<10240xf32, #tpu.memory_space<vmem_shared>> -> memref<10240xf32, #tpu.memory_space<vmem_shared>>
    tpu.enqueue_indirect_dma source(%arg16 : memref<80xf32, #tpu.memory_space<vmem>>) target(%dma_start3A_76 : memref<10240xf32, #tpu.memory_space<vmem_shared>>) offsets(%arg10 : memref<80xi32, #tpu.memory_space<vmem>>) semaphore(%arg28 : memref<!tpu.dma_semaphore, #tpu.memory_space<semaphore_mem>>) {add = true}
    %add3A_77 = arith.constant 160 : i32
    %add3A_78 = arith.addi %add3A_6, %add3A_77 : i32
    %dma_start3A_79 = tpu.memref_slice %arg3[%add3A_78] : memref<640000xi32, #tpu.memory_space<hbm>> -> memref<80xi32, #tpu.memory_space<hbm>>
    %dma_start3A_80 = tpu.memref_slice %arg3[%add3A_78] : memref<640000xi32, #tpu.memory_space<hbm>> -> memref<80xi32, #tpu.memory_space<hbm>>
    tpu.enqueue_dma source(%dma_start3A_80 : memref<80xi32, #tpu.memory_space<hbm>>) target(%arg12 : memref<80xi32, #tpu.memory_space<vmem>>) target_semaphore(%arg27 : memref<!tpu.dma_semaphore, #tpu.memory_space<semaphore_mem>>)
    %dma_start3A_81 = arith.constant 160 : i32
    %dma_start3A_82 = tpu.memref_slice %arg9[%dma_start3A_81] : memref<10000xi32, #tpu.memory_space<vmem>> -> memref<80xi32, #tpu.memory_space<vmem>>
    %dma_start3A_83 = arith.constant 0 : i32
    %dma_start3A_84 = arith.constant 0 : i32
    %dma_start3A_85 = tpu.memref_slice %arg2[%dma_start3A_83, %dma_start3A_84] : memref<10000x128xf32, #tpu.memory_space<hbm>> -> memref<10000x128xf32, #tpu.memory_space<hbm>>
    tpu.enqueue_indirect_dma source(%dma_start3A_85 : memref<10000x128xf32, #tpu.memory_space<hbm>>) target(%arg15 : memref<80x128xf32, #tpu.memory_space<vmem>>) offsets(%dma_start3A_82 : memref<80xi32, #tpu.memory_space<vmem>>) semaphore(%arg21 : memref<!tpu.dma_semaphore, #tpu.memory_space<semaphore_mem>>)
    %dma_wait3A_86 = arith.constant 0 : i32
    %dma_wait3A_87 = tpu.memref_slice %arg9[%dma_wait3A_86] : memref<10000xi32, #tpu.memory_space<vmem>> -> memref<80xi32, #tpu.memory_space<vmem>>
    %dma_wait3A_88 = arith.constant 0 : i32
    %dma_wait3A_89 = arith.constant 0 : i32
    %dma_wait3A_90 = tpu.memref_slice %arg2[%dma_wait3A_88, %dma_wait3A_89] : memref<10000x128xf32, #tpu.memory_space<hbm>> -> memref<10000x128xf32, #tpu.memory_space<hbm>>
    tpu.wait_indirect_dma semaphore(%arg20 : memref<!tpu.dma_semaphore, #tpu.memory_space<semaphore_mem>>) src(%dma_wait3A_90 : memref<10000x128xf32, #tpu.memory_space<hbm>>) dst(%arg14 : memref<80x128xf32, #tpu.memory_space<vmem>>)
    %dma_wait3A_91 = arith.constant 0 : i32
    %dma_wait3A_92 = tpu.memref_slice %arg3[%dma_wait3A_91] : memref<640000xi32, #tpu.memory_space<hbm>> -> memref<80xi32, #tpu.memory_space<hbm>>
    %dma_wait3A_93 = arith.constant 0 : i32
    %dma_wait3A_94 = tpu.memref_slice %arg3[%dma_wait3A_93] : memref<640000xi32, #tpu.memory_space<hbm>> -> memref<80xi32, #tpu.memory_space<hbm>>
    tpu.wait_dma2 semaphore(%arg26 : memref<!tpu.dma_semaphore, #tpu.memory_space<semaphore_mem>>) src(%dma_wait3A_94 : memref<80xi32, #tpu.memory_space<hbm>>) dst(%arg11 : memref<80xi32, #tpu.memory_space<vmem>>)
    %dma_start3A_95 = arith.constant 0 : i32
    %dma_start3A_96 = arith.constant 0 : i32
    %dma_start3A_97 = tpu.memref_slice %arg17[%dma_start3A_95, %dma_start3A_96] : memref<10240x128xf32, #tpu.memory_space<vmem_shared>> -> memref<10240x128xf32, #tpu.memory_space<vmem_shared>>
    tpu.enqueue_indirect_dma source(%arg14 : memref<80x128xf32, #tpu.memory_space<vmem>>) target(%dma_start3A_97 : memref<10240x128xf32, #tpu.memory_space<vmem_shared>>) offsets(%arg11 : memref<80xi32, #tpu.memory_space<vmem>>) semaphore(%arg23 : memref<!tpu.dma_semaphore, #tpu.memory_space<semaphore_mem>>) {add = true}
    %dma_start3A_98 = arith.constant 0 : i32
    %dma_start3A_99 = tpu.memref_slice %arg18[%dma_start3A_98] : memref<10240xf32, #tpu.memory_space<vmem_shared>> -> memref<10240xf32, #tpu.memory_space<vmem_shared>>
    tpu.enqueue_indirect_dma source(%arg16 : memref<80xf32, #tpu.memory_space<vmem>>) target(%dma_start3A_99 : memref<10240xf32, #tpu.memory_space<vmem_shared>>) offsets(%arg11 : memref<80xi32, #tpu.memory_space<vmem>>) semaphore(%arg29 : memref<!tpu.dma_semaphore, #tpu.memory_space<semaphore_mem>>) {add = true}
    %dma_wait3A_100 = arith.constant 0 : i32
    %dma_wait3A_101 = arith.constant 0 : i32
    %dma_wait3A_102 = tpu.memref_slice %arg17[%dma_wait3A_100, %dma_wait3A_101] : memref<10240x128xf32, #tpu.memory_space<vmem_shared>> -> memref<10240x128xf32, #tpu.memory_space<vmem_shared>>
    tpu.wait_indirect_dma semaphore(%arg22 : memref<!tpu.dma_semaphore, #tpu.memory_space<semaphore_mem>>) src(%arg13 : memref<80x128xf32, #tpu.memory_space<vmem>>) dst(%dma_wait3A_102 : memref<10240x128xf32, #tpu.memory_space<vmem_shared>>)
    %dma_wait3A_103 = arith.constant 0 : i32
    %dma_wait3A_104 = tpu.memref_slice %arg18[%dma_wait3A_103] : memref<10240xf32, #tpu.memory_space<vmem_shared>> -> memref<10240xf32, #tpu.memory_space<vmem_shared>>
    tpu.wait_indirect_dma semaphore(%arg28 : memref<!tpu.dma_semaphore, #tpu.memory_space<semaphore_mem>>) src(%arg16 : memref<80xf32, #tpu.memory_space<vmem>>) dst(%dma_wait3A_104 : memref<10240xf32, #tpu.memory_space<vmem_shared>>)
    %add3A_105 = arith.constant 240 : i32
    %add3A_106 = arith.addi %add3A_6, %add3A_105 : i32
    %dma_start3A_107 = tpu.memref_slice %arg3[%add3A_106] : memref<640000xi32, #tpu.memory_space<hbm>> -> memref<80xi32, #tpu.memory_space<hbm>>
    %dma_start3A_108 = tpu.memref_slice %arg3[%add3A_106] : memref<640000xi32, #tpu.memory_space<hbm>> -> memref<80xi32, #tpu.memory_space<hbm>>
    tpu.enqueue_dma source(%dma_start3A_108 : memref<80xi32, #tpu.memory_space<hbm>>) target(%arg10 : memref<80xi32, #tpu.memory_space<vmem>>) target_semaphore(%arg25 : memref<!tpu.dma_semaphore, #tpu.memory_space<semaphore_mem>>)
    %dma_start3A_109 = arith.constant 240 : i32
    %dma_start3A_110 = tpu.memref_slice %arg9[%dma_start3A_109] : memref<10000xi32, #tpu.memory_space<vmem>> -> memref<80xi32, #tpu.memory_space<vmem>>
    %dma_start3A_111 = arith.constant 0 : i32
    %dma_start3A_112 = arith.constant 0 : i32
    %dma_start3A_113 = tpu.memref_slice %arg2[%dma_start3A_111, %dma_start3A_112] : memref<10000x128xf32, #tpu.memory_space<hbm>> -> memref<10000x128xf32, #tpu.memory_space<hbm>>
    tpu.enqueue_indirect_dma source(%dma_start3A_113 : memref<10000x128xf32, #tpu.memory_space<hbm>>) target(%arg13 : memref<80x128xf32, #tpu.memory_space<vmem>>) offsets(%dma_start3A_110 : memref<80xi32, #tpu.memory_space<vmem>>) semaphore(%arg19 : memref<!tpu.dma_semaphore, #tpu.memory_space<semaphore_mem>>)
    %dma_wait3A_114 = arith.constant 0 : i32
    %dma_wait3A_115 = tpu.memref_slice %arg9[%dma_wait3A_114] : memref<10000xi32, #tpu.memory_space<vmem>> -> memref<80xi32, #tpu.memory_space<vmem>>
    %dma_wait3A_116 = arith.constant 0 : i32
    %dma_wait3A_117 = arith.constant 0 : i32
    %dma_wait3A_118 = tpu.memref_slice %arg2[%dma_wait3A_116, %dma_wait3A_117] : memref<10000x128xf32, #tpu.memory_space<hbm>> -> memref<10000x128xf32, #tpu.memory_space<hbm>>
    tpu.wait_indirect_dma semaphore(%arg21 : memref<!tpu.dma_semaphore, #tpu.memory_space<semaphore_mem>>) src(%dma_wait3A_118 : memref<10000x128xf32, #tpu.memory_space<hbm>>) dst(%arg15 : memref<80x128xf32, #tpu.memory_space<vmem>>)
    %dma_wait3A_119 = arith.constant 0 : i32
    %dma_wait3A_120 = tpu.memref_slice %arg3[%dma_wait3A_119] : memref<640000xi32, #tpu.memory_space<hbm>> -> memref<80xi32, #tpu.memory_space<hbm>>
    %dma_wait3A_121 = arith.constant 0 : i32
    %dma_wait3A_122 = tpu.memref_slice %arg3[%dma_wait3A_121] : memref<640000xi32, #tpu.memory_space<hbm>> -> memref<80xi32, #tpu.memory_space<hbm>>
    tpu.wait_dma2 semaphore(%arg27 : memref<!tpu.dma_semaphore, #tpu.memory_space<semaphore_mem>>) src(%dma_wait3A_122 : memref<80xi32, #tpu.memory_space<hbm>>) dst(%arg12 : memref<80xi32, #tpu.memory_space<vmem>>)
    %dma_start3A_123 = arith.constant 0 : i32
    %dma_start3A_124 = arith.constant 0 : i32
    %dma_start3A_125 = tpu.memref_slice %arg17[%dma_start3A_123, %dma_start3A_124] : memref<10240x128xf32, #tpu.memory_space<vmem_shared>> -> memref<10240x128xf32, #tpu.memory_space<vmem_shared>>
    tpu.enqueue_indirect_dma source(%arg15 : memref<80x128xf32, #tpu.memory_space<vmem>>) target(%dma_start3A_125 : memref<10240x128xf32, #tpu.memory_space<vmem_shared>>) offsets(%arg12 : memref<80xi32, #tpu.memory_space<vmem>>) semaphore(%arg24 : memref<!tpu.dma_semaphore, #tpu.memory_space<semaphore_mem>>) {add = true}
    %dma_start3A_126 = arith.constant 0 : i32
    %dma_start3A_127 = tpu.memref_slice %arg18[%dma_start3A_126] : memref<10240xf32, #tpu.memory_space<vmem_shared>> -> memref<10240xf32, #tpu.memory_space<vmem_shared>>
    tpu.enqueue_indirect_dma source(%arg16 : memref<80xf32, #tpu.memory_space<vmem>>) target(%dma_start3A_127 : memref<10240xf32, #tpu.memory_space<vmem_shared>>) offsets(%arg12 : memref<80xi32, #tpu.memory_space<vmem>>) semaphore(%arg30 : memref<!tpu.dma_semaphore, #tpu.memory_space<semaphore_mem>>) {add = true}
    %scan3A = arith.constant 0 : i32
    %scan3A_128 = arith.constant 1 : i32
    %scan3A_129 = arith.constant 39 : i32
    %scan3A_130 = arith.addi %scan3A_128, %scan3A_129 : i32
    %scan3A_131 = arith.constant 1 : i32
    scf.for %scan3A_294 = %scan3A_128 to %scan3A_130 step %scan3A_131  : i32 {
      %mul3A_295 = arith.constant 3 : i32
      %mul3A_296 = arith.muli %mul3A_295, %scan3A_294 : i32
      %dma_wait3A_297 = arith.constant 0 : i32
      %dma_wait3A_298 = arith.constant 0 : i32
      %dma_wait3A_299 = tpu.memref_slice %arg17[%dma_wait3A_297, %dma_wait3A_298] : memref<10240x128xf32, #tpu.memory_space<vmem_shared>> -> memref<10240x128xf32, #tpu.memory_space<vmem_shared>>
      tpu.wait_indirect_dma semaphore(%arg23 : memref<!tpu.dma_semaphore, #tpu.memory_space<semaphore_mem>>) src(%arg14 : memref<80x128xf32, #tpu.memory_space<vmem>>) dst(%dma_wait3A_299 : memref<10240x128xf32, #tpu.memory_space<vmem_shared>>)
      %dma_wait3A_300 = arith.constant 0 : i32
      %dma_wait3A_301 = tpu.memref_slice %arg18[%dma_wait3A_300] : memref<10240xf32, #tpu.memory_space<vmem_shared>> -> memref<10240xf32, #tpu.memory_space<vmem_shared>>
      tpu.wait_indirect_dma semaphore(%arg29 : memref<!tpu.dma_semaphore, #tpu.memory_space<semaphore_mem>>) src(%arg16 : memref<80xf32, #tpu.memory_space<vmem>>) dst(%dma_wait3A_301 : memref<10240xf32, #tpu.memory_space<vmem_shared>>)
      %add3A_302 = arith.constant 1 : i32
      %add3A_303 = arith.addi %mul3A_296, %add3A_302 : i32
      %mul3A_304 = arith.constant 80 : i32
      %mul3A_305 = arith.muli %add3A_303, %mul3A_304 : i32
      %add3A_306 = arith.addi %add3A_6, %mul3A_305 : i32
      %dma_start3A_307 = tpu.memref_slice %arg3[%add3A_306] : memref<640000xi32, #tpu.memory_space<hbm>> -> memref<80xi32, #tpu.memory_space<hbm>>
      %dma_start3A_308 = tpu.memref_slice %arg3[%add3A_306] : memref<640000xi32, #tpu.memory_space<hbm>> -> memref<80xi32, #tpu.memory_space<hbm>>
      tpu.enqueue_dma source(%dma_start3A_308 : memref<80xi32, #tpu.memory_space<hbm>>) target(%arg11 : memref<80xi32, #tpu.memory_space<vmem>>) target_semaphore(%arg26 : memref<!tpu.dma_semaphore, #tpu.memory_space<semaphore_mem>>)
      %add3A_309 = arith.constant 1 : i32
      %add3A_310 = arith.addi %mul3A_296, %add3A_309 : i32
      %mul3A_311 = arith.constant 80 : i32
      %mul3A_312 = arith.muli %add3A_310, %mul3A_311 : i32
      %dma_start3A_313 = tpu.memref_slice %arg9[%mul3A_312] : memref<10000xi32, #tpu.memory_space<vmem>> -> memref<80xi32, #tpu.memory_space<vmem>>
      %dma_start3A_314 = arith.constant 0 : i32
      %dma_start3A_315 = arith.constant 0 : i32
      %dma_start3A_316 = tpu.memref_slice %arg2[%dma_start3A_314, %dma_start3A_315] : memref<10000x128xf32, #tpu.memory_space<hbm>> -> memref<10000x128xf32, #tpu.memory_space<hbm>>
      tpu.enqueue_indirect_dma source(%dma_start3A_316 : memref<10000x128xf32, #tpu.memory_space<hbm>>) target(%arg14 : memref<80x128xf32, #tpu.memory_space<vmem>>) offsets(%dma_start3A_313 : memref<80xi32, #tpu.memory_space<vmem>>) semaphore(%arg20 : memref<!tpu.dma_semaphore, #tpu.memory_space<semaphore_mem>>)
      %dma_wait3A_317 = arith.constant 0 : i32
      %dma_wait3A_318 = tpu.memref_slice %arg9[%dma_wait3A_317] : memref<10000xi32, #tpu.memory_space<vmem>> -> memref<80xi32, #tpu.memory_space<vmem>>
      %dma_wait3A_319 = arith.constant 0 : i32
      %dma_wait3A_320 = arith.constant 0 : i32
      %dma_wait3A_321 = tpu.memref_slice %arg2[%dma_wait3A_319, %dma_wait3A_320] : memref<10000x128xf32, #tpu.memory_space<hbm>> -> memref<10000x128xf32, #tpu.memory_space<hbm>>
      tpu.wait_indirect_dma semaphore(%arg19 : memref<!tpu.dma_semaphore, #tpu.memory_space<semaphore_mem>>) src(%dma_wait3A_321 : memref<10000x128xf32, #tpu.memory_space<hbm>>) dst(%arg13 : memref<80x128xf32, #tpu.memory_space<vmem>>)
      %dma_wait3A_322 = arith.constant 0 : i32
      %dma_wait3A_323 = tpu.memref_slice %arg3[%dma_wait3A_322] : memref<640000xi32, #tpu.memory_space<hbm>> -> memref<80xi32, #tpu.memory_space<hbm>>
      %dma_wait3A_324 = arith.constant 0 : i32
      %dma_wait3A_325 = tpu.memref_slice %arg3[%dma_wait3A_324] : memref<640000xi32, #tpu.memory_space<hbm>> -> memref<80xi32, #tpu.memory_space<hbm>>
      tpu.wait_dma2 semaphore(%arg25 : memref<!tpu.dma_semaphore, #tpu.memory_space<semaphore_mem>>) src(%dma_wait3A_325 : memref<80xi32, #tpu.memory_space<hbm>>) dst(%arg10 : memref<80xi32, #tpu.memory_space<vmem>>)
      %dma_start3A_326 = arith.constant 0 : i32
      %dma_start3A_327 = arith.constant 0 : i32
      %dma_start3A_328 = tpu.memref_slice %arg17[%dma_start3A_326, %dma_start3A_327] : memref<10240x128xf32, #tpu.memory_space<vmem_shared>> -> memref<10240x128xf32, #tpu.memory_space<vmem_shared>>
      tpu.enqueue_indirect_dma source(%arg13 : memref<80x128xf32, #tpu.memory_space<vmem>>) target(%dma_start3A_328 : memref<10240x128xf32, #tpu.memory_space<vmem_shared>>) offsets(%arg10 : memref<80xi32, #tpu.memory_space<vmem>>) semaphore(%arg22 : memref<!tpu.dma_semaphore, #tpu.memory_space<semaphore_mem>>) {add = true}
      %dma_start3A_329 = arith.constant 0 : i32
      %dma_start3A_330 = tpu.memref_slice %arg18[%dma_start3A_329] : memref<10240xf32, #tpu.memory_space<vmem_shared>> -> memref<10240xf32, #tpu.memory_space<vmem_shared>>
      tpu.enqueue_indirect_dma source(%arg16 : memref<80xf32, #tpu.memory_space<vmem>>) target(%dma_start3A_330 : memref<10240xf32, #tpu.memory_space<vmem_shared>>) offsets(%arg10 : memref<80xi32, #tpu.memory_space<vmem>>) semaphore(%arg28 : memref<!tpu.dma_semaphore, #tpu.memory_space<semaphore_mem>>) {add = true}
      %add3A_331 = arith.constant 1 : i32
      %add3A_332 = arith.addi %mul3A_296, %add3A_331 : i32
      %dma_wait3A_333 = arith.constant 0 : i32
      %dma_wait3A_334 = arith.constant 0 : i32
      %dma_wait3A_335 = tpu.memref_slice %arg17[%dma_wait3A_333, %dma_wait3A_334] : memref<10240x128xf32, #tpu.memory_space<vmem_shared>> -> memref<10240x128xf32, #tpu.memory_space<vmem_shared>>
      tpu.wait_indirect_dma semaphore(%arg24 : memref<!tpu.dma_semaphore, #tpu.memory_space<semaphore_mem>>) src(%arg15 : memref<80x128xf32, #tpu.memory_space<vmem>>) dst(%dma_wait3A_335 : memref<10240x128xf32, #tpu.memory_space<vmem_shared>>)
      %dma_wait3A_336 = arith.constant 0 : i32
      %dma_wait3A_337 = tpu.memref_slice %arg18[%dma_wait3A_336] : memref<10240xf32, #tpu.memory_space<vmem_shared>> -> memref<10240xf32, #tpu.memory_space<vmem_shared>>
      tpu.wait_indirect_dma semaphore(%arg30 : memref<!tpu.dma_semaphore, #tpu.memory_space<semaphore_mem>>) src(%arg16 : memref<80xf32, #tpu.memory_space<vmem>>) dst(%dma_wait3A_337 : memref<10240xf32, #tpu.memory_space<vmem_shared>>)
      %add3A_338 = arith.constant 1 : i32
      %add3A_339 = arith.addi %add3A_332, %add3A_338 : i32
      %mul3A_340 = arith.constant 80 : i32
      %mul3A_341 = arith.muli %add3A_339, %mul3A_340 : i32
      %add3A_342 = arith.addi %add3A_6, %mul3A_341 : i32
      %dma_start3A_343 = tpu.memref_slice %arg3[%add3A_342] : memref<640000xi32, #tpu.memory_space<hbm>> -> memref<80xi32, #tpu.memory_space<hbm>>
      %dma_start3A_344 = tpu.memref_slice %arg3[%add3A_342] : memref<640000xi32, #tpu.memory_space<hbm>> -> memref<80xi32, #tpu.memory_space<hbm>>
      tpu.enqueue_dma source(%dma_start3A_344 : memref<80xi32, #tpu.memory_space<hbm>>) target(%arg12 : memref<80xi32, #tpu.memory_space<vmem>>) target_semaphore(%arg27 : memref<!tpu.dma_semaphore, #tpu.memory_space<semaphore_mem>>)
      %add3A_345 = arith.constant 1 : i32
      %add3A_346 = arith.addi %add3A_332, %add3A_345 : i32
      %mul3A_347 = arith.constant 80 : i32
      %mul3A_348 = arith.muli %add3A_346, %mul3A_347 : i32
      %dma_start3A_349 = tpu.memref_slice %arg9[%mul3A_348] : memref<10000xi32, #tpu.memory_space<vmem>> -> memref<80xi32, #tpu.memory_space<vmem>>
      %dma_start3A_350 = arith.constant 0 : i32
      %dma_start3A_351 = arith.constant 0 : i32
      %dma_start3A_352 = tpu.memref_slice %arg2[%dma_start3A_350, %dma_start3A_351] : memref<10000x128xf32, #tpu.memory_space<hbm>> -> memref<10000x128xf32, #tpu.memory_space<hbm>>
      tpu.enqueue_indirect_dma source(%dma_start3A_352 : memref<10000x128xf32, #tpu.memory_space<hbm>>) target(%arg15 : memref<80x128xf32, #tpu.memory_space<vmem>>) offsets(%dma_start3A_349 : memref<80xi32, #tpu.memory_space<vmem>>) semaphore(%arg21 : memref<!tpu.dma_semaphore, #tpu.memory_space<semaphore_mem>>)
      %dma_wait3A_353 = arith.constant 0 : i32
      %dma_wait3A_354 = tpu.memref_slice %arg9[%dma_wait3A_353] : memref<10000xi32, #tpu.memory_space<vmem>> -> memref<80xi32, #tpu.memory_space<vmem>>
      %dma_wait3A_355 = arith.constant 0 : i32
      %dma_wait3A_356 = arith.constant 0 : i32
      %dma_wait3A_357 = tpu.memref_slice %arg2[%dma_wait3A_355, %dma_wait3A_356] : memref<10000x128xf32, #tpu.memory_space<hbm>> -> memref<10000x128xf32, #tpu.memory_space<hbm>>
      tpu.wait_indirect_dma semaphore(%arg20 : memref<!tpu.dma_semaphore, #tpu.memory_space<semaphore_mem>>) src(%dma_wait3A_357 : memref<10000x128xf32, #tpu.memory_space<hbm>>) dst(%arg14 : memref<80x128xf32, #tpu.memory_space<vmem>>)
      %dma_wait3A_358 = arith.constant 0 : i32
      %dma_wait3A_359 = tpu.memref_slice %arg3[%dma_wait3A_358] : memref<640000xi32, #tpu.memory_space<hbm>> -> memref<80xi32, #tpu.memory_space<hbm>>
      %dma_wait3A_360 = arith.constant 0 : i32
      %dma_wait3A_361 = tpu.memref_slice %arg3[%dma_wait3A_360] : memref<640000xi32, #tpu.memory_space<hbm>> -> memref<80xi32, #tpu.memory_space<hbm>>
      tpu.wait_dma2 semaphore(%arg26 : memref<!tpu.dma_semaphore, #tpu.memory_space<semaphore_mem>>) src(%dma_wait3A_361 : memref<80xi32, #tpu.memory_space<hbm>>) dst(%arg11 : memref<80xi32, #tpu.memory_space<vmem>>)
      %dma_start3A_362 = arith.constant 0 : i32
      %dma_start3A_363 = arith.constant 0 : i32
      %dma_start3A_364 = tpu.memref_slice %arg17[%dma_start3A_362, %dma_start3A_363] : memref<10240x128xf32, #tpu.memory_space<vmem_shared>> -> memref<10240x128xf32, #tpu.memory_space<vmem_shared>>
      tpu.enqueue_indirect_dma source(%arg14 : memref<80x128xf32, #tpu.memory_space<vmem>>) target(%dma_start3A_364 : memref<10240x128xf32, #tpu.memory_space<vmem_shared>>) offsets(%arg11 : memref<80xi32, #tpu.memory_space<vmem>>) semaphore(%arg23 : memref<!tpu.dma_semaphore, #tpu.memory_space<semaphore_mem>>) {add = true}
      %dma_start3A_365 = arith.constant 0 : i32
      %dma_start3A_366 = tpu.memref_slice %arg18[%dma_start3A_365] : memref<10240xf32, #tpu.memory_space<vmem_shared>> -> memref<10240xf32, #tpu.memory_space<vmem_shared>>
      tpu.enqueue_indirect_dma source(%arg16 : memref<80xf32, #tpu.memory_space<vmem>>) target(%dma_start3A_366 : memref<10240xf32, #tpu.memory_space<vmem_shared>>) offsets(%arg11 : memref<80xi32, #tpu.memory_space<vmem>>) semaphore(%arg29 : memref<!tpu.dma_semaphore, #tpu.memory_space<semaphore_mem>>) {add = true}
      %add3A_367 = arith.constant 2 : i32
      %add3A_368 = arith.addi %mul3A_296, %add3A_367 : i32
      %dma_wait3A_369 = arith.constant 0 : i32
      %dma_wait3A_370 = arith.constant 0 : i32
      %dma_wait3A_371 = tpu.memref_slice %arg17[%dma_wait3A_369, %dma_wait3A_370] : memref<10240x128xf32, #tpu.memory_space<vmem_shared>> -> memref<10240x128xf32, #tpu.memory_space<vmem_shared>>
      tpu.wait_indirect_dma semaphore(%arg22 : memref<!tpu.dma_semaphore, #tpu.memory_space<semaphore_mem>>) src(%arg13 : memref<80x128xf32, #tpu.memory_space<vmem>>) dst(%dma_wait3A_371 : memref<10240x128xf32, #tpu.memory_space<vmem_shared>>)
      %dma_wait3A_372 = arith.constant 0 : i32
      %dma_wait3A_373 = tpu.memref_slice %arg18[%dma_wait3A_372] : memref<10240xf32, #tpu.memory_space<vmem_shared>> -> memref<10240xf32, #tpu.memory_space<vmem_shared>>
      tpu.wait_indirect_dma semaphore(%arg28 : memref<!tpu.dma_semaphore, #tpu.memory_space<semaphore_mem>>) src(%arg16 : memref<80xf32, #tpu.memory_space<vmem>>) dst(%dma_wait3A_373 : memref<10240xf32, #tpu.memory_space<vmem_shared>>)
      %add3A_374 = arith.constant 1 : i32
      %add3A_375 = arith.addi %add3A_368, %add3A_374 : i32
      %mul3A_376 = arith.constant 80 : i32
      %mul3A_377 = arith.muli %add3A_375, %mul3A_376 : i32
      %add3A_378 = arith.addi %add3A_6, %mul3A_377 : i32
      %dma_start3A_379 = tpu.memref_slice %arg3[%add3A_378] : memref<640000xi32, #tpu.memory_space<hbm>> -> memref<80xi32, #tpu.memory_space<hbm>>
      %dma_start3A_380 = tpu.memref_slice %arg3[%add3A_378] : memref<640000xi32, #tpu.memory_space<hbm>> -> memref<80xi32, #tpu.memory_space<hbm>>
      tpu.enqueue_dma source(%dma_start3A_380 : memref<80xi32, #tpu.memory_space<hbm>>) target(%arg10 : memref<80xi32, #tpu.memory_space<vmem>>) target_semaphore(%arg25 : memref<!tpu.dma_semaphore, #tpu.memory_space<semaphore_mem>>)
      %add3A_381 = arith.constant 1 : i32
      %add3A_382 = arith.addi %add3A_368, %add3A_381 : i32
      %mul3A_383 = arith.constant 80 : i32
      %mul3A_384 = arith.muli %add3A_382, %mul3A_383 : i32
      %dma_start3A_385 = tpu.memref_slice %arg9[%mul3A_384] : memref<10000xi32, #tpu.memory_space<vmem>> -> memref<80xi32, #tpu.memory_space<vmem>>
      %dma_start3A_386 = arith.constant 0 : i32
      %dma_start3A_387 = arith.constant 0 : i32
      %dma_start3A_388 = tpu.memref_slice %arg2[%dma_start3A_386, %dma_start3A_387] : memref<10000x128xf32, #tpu.memory_space<hbm>> -> memref<10000x128xf32, #tpu.memory_space<hbm>>
      tpu.enqueue_indirect_dma source(%dma_start3A_388 : memref<10000x128xf32, #tpu.memory_space<hbm>>) target(%arg13 : memref<80x128xf32, #tpu.memory_space<vmem>>) offsets(%dma_start3A_385 : memref<80xi32, #tpu.memory_space<vmem>>) semaphore(%arg19 : memref<!tpu.dma_semaphore, #tpu.memory_space<semaphore_mem>>)
      %dma_wait3A_389 = arith.constant 0 : i32
      %dma_wait3A_390 = tpu.memref_slice %arg9[%dma_wait3A_389] : memref<10000xi32, #tpu.memory_space<vmem>> -> memref<80xi32, #tpu.memory_space<vmem>>
      %dma_wait3A_391 = arith.constant 0 : i32
      %dma_wait3A_392 = arith.constant 0 : i32
      %dma_wait3A_393 = tpu.memref_slice %arg2[%dma_wait3A_391, %dma_wait3A_392] : memref<10000x128xf32, #tpu.memory_space<hbm>> -> memref<10000x128xf32, #tpu.memory_space<hbm>>
      tpu.wait_indirect_dma semaphore(%arg21 : memref<!tpu.dma_semaphore, #tpu.memory_space<semaphore_mem>>) src(%dma_wait3A_393 : memref<10000x128xf32, #tpu.memory_space<hbm>>) dst(%arg15 : memref<80x128xf32, #tpu.memory_space<vmem>>)
      %dma_wait3A_394 = arith.constant 0 : i32
      %dma_wait3A_395 = tpu.memref_slice %arg3[%dma_wait3A_394] : memref<640000xi32, #tpu.memory_space<hbm>> -> memref<80xi32, #tpu.memory_space<hbm>>
      %dma_wait3A_396 = arith.constant 0 : i32
      %dma_wait3A_397 = tpu.memref_slice %arg3[%dma_wait3A_396] : memref<640000xi32, #tpu.memory_space<hbm>> -> memref<80xi32, #tpu.memory_space<hbm>>
      tpu.wait_dma2 semaphore(%arg27 : memref<!tpu.dma_semaphore, #tpu.memory_space<semaphore_mem>>) src(%dma_wait3A_397 : memref<80xi32, #tpu.memory_space<hbm>>) dst(%arg12 : memref<80xi32, #tpu.memory_space<vmem>>)
      %dma_start3A_398 = arith.constant 0 : i32
      %dma_start3A_399 = arith.constant 0 : i32
      %dma_start3A_400 = tpu.memref_slice %arg17[%dma_start3A_398, %dma_start3A_399] : memref<10240x128xf32, #tpu.memory_space<vmem_shared>> -> memref<10240x128xf32, #tpu.memory_space<vmem_shared>>
      tpu.enqueue_indirect_dma source(%arg15 : memref<80x128xf32, #tpu.memory_space<vmem>>) target(%dma_start3A_400 : memref<10240x128xf32, #tpu.memory_space<vmem_shared>>) offsets(%arg12 : memref<80xi32, #tpu.memory_space<vmem>>) semaphore(%arg24 : memref<!tpu.dma_semaphore, #tpu.memory_space<semaphore_mem>>) {add = true}
      %dma_start3A_401 = arith.constant 0 : i32
      %dma_start3A_402 = tpu.memref_slice %arg18[%dma_start3A_401] : memref<10240xf32, #tpu.memory_space<vmem_shared>> -> memref<10240xf32, #tpu.memory_space<vmem_shared>>
      tpu.enqueue_indirect_dma source(%arg16 : memref<80xf32, #tpu.memory_space<vmem>>) target(%dma_start3A_402 : memref<10240xf32, #tpu.memory_space<vmem_shared>>) offsets(%arg12 : memref<80xi32, #tpu.memory_space<vmem>>) semaphore(%arg30 : memref<!tpu.dma_semaphore, #tpu.memory_space<semaphore_mem>>) {add = true}
    }
    %scan3A_132 = arith.constant 39 : i32
    %dma_wait3A_133 = arith.constant 0 : i32
    %dma_wait3A_134 = arith.constant 0 : i32
    %dma_wait3A_135 = tpu.memref_slice %arg17[%dma_wait3A_133, %dma_wait3A_134] : memref<10240x128xf32, #tpu.memory_space<vmem_shared>> -> memref<10240x128xf32, #tpu.memory_space<vmem_shared>>
    tpu.wait_indirect_dma semaphore(%arg23 : memref<!tpu.dma_semaphore, #tpu.memory_space<semaphore_mem>>) src(%arg14 : memref<80x128xf32, #tpu.memory_space<vmem>>) dst(%dma_wait3A_135 : memref<10240x128xf32, #tpu.memory_space<vmem_shared>>)
    %dma_wait3A_136 = arith.constant 0 : i32
    %dma_wait3A_137 = tpu.memref_slice %arg18[%dma_wait3A_136] : memref<10240xf32, #tpu.memory_space<vmem_shared>> -> memref<10240xf32, #tpu.memory_space<vmem_shared>>
    tpu.wait_indirect_dma semaphore(%arg29 : memref<!tpu.dma_semaphore, #tpu.memory_space<semaphore_mem>>) src(%arg16 : memref<80xf32, #tpu.memory_space<vmem>>) dst(%dma_wait3A_137 : memref<10240xf32, #tpu.memory_space<vmem_shared>>)
    %add3A_138 = arith.constant 9680 : i32
    %add3A_139 = arith.addi %add3A_6, %add3A_138 : i32
    %dma_start3A_140 = tpu.memref_slice %arg3[%add3A_139] : memref<640000xi32, #tpu.memory_space<hbm>> -> memref<80xi32, #tpu.memory_space<hbm>>
    %dma_start3A_141 = tpu.memref_slice %arg3[%add3A_139] : memref<640000xi32, #tpu.memory_space<hbm>> -> memref<80xi32, #tpu.memory_space<hbm>>
    tpu.enqueue_dma source(%dma_start3A_141 : memref<80xi32, #tpu.memory_space<hbm>>) target(%arg11 : memref<80xi32, #tpu.memory_space<vmem>>) target_semaphore(%arg26 : memref<!tpu.dma_semaphore, #tpu.memory_space<semaphore_mem>>)
    %dma_start3A_142 = arith.constant 9680 : i32
    %dma_start3A_143 = tpu.memref_slice %arg9[%dma_start3A_142] : memref<10000xi32, #tpu.memory_space<vmem>> -> memref<80xi32, #tpu.memory_space<vmem>>
    %dma_start3A_144 = arith.constant 0 : i32
    %dma_start3A_145 = arith.constant 0 : i32
    %dma_start3A_146 = tpu.memref_slice %arg2[%dma_start3A_144, %dma_start3A_145] : memref<10000x128xf32, #tpu.memory_space<hbm>> -> memref<10000x128xf32, #tpu.memory_space<hbm>>
    tpu.enqueue_indirect_dma source(%dma_start3A_146 : memref<10000x128xf32, #tpu.memory_space<hbm>>) target(%arg14 : memref<80x128xf32, #tpu.memory_space<vmem>>) offsets(%dma_start3A_143 : memref<80xi32, #tpu.memory_space<vmem>>) semaphore(%arg20 : memref<!tpu.dma_semaphore, #tpu.memory_space<semaphore_mem>>)
    %dma_wait3A_147 = arith.constant 0 : i32
    %dma_wait3A_148 = tpu.memref_slice %arg9[%dma_wait3A_147] : memref<10000xi32, #tpu.memory_space<vmem>> -> memref<80xi32, #tpu.memory_space<vmem>>
    %dma_wait3A_149 = arith.constant 0 : i32
    %dma_wait3A_150 = arith.constant 0 : i32
    %dma_wait3A_151 = tpu.memref_slice %arg2[%dma_wait3A_149, %dma_wait3A_150] : memref<10000x128xf32, #tpu.memory_space<hbm>> -> memref<10000x128xf32, #tpu.memory_space<hbm>>
    tpu.wait_indirect_dma semaphore(%arg19 : memref<!tpu.dma_semaphore, #tpu.memory_space<semaphore_mem>>) src(%dma_wait3A_151 : memref<10000x128xf32, #tpu.memory_space<hbm>>) dst(%arg13 : memref<80x128xf32, #tpu.memory_space<vmem>>)
    %dma_wait3A_152 = arith.constant 0 : i32
    %dma_wait3A_153 = tpu.memref_slice %arg3[%dma_wait3A_152] : memref<640000xi32, #tpu.memory_space<hbm>> -> memref<80xi32, #tpu.memory_space<hbm>>
    %dma_wait3A_154 = arith.constant 0 : i32
    %dma_wait3A_155 = tpu.memref_slice %arg3[%dma_wait3A_154] : memref<640000xi32, #tpu.memory_space<hbm>> -> memref<80xi32, #tpu.memory_space<hbm>>
    tpu.wait_dma2 semaphore(%arg25 : memref<!tpu.dma_semaphore, #tpu.memory_space<semaphore_mem>>) src(%dma_wait3A_155 : memref<80xi32, #tpu.memory_space<hbm>>) dst(%arg10 : memref<80xi32, #tpu.memory_space<vmem>>)
    %dma_start3A_156 = arith.constant 0 : i32
    %dma_start3A_157 = arith.constant 0 : i32
    %dma_start3A_158 = tpu.memref_slice %arg17[%dma_start3A_156, %dma_start3A_157] : memref<10240x128xf32, #tpu.memory_space<vmem_shared>> -> memref<10240x128xf32, #tpu.memory_space<vmem_shared>>
    tpu.enqueue_indirect_dma source(%arg13 : memref<80x128xf32, #tpu.memory_space<vmem>>) target(%dma_start3A_158 : memref<10240x128xf32, #tpu.memory_space<vmem_shared>>) offsets(%arg10 : memref<80xi32, #tpu.memory_space<vmem>>) semaphore(%arg22 : memref<!tpu.dma_semaphore, #tpu.memory_space<semaphore_mem>>) {add = true}
    %dma_start3A_159 = arith.constant 0 : i32
    %dma_start3A_160 = tpu.memref_slice %arg18[%dma_start3A_159] : memref<10240xf32, #tpu.memory_space<vmem_shared>> -> memref<10240xf32, #tpu.memory_space<vmem_shared>>
    tpu.enqueue_indirect_dma source(%arg16 : memref<80xf32, #tpu.memory_space<vmem>>) target(%dma_start3A_160 : memref<10240xf32, #tpu.memory_space<vmem_shared>>) offsets(%arg10 : memref<80xi32, #tpu.memory_space<vmem>>) semaphore(%arg28 : memref<!tpu.dma_semaphore, #tpu.memory_space<semaphore_mem>>) {add = true}
    %dma_wait3A_161 = arith.constant 0 : i32
    %dma_wait3A_162 = arith.constant 0 : i32
    %dma_wait3A_163 = tpu.memref_slice %arg17[%dma_wait3A_161, %dma_wait3A_162] : memref<10240x128xf32, #tpu.memory_space<vmem_shared>> -> memref<10240x128xf32, #tpu.memory_space<vmem_shared>>
    tpu.wait_indirect_dma semaphore(%arg24 : memref<!tpu.dma_semaphore, #tpu.memory_space<semaphore_mem>>) src(%arg15 : memref<80x128xf32, #tpu.memory_space<vmem>>) dst(%dma_wait3A_163 : memref<10240x128xf32, #tpu.memory_space<vmem_shared>>)
    %dma_wait3A_164 = arith.constant 0 : i32
    %dma_wait3A_165 = tpu.memref_slice %arg18[%dma_wait3A_164] : memref<10240xf32, #tpu.memory_space<vmem_shared>> -> memref<10240xf32, #tpu.memory_space<vmem_shared>>
    tpu.wait_indirect_dma semaphore(%arg30 : memref<!tpu.dma_semaphore, #tpu.memory_space<semaphore_mem>>) src(%arg16 : memref<80xf32, #tpu.memory_space<vmem>>) dst(%dma_wait3A_165 : memref<10240xf32, #tpu.memory_space<vmem_shared>>)
    %add3A_166 = arith.constant 9760 : i32
    %add3A_167 = arith.addi %add3A_6, %add3A_166 : i32
    %dma_start3A_168 = tpu.memref_slice %arg3[%add3A_167] : memref<640000xi32, #tpu.memory_space<hbm>> -> memref<80xi32, #tpu.memory_space<hbm>>
    %dma_start3A_169 = tpu.memref_slice %arg3[%add3A_167] : memref<640000xi32, #tpu.memory_space<hbm>> -> memref<80xi32, #tpu.memory_space<hbm>>
    tpu.enqueue_dma source(%dma_start3A_169 : memref<80xi32, #tpu.memory_space<hbm>>) target(%arg12 : memref<80xi32, #tpu.memory_space<vmem>>) target_semaphore(%arg27 : memref<!tpu.dma_semaphore, #tpu.memory_space<semaphore_mem>>)
    %dma_start3A_170 = arith.constant 9760 : i32
    %dma_start3A_171 = tpu.memref_slice %arg9[%dma_start3A_170] : memref<10000xi32, #tpu.memory_space<vmem>> -> memref<80xi32, #tpu.memory_space<vmem>>
    %dma_start3A_172 = arith.constant 0 : i32
    %dma_start3A_173 = arith.constant 0 : i32
    %dma_start3A_174 = tpu.memref_slice %arg2[%dma_start3A_172, %dma_start3A_173] : memref<10000x128xf32, #tpu.memory_space<hbm>> -> memref<10000x128xf32, #tpu.memory_space<hbm>>
    tpu.enqueue_indirect_dma source(%dma_start3A_174 : memref<10000x128xf32, #tpu.memory_space<hbm>>) target(%arg15 : memref<80x128xf32, #tpu.memory_space<vmem>>) offsets(%dma_start3A_171 : memref<80xi32, #tpu.memory_space<vmem>>) semaphore(%arg21 : memref<!tpu.dma_semaphore, #tpu.memory_space<semaphore_mem>>)
    %dma_wait3A_175 = arith.constant 0 : i32
    %dma_wait3A_176 = tpu.memref_slice %arg9[%dma_wait3A_175] : memref<10000xi32, #tpu.memory_space<vmem>> -> memref<80xi32, #tpu.memory_space<vmem>>
    %dma_wait3A_177 = arith.constant 0 : i32
    %dma_wait3A_178 = arith.constant 0 : i32
    %dma_wait3A_179 = tpu.memref_slice %arg2[%dma_wait3A_177, %dma_wait3A_178] : memref<10000x128xf32, #tpu.memory_space<hbm>> -> memref<10000x128xf32, #tpu.memory_space<hbm>>
    tpu.wait_indirect_dma semaphore(%arg20 : memref<!tpu.dma_semaphore, #tpu.memory_space<semaphore_mem>>) src(%dma_wait3A_179 : memref<10000x128xf32, #tpu.memory_space<hbm>>) dst(%arg14 : memref<80x128xf32, #tpu.memory_space<vmem>>)
    %dma_wait3A_180 = arith.constant 0 : i32
    %dma_wait3A_181 = tpu.memref_slice %arg3[%dma_wait3A_180] : memref<640000xi32, #tpu.memory_space<hbm>> -> memref<80xi32, #tpu.memory_space<hbm>>
    %dma_wait3A_182 = arith.constant 0 : i32
    %dma_wait3A_183 = tpu.memref_slice %arg3[%dma_wait3A_182] : memref<640000xi32, #tpu.memory_space<hbm>> -> memref<80xi32, #tpu.memory_space<hbm>>
    tpu.wait_dma2 semaphore(%arg26 : memref<!tpu.dma_semaphore, #tpu.memory_space<semaphore_mem>>) src(%dma_wait3A_183 : memref<80xi32, #tpu.memory_space<hbm>>) dst(%arg11 : memref<80xi32, #tpu.memory_space<vmem>>)
    %dma_start3A_184 = arith.constant 0 : i32
    %dma_start3A_185 = arith.constant 0 : i32
    %dma_start3A_186 = tpu.memref_slice %arg17[%dma_start3A_184, %dma_start3A_185] : memref<10240x128xf32, #tpu.memory_space<vmem_shared>> -> memref<10240x128xf32, #tpu.memory_space<vmem_shared>>
    tpu.enqueue_indirect_dma source(%arg14 : memref<80x128xf32, #tpu.memory_space<vmem>>) target(%dma_start3A_186 : memref<10240x128xf32, #tpu.memory_space<vmem_shared>>) offsets(%arg11 : memref<80xi32, #tpu.memory_space<vmem>>) semaphore(%arg23 : memref<!tpu.dma_semaphore, #tpu.memory_space<semaphore_mem>>) {add = true}
    %dma_start3A_187 = arith.constant 0 : i32
    %dma_start3A_188 = tpu.memref_slice %arg18[%dma_start3A_187] : memref<10240xf32, #tpu.memory_space<vmem_shared>> -> memref<10240xf32, #tpu.memory_space<vmem_shared>>
    tpu.enqueue_indirect_dma source(%arg16 : memref<80xf32, #tpu.memory_space<vmem>>) target(%dma_start3A_188 : memref<10240xf32, #tpu.memory_space<vmem_shared>>) offsets(%arg11 : memref<80xi32, #tpu.memory_space<vmem>>) semaphore(%arg29 : memref<!tpu.dma_semaphore, #tpu.memory_space<semaphore_mem>>) {add = true}
    %dma_wait3A_189 = arith.constant 0 : i32
    %dma_wait3A_190 = arith.constant 0 : i32
    %dma_wait3A_191 = tpu.memref_slice %arg17[%dma_wait3A_189, %dma_wait3A_190] : memref<10240x128xf32, #tpu.memory_space<vmem_shared>> -> memref<10240x128xf32, #tpu.memory_space<vmem_shared>>
    tpu.wait_indirect_dma semaphore(%arg22 : memref<!tpu.dma_semaphore, #tpu.memory_space<semaphore_mem>>) src(%arg13 : memref<80x128xf32, #tpu.memory_space<vmem>>) dst(%dma_wait3A_191 : memref<10240x128xf32, #tpu.memory_space<vmem_shared>>)
    %dma_wait3A_192 = arith.constant 0 : i32
    %dma_wait3A_193 = tpu.memref_slice %arg18[%dma_wait3A_192] : memref<10240xf32, #tpu.memory_space<vmem_shared>> -> memref<10240xf32, #tpu.memory_space<vmem_shared>>
    tpu.wait_indirect_dma semaphore(%arg28 : memref<!tpu.dma_semaphore, #tpu.memory_space<semaphore_mem>>) src(%arg16 : memref<80xf32, #tpu.memory_space<vmem>>) dst(%dma_wait3A_193 : memref<10240xf32, #tpu.memory_space<vmem_shared>>)
    %add3A_194 = arith.constant 9840 : i32
    %add3A_195 = arith.addi %add3A_6, %add3A_194 : i32
    %dma_start3A_196 = tpu.memref_slice %arg3[%add3A_195] : memref<640000xi32, #tpu.memory_space<hbm>> -> memref<80xi32, #tpu.memory_space<hbm>>
    %dma_start3A_197 = tpu.memref_slice %arg3[%add3A_195] : memref<640000xi32, #tpu.memory_space<hbm>> -> memref<80xi32, #tpu.memory_space<hbm>>
    tpu.enqueue_dma source(%dma_start3A_197 : memref<80xi32, #tpu.memory_space<hbm>>) target(%arg10 : memref<80xi32, #tpu.memory_space<vmem>>) target_semaphore(%arg25 : memref<!tpu.dma_semaphore, #tpu.memory_space<semaphore_mem>>)
    %dma_start3A_198 = arith.constant 9840 : i32
    %dma_start3A_199 = tpu.memref_slice %arg9[%dma_start3A_198] : memref<10000xi32, #tpu.memory_space<vmem>> -> memref<80xi32, #tpu.memory_space<vmem>>
    %dma_start3A_200 = arith.constant 0 : i32
    %dma_start3A_201 = arith.constant 0 : i32
    %dma_start3A_202 = tpu.memref_slice %arg2[%dma_start3A_200, %dma_start3A_201] : memref<10000x128xf32, #tpu.memory_space<hbm>> -> memref<10000x128xf32, #tpu.memory_space<hbm>>
    tpu.enqueue_indirect_dma source(%dma_start3A_202 : memref<10000x128xf32, #tpu.memory_space<hbm>>) target(%arg13 : memref<80x128xf32, #tpu.memory_space<vmem>>) offsets(%dma_start3A_199 : memref<80xi32, #tpu.memory_space<vmem>>) semaphore(%arg19 : memref<!tpu.dma_semaphore, #tpu.memory_space<semaphore_mem>>)
    %dma_wait3A_203 = arith.constant 0 : i32
    %dma_wait3A_204 = tpu.memref_slice %arg9[%dma_wait3A_203] : memref<10000xi32, #tpu.memory_space<vmem>> -> memref<80xi32, #tpu.memory_space<vmem>>
    %dma_wait3A_205 = arith.constant 0 : i32
    %dma_wait3A_206 = arith.constant 0 : i32
    %dma_wait3A_207 = tpu.memref_slice %arg2[%dma_wait3A_205, %dma_wait3A_206] : memref<10000x128xf32, #tpu.memory_space<hbm>> -> memref<10000x128xf32, #tpu.memory_space<hbm>>
    tpu.wait_indirect_dma semaphore(%arg21 : memref<!tpu.dma_semaphore, #tpu.memory_space<semaphore_mem>>) src(%dma_wait3A_207 : memref<10000x128xf32, #tpu.memory_space<hbm>>) dst(%arg15 : memref<80x128xf32, #tpu.memory_space<vmem>>)
    %dma_wait3A_208 = arith.constant 0 : i32
    %dma_wait3A_209 = tpu.memref_slice %arg3[%dma_wait3A_208] : memref<640000xi32, #tpu.memory_space<hbm>> -> memref<80xi32, #tpu.memory_space<hbm>>
    %dma_wait3A_210 = arith.constant 0 : i32
    %dma_wait3A_211 = tpu.memref_slice %arg3[%dma_wait3A_210] : memref<640000xi32, #tpu.memory_space<hbm>> -> memref<80xi32, #tpu.memory_space<hbm>>
    tpu.wait_dma2 semaphore(%arg27 : memref<!tpu.dma_semaphore, #tpu.memory_space<semaphore_mem>>) src(%dma_wait3A_211 : memref<80xi32, #tpu.memory_space<hbm>>) dst(%arg12 : memref<80xi32, #tpu.memory_space<vmem>>)
    %dma_start3A_212 = arith.constant 0 : i32
    %dma_start3A_213 = arith.constant 0 : i32
    %dma_start3A_214 = tpu.memref_slice %arg17[%dma_start3A_212, %dma_start3A_213] : memref<10240x128xf32, #tpu.memory_space<vmem_shared>> -> memref<10240x128xf32, #tpu.memory_space<vmem_shared>>
    tpu.enqueue_indirect_dma source(%arg15 : memref<80x128xf32, #tpu.memory_space<vmem>>) target(%dma_start3A_214 : memref<10240x128xf32, #tpu.memory_space<vmem_shared>>) offsets(%arg12 : memref<80xi32, #tpu.memory_space<vmem>>) semaphore(%arg24 : memref<!tpu.dma_semaphore, #tpu.memory_space<semaphore_mem>>) {add = true}
    %dma_start3A_215 = arith.constant 0 : i32
    %dma_start3A_216 = tpu.memref_slice %arg18[%dma_start3A_215] : memref<10240xf32, #tpu.memory_space<vmem_shared>> -> memref<10240xf32, #tpu.memory_space<vmem_shared>>
    tpu.enqueue_indirect_dma source(%arg16 : memref<80xf32, #tpu.memory_space<vmem>>) target(%dma_start3A_216 : memref<10240xf32, #tpu.memory_space<vmem_shared>>) offsets(%arg12 : memref<80xi32, #tpu.memory_space<vmem>>) semaphore(%arg30 : memref<!tpu.dma_semaphore, #tpu.memory_space<semaphore_mem>>) {add = true}
    %dma_wait3A_217 = arith.constant 0 : i32
    %dma_wait3A_218 = arith.constant 0 : i32
    %dma_wait3A_219 = tpu.memref_slice %arg17[%dma_wait3A_217, %dma_wait3A_218] : memref<10240x128xf32, #tpu.memory_space<vmem_shared>> -> memref<10240x128xf32, #tpu.memory_space<vmem_shared>>
    tpu.wait_indirect_dma semaphore(%arg23 : memref<!tpu.dma_semaphore, #tpu.memory_space<semaphore_mem>>) src(%arg14 : memref<80x128xf32, #tpu.memory_space<vmem>>) dst(%dma_wait3A_219 : memref<10240x128xf32, #tpu.memory_space<vmem_shared>>)
    %dma_wait3A_220 = arith.constant 0 : i32
    %dma_wait3A_221 = tpu.memref_slice %arg18[%dma_wait3A_220] : memref<10240xf32, #tpu.memory_space<vmem_shared>> -> memref<10240xf32, #tpu.memory_space<vmem_shared>>
    tpu.wait_indirect_dma semaphore(%arg29 : memref<!tpu.dma_semaphore, #tpu.memory_space<semaphore_mem>>) src(%arg16 : memref<80xf32, #tpu.memory_space<vmem>>) dst(%dma_wait3A_221 : memref<10240xf32, #tpu.memory_space<vmem_shared>>)
    %add3A_222 = arith.constant 9920 : i32
    %add3A_223 = arith.addi %add3A_6, %add3A_222 : i32
    %dma_start3A_224 = tpu.memref_slice %arg3[%add3A_223] : memref<640000xi32, #tpu.memory_space<hbm>> -> memref<80xi32, #tpu.memory_space<hbm>>
    %dma_start3A_225 = tpu.memref_slice %arg3[%add3A_223] : memref<640000xi32, #tpu.memory_space<hbm>> -> memref<80xi32, #tpu.memory_space<hbm>>
    tpu.enqueue_dma source(%dma_start3A_225 : memref<80xi32, #tpu.memory_space<hbm>>) target(%arg11 : memref<80xi32, #tpu.memory_space<vmem>>) target_semaphore(%arg26 : memref<!tpu.dma_semaphore, #tpu.memory_space<semaphore_mem>>)
    %dma_start3A_226 = arith.constant 9920 : i32
    %dma_start3A_227 = tpu.memref_slice %arg9[%dma_start3A_226] : memref<10000xi32, #tpu.memory_space<vmem>> -> memref<80xi32, #tpu.memory_space<vmem>>
    %dma_start3A_228 = arith.constant 0 : i32
    %dma_start3A_229 = arith.constant 0 : i32
    %dma_start3A_230 = tpu.memref_slice %arg2[%dma_start3A_228, %dma_start3A_229] : memref<10000x128xf32, #tpu.memory_space<hbm>> -> memref<10000x128xf32, #tpu.memory_space<hbm>>
    tpu.enqueue_indirect_dma source(%dma_start3A_230 : memref<10000x128xf32, #tpu.memory_space<hbm>>) target(%arg14 : memref<80x128xf32, #tpu.memory_space<vmem>>) offsets(%dma_start3A_227 : memref<80xi32, #tpu.memory_space<vmem>>) semaphore(%arg20 : memref<!tpu.dma_semaphore, #tpu.memory_space<semaphore_mem>>)
    %dma_wait3A_231 = arith.constant 0 : i32
    %dma_wait3A_232 = tpu.memref_slice %arg9[%dma_wait3A_231] : memref<10000xi32, #tpu.memory_space<vmem>> -> memref<80xi32, #tpu.memory_space<vmem>>
    %dma_wait3A_233 = arith.constant 0 : i32
    %dma_wait3A_234 = arith.constant 0 : i32
    %dma_wait3A_235 = tpu.memref_slice %arg2[%dma_wait3A_233, %dma_wait3A_234] : memref<10000x128xf32, #tpu.memory_space<hbm>> -> memref<10000x128xf32, #tpu.memory_space<hbm>>
    tpu.wait_indirect_dma semaphore(%arg19 : memref<!tpu.dma_semaphore, #tpu.memory_space<semaphore_mem>>) src(%dma_wait3A_235 : memref<10000x128xf32, #tpu.memory_space<hbm>>) dst(%arg13 : memref<80x128xf32, #tpu.memory_space<vmem>>)
    %dma_wait3A_236 = arith.constant 0 : i32
    %dma_wait3A_237 = tpu.memref_slice %arg3[%dma_wait3A_236] : memref<640000xi32, #tpu.memory_space<hbm>> -> memref<80xi32, #tpu.memory_space<hbm>>
    %dma_wait3A_238 = arith.constant 0 : i32
    %dma_wait3A_239 = tpu.memref_slice %arg3[%dma_wait3A_238] : memref<640000xi32, #tpu.memory_space<hbm>> -> memref<80xi32, #tpu.memory_space<hbm>>
    tpu.wait_dma2 semaphore(%arg25 : memref<!tpu.dma_semaphore, #tpu.memory_space<semaphore_mem>>) src(%dma_wait3A_239 : memref<80xi32, #tpu.memory_space<hbm>>) dst(%arg10 : memref<80xi32, #tpu.memory_space<vmem>>)
    %dma_start3A_240 = arith.constant 0 : i32
    %dma_start3A_241 = arith.constant 0 : i32
    %dma_start3A_242 = tpu.memref_slice %arg17[%dma_start3A_240, %dma_start3A_241] : memref<10240x128xf32, #tpu.memory_space<vmem_shared>> -> memref<10240x128xf32, #tpu.memory_space<vmem_shared>>
    tpu.enqueue_indirect_dma source(%arg13 : memref<80x128xf32, #tpu.memory_space<vmem>>) target(%dma_start3A_242 : memref<10240x128xf32, #tpu.memory_space<vmem_shared>>) offsets(%arg10 : memref<80xi32, #tpu.memory_space<vmem>>) semaphore(%arg22 : memref<!tpu.dma_semaphore, #tpu.memory_space<semaphore_mem>>) {add = true}
    %dma_start3A_243 = arith.constant 0 : i32
    %dma_start3A_244 = tpu.memref_slice %arg18[%dma_start3A_243] : memref<10240xf32, #tpu.memory_space<vmem_shared>> -> memref<10240xf32, #tpu.memory_space<vmem_shared>>
    tpu.enqueue_indirect_dma source(%arg16 : memref<80xf32, #tpu.memory_space<vmem>>) target(%dma_start3A_244 : memref<10240xf32, #tpu.memory_space<vmem_shared>>) offsets(%arg10 : memref<80xi32, #tpu.memory_space<vmem>>) semaphore(%arg28 : memref<!tpu.dma_semaphore, #tpu.memory_space<semaphore_mem>>) {add = true}
    %dma_wait3A_245 = arith.constant 0 : i32
    %dma_wait3A_246 = arith.constant 0 : i32
    %dma_wait3A_247 = tpu.memref_slice %arg17[%dma_wait3A_245, %dma_wait3A_246] : memref<10240x128xf32, #tpu.memory_space<vmem_shared>> -> memref<10240x128xf32, #tpu.memory_space<vmem_shared>>
    tpu.wait_indirect_dma semaphore(%arg24 : memref<!tpu.dma_semaphore, #tpu.memory_space<semaphore_mem>>) src(%arg15 : memref<80x128xf32, #tpu.memory_space<vmem>>) dst(%dma_wait3A_247 : memref<10240x128xf32, #tpu.memory_space<vmem_shared>>)
    %dma_wait3A_248 = arith.constant 0 : i32
    %dma_wait3A_249 = tpu.memref_slice %arg18[%dma_wait3A_248] : memref<10240xf32, #tpu.memory_space<vmem_shared>> -> memref<10240xf32, #tpu.memory_space<vmem_shared>>
    tpu.wait_indirect_dma semaphore(%arg30 : memref<!tpu.dma_semaphore, #tpu.memory_space<semaphore_mem>>) src(%arg16 : memref<80xf32, #tpu.memory_space<vmem>>) dst(%dma_wait3A_249 : memref<10240xf32, #tpu.memory_space<vmem_shared>>)
    %dma_wait3A_250 = arith.constant 0 : i32
    %dma_wait3A_251 = tpu.memref_slice %arg9[%dma_wait3A_250] : memref<10000xi32, #tpu.memory_space<vmem>> -> memref<80xi32, #tpu.memory_space<vmem>>
    %dma_wait3A_252 = arith.constant 0 : i32
    %dma_wait3A_253 = arith.constant 0 : i32
    %dma_wait3A_254 = tpu.memref_slice %arg2[%dma_wait3A_252, %dma_wait3A_253] : memref<10000x128xf32, #tpu.memory_space<hbm>> -> memref<10000x128xf32, #tpu.memory_space<hbm>>
    tpu.wait_indirect_dma semaphore(%arg20 : memref<!tpu.dma_semaphore, #tpu.memory_space<semaphore_mem>>) src(%dma_wait3A_254 : memref<10000x128xf32, #tpu.memory_space<hbm>>) dst(%arg14 : memref<80x128xf32, #tpu.memory_space<vmem>>)
    %dma_wait3A_255 = arith.constant 0 : i32
    %dma_wait3A_256 = tpu.memref_slice %arg3[%dma_wait3A_255] : memref<640000xi32, #tpu.memory_space<hbm>> -> memref<80xi32, #tpu.memory_space<hbm>>
    %dma_wait3A_257 = arith.constant 0 : i32
    %dma_wait3A_258 = tpu.memref_slice %arg3[%dma_wait3A_257] : memref<640000xi32, #tpu.memory_space<hbm>> -> memref<80xi32, #tpu.memory_space<hbm>>
    tpu.wait_dma2 semaphore(%arg26 : memref<!tpu.dma_semaphore, #tpu.memory_space<semaphore_mem>>) src(%dma_wait3A_258 : memref<80xi32, #tpu.memory_space<hbm>>) dst(%arg11 : memref<80xi32, #tpu.memory_space<vmem>>)
    %dma_start3A_259 = arith.constant 0 : i32
    %dma_start3A_260 = arith.constant 0 : i32
    %dma_start3A_261 = tpu.memref_slice %arg17[%dma_start3A_259, %dma_start3A_260] : memref<10240x128xf32, #tpu.memory_space<vmem_shared>> -> memref<10240x128xf32, #tpu.memory_space<vmem_shared>>
    tpu.enqueue_indirect_dma source(%arg14 : memref<80x128xf32, #tpu.memory_space<vmem>>) target(%dma_start3A_261 : memref<10240x128xf32, #tpu.memory_space<vmem_shared>>) offsets(%arg11 : memref<80xi32, #tpu.memory_space<vmem>>) semaphore(%arg23 : memref<!tpu.dma_semaphore, #tpu.memory_space<semaphore_mem>>) {add = true}
    %dma_start3A_262 = arith.constant 0 : i32
    %dma_start3A_263 = tpu.memref_slice %arg18[%dma_start3A_262] : memref<10240xf32, #tpu.memory_space<vmem_shared>> -> memref<10240xf32, #tpu.memory_space<vmem_shared>>
    tpu.enqueue_indirect_dma source(%arg16 : memref<80xf32, #tpu.memory_space<vmem>>) target(%dma_start3A_263 : memref<10240xf32, #tpu.memory_space<vmem_shared>>) offsets(%arg11 : memref<80xi32, #tpu.memory_space<vmem>>) semaphore(%arg29 : memref<!tpu.dma_semaphore, #tpu.memory_space<semaphore_mem>>) {add = true}
    %dma_wait3A_264 = arith.constant 0 : i32
    %dma_wait3A_265 = arith.constant 0 : i32
    %dma_wait3A_266 = tpu.memref_slice %arg17[%dma_wait3A_264, %dma_wait3A_265] : memref<10240x128xf32, #tpu.memory_space<vmem_shared>> -> memref<10240x128xf32, #tpu.memory_space<vmem_shared>>
    tpu.wait_indirect_dma semaphore(%arg22 : memref<!tpu.dma_semaphore, #tpu.memory_space<semaphore_mem>>) src(%arg13 : memref<80x128xf32, #tpu.memory_space<vmem>>) dst(%dma_wait3A_266 : memref<10240x128xf32, #tpu.memory_space<vmem_shared>>)
    %dma_wait3A_267 = arith.constant 0 : i32
    %dma_wait3A_268 = tpu.memref_slice %arg18[%dma_wait3A_267] : memref<10240xf32, #tpu.memory_space<vmem_shared>> -> memref<10240xf32, #tpu.memory_space<vmem_shared>>
    tpu.wait_indirect_dma semaphore(%arg28 : memref<!tpu.dma_semaphore, #tpu.memory_space<semaphore_mem>>) src(%arg16 : memref<80xf32, #tpu.memory_space<vmem>>) dst(%dma_wait3A_268 : memref<10240xf32, #tpu.memory_space<vmem_shared>>)
    %dma_wait3A_269 = arith.constant 0 : i32
    %dma_wait3A_270 = arith.constant 0 : i32
    %dma_wait3A_271 = tpu.memref_slice %arg17[%dma_wait3A_269, %dma_wait3A_270] : memref<10240x128xf32, #tpu.memory_space<vmem_shared>> -> memref<10240x128xf32, #tpu.memory_space<vmem_shared>>
    tpu.wait_indirect_dma semaphore(%arg23 : memref<!tpu.dma_semaphore, #tpu.memory_space<semaphore_mem>>) src(%arg14 : memref<80x128xf32, #tpu.memory_space<vmem>>) dst(%dma_wait3A_271 : memref<10240x128xf32, #tpu.memory_space<vmem_shared>>)
    %dma_wait3A_272 = arith.constant 0 : i32
    %dma_wait3A_273 = tpu.memref_slice %arg18[%dma_wait3A_272] : memref<10240xf32, #tpu.memory_space<vmem_shared>> -> memref<10240xf32, #tpu.memory_space<vmem_shared>>
    tpu.wait_indirect_dma semaphore(%arg29 : memref<!tpu.dma_semaphore, #tpu.memory_space<semaphore_mem>>) src(%arg16 : memref<80xf32, #tpu.memory_space<vmem>>) dst(%dma_wait3A_273 : memref<10240xf32, #tpu.memory_space<vmem_shared>>)
    %barrier3A_274 = arith.constant 0 : index
    tpu.barrier barrier_id(%barrier3A_274)
    %mul3A_275 = arith.constant 640 : i32
    %mul3A_276 = arith.muli %arg1, %mul3A_275 : i32
    %mul3A_277 = arith.constant 640 : i32
    %mul3A_278 = arith.muli %arg1, %mul3A_277 : i32
    "tpu.region"() ({
      %run_scoped3A = tpu.sem_alloc : memref<!tpu.dma_semaphore, #tpu.memory_space<semaphore_mem>>
      %dma_start3A_294 = arith.constant 0 : i32
      %dma_start3A_295 = tpu.memref_slice %arg6[%arg0, %mul3A_278, %dma_start3A_294] : memref<2x10240x128xf32, #tpu.memory_space<hbm>> -> memref<1x640x128xf32, #tpu.memory_space<hbm>>
      %dma_start3A_296 = tpu.memref_squeeze %dma_start3A_295 : memref<1x640x128xf32, #tpu.memory_space<hbm>> -> memref<640x128xf32, #tpu.memory_space<hbm>>
      %dma_start3A_297 = arith.constant 0 : i32
      %dma_start3A_298 = tpu.memref_slice %arg17[%mul3A_276, %dma_start3A_297] : memref<10240x128xf32, #tpu.memory_space<vmem_shared>> -> memref<640x128xf32, #tpu.memory_space<vmem_shared>>
      tpu.enqueue_dma source(%dma_start3A_298 : memref<640x128xf32, #tpu.memory_space<vmem_shared>>) target(%dma_start3A_296 : memref<640x128xf32, #tpu.memory_space<hbm>>) target_semaphore(%run_scoped3A : memref<!tpu.dma_semaphore, #tpu.memory_space<semaphore_mem>>)
      %dma_wait3A_299 = arith.constant 0 : i32
      %dma_wait3A_300 = tpu.memref_slice %arg6[%arg0, %mul3A_278, %dma_wait3A_299] : memref<2x10240x128xf32, #tpu.memory_space<hbm>> -> memref<1x640x128xf32, #tpu.memory_space<hbm>>
      %dma_wait3A_301 = tpu.memref_squeeze %dma_wait3A_300 : memref<1x640x128xf32, #tpu.memory_space<hbm>> -> memref<640x128xf32, #tpu.memory_space<hbm>>
      %dma_wait3A_302 = arith.constant 0 : i32
      %dma_wait3A_303 = tpu.memref_slice %arg17[%mul3A_276, %dma_wait3A_302] : memref<10240x128xf32, #tpu.memory_space<vmem_shared>> -> memref<640x128xf32, #tpu.memory_space<vmem_shared>>
      tpu.wait_dma2 semaphore(%run_scoped3A : memref<!tpu.dma_semaphore, #tpu.memory_space<semaphore_mem>>) src(%dma_wait3A_303 : memref<640x128xf32, #tpu.memory_space<vmem_shared>>) dst(%dma_wait3A_301 : memref<640x128xf32, #tpu.memory_space<hbm>>)
      tpu.yield
    }) : () -> ()
    %eq3A_279 = arith.constant 0 : i32
    %eq3A_280 = arith.cmpi eq, %arg1, %eq3A_279 : i32
    %eq3A_281 = arith.constant 0 : i32
    %eq3A_282 = arith.cmpi eq, %arg0, %eq3A_281 : i32
    %and3A = arith.andi %eq3A_280, %eq3A_282 : i1
    %convert_element_type3A_283 = arith.extui %and3A : i1 to i32
    %cond3A_284 = arith.constant 0 : i32
    %cond3A_285 = arith.cmpi ne, %convert_element_type3A_283, %cond3A_284 : i32
    scf.if %cond3A_285 {
      "tpu.region"() ({
        %run_scoped3A = tpu.sem_alloc : memref<!tpu.dma_semaphore, #tpu.memory_space<semaphore_mem>>
        tpu.enqueue_dma source(%arg18 : memref<10240xf32, #tpu.memory_space<vmem_shared>>) target(%arg7 : memref<10240xf32, #tpu.memory_space<hbm>>) target_semaphore(%run_scoped3A : memref<!tpu.dma_semaphore, #tpu.memory_space<semaphore_mem>>)
        tpu.wait_dma2 semaphore(%run_scoped3A : memref<!tpu.dma_semaphore, #tpu.memory_space<semaphore_mem>>) src(%arg18 : memref<10240xf32, #tpu.memory_space<vmem_shared>>) dst(%arg7 : memref<10240xf32, #tpu.memory_space<hbm>>)
        tpu.yield
      }) : () -> ()
    } else {
    }
    %eq3A_286 = arith.constant 0 : i32
    %eq3A_287 = arith.cmpi eq, %arg1, %eq3A_286 : i32
    %eq3A_288 = arith.constant 1 : i32
    %eq3A_289 = arith.cmpi eq, %arg0, %eq3A_288 : i32
    %and3A_290 = arith.andi %eq3A_287, %eq3A_289 : i1
    %convert_element_type3A_291 = arith.extui %and3A_290 : i1 to i32
    %cond3A_292 = arith.constant 0 : i32
    %cond3A_293 = arith.cmpi ne, %convert_element_type3A_291, %cond3A_292 : i32
    scf.if %cond3A_293 {
      "tpu.region"() ({
        %run_scoped3A = tpu.sem_alloc : memref<!tpu.dma_semaphore, #tpu.memory_space<semaphore_mem>>
        tpu.enqueue_dma source(%arg18 : memref<10240xf32, #tpu.memory_space<vmem_shared>>) target(%arg8 : memref<10240xf32, #tpu.memory_space<hbm>>) target_semaphore(%run_scoped3A : memref<!tpu.dma_semaphore, #tpu.memory_space<semaphore_mem>>)
        tpu.wait_dma2 semaphore(%run_scoped3A : memref<!tpu.dma_semaphore, #tpu.memory_space<semaphore_mem>>) src(%arg18 : memref<10240xf32, #tpu.memory_space<vmem_shared>>) dst(%arg8 : memref<10240xf32, #tpu.memory_space<hbm>>)
        tpu.yield
      }) : () -> ()
    } else {
    }
    return
  }
}

#map = affine_map<(d0, d1) -> (0, 0)>
#map1 = affine_map<(d0, d1) -> (0)>
#map2 = affine_map<(d0, d1) -> (0, 0, 0)>
module attributes {stable_mosaic.version = 14 : i64} {
  func.func @agg(%arg0: i32, %arg1: i32, %arg2: memref<10000x128xf32, #tpu.memory_space<hbm>>, %arg3: memref<640000xi32, #tpu.memory_space<hbm>>, %arg4: memref<640x128xf32, #tpu.memory_space<hbm>>, %arg5: memref<10240xf32, #tpu.memory_space<hbm>>, %arg6: memref<2x10240x128xf32, #tpu.memory_space<hbm>>, %arg7: memref<10000xi32, #tpu.memory_space<vmem>>, %arg8: memref<80xi32, #tpu.memory_space<vmem>>, %arg9: memref<80xi32, #tpu.memory_space<vmem>>, %arg10: memref<80xi32, #tpu.memory_space<vmem>>, %arg11: memref<80x128xf32, #tpu.memory_space<vmem>>, %arg12: memref<80x128xf32, #tpu.memory_space<vmem>>, %arg13: memref<80x128xf32, #tpu.memory_space<vmem>>, %arg14: memref<80xf32, #tpu.memory_space<vmem>>, %arg15: memref<10240x128xf32, #tpu.memory_space<vmem_shared>>, %arg16: memref<10240xf32, #tpu.memory_space<vmem_shared>>, %arg17: memref<!tpu.dma_semaphore, #tpu.memory_space<semaphore_mem>>, %arg18: memref<!tpu.dma_semaphore, #tpu.memory_space<semaphore_mem>>, %arg19: memref<!tpu.dma_semaphore, #tpu.memory_space<semaphore_mem>>, %arg20: memref<!tpu.dma_semaphore, #tpu.memory_space<semaphore_mem>>, %arg21: memref<!tpu.dma_semaphore, #tpu.memory_space<semaphore_mem>>, %arg22: memref<!tpu.dma_semaphore, #tpu.memory_space<semaphore_mem>>, %arg23: memref<!tpu.dma_semaphore, #tpu.memory_space<semaphore_mem>>, %arg24: memref<!tpu.dma_semaphore, #tpu.memory_space<semaphore_mem>>, %arg25: memref<!tpu.dma_semaphore, #tpu.memory_space<semaphore_mem>>, %arg26: memref<!tpu.dma_semaphore, #tpu.memory_space<semaphore_mem>>, %arg27: memref<!tpu.dma_semaphore, #tpu.memory_space<semaphore_mem>>, %arg28: memref<!tpu.dma_semaphore, #tpu.memory_space<semaphore_mem>>) attributes {dimension_semantics = [#tpu.dimension_semantics<core_parallel>, #tpu.dimension_semantics<subcore_parallel>], iteration_bounds = array<i64: 2, 16>, scalar_prefetch = 0 : i64, scratch_operands = 22 : i64, tpu.core_type = #tpu.core_type<sc_vector_subcore>, window_params = [{transform_indices = #map}, {transform_indices = #map1}, {transform_indices = #map}, {transform_indices = #map1}, {transform_indices = #map2}]} {
    %mul3A = arith.constant 16 : i32
    %mul3A_0 = arith.muli %arg0, %mul3A : i32
    %add3A = arith.addi %mul3A_0, %arg1 : i32
    %mul3A_1 = arith.constant 10000 : i32
    %mul3A_2 = arith.muli %add3A, %mul3A_1 : i32
    %mul3A_3 = arith.constant 10000 : i32
    %mul3A_4 = arith.muli %add3A, %mul3A_3 : i32
    %add3A_5 = arith.constant 320000 : i32
    %add3A_6 = arith.addi %add3A_5, %mul3A_4 : i32
    %mul3A_7 = arith.constant 640 : i32
    %mul3A_8 = arith.muli %arg1, %mul3A_7 : i32
    %dma_start3A = arith.constant 0 : i32
    %dma_start3A_9 = tpu.memref_slice %arg15[%mul3A_8, %dma_start3A] : memref<10240x128xf32, #tpu.memory_space<vmem_shared>> -> memref<640x128xf32, #tpu.memory_space<vmem_shared>>
    tpu.enqueue_dma source(%arg4 : memref<640x128xf32, #tpu.memory_space<hbm>>) target(%dma_start3A_9 : memref<640x128xf32, #tpu.memory_space<vmem_shared>>) target_semaphore(%arg17 : memref<!tpu.dma_semaphore, #tpu.memory_space<semaphore_mem>>)
    %dma_start3A_10 = tpu.memref_slice %arg3[%mul3A_2] : memref<640000xi32, #tpu.memory_space<hbm>> -> memref<10000xi32, #tpu.memory_space<hbm>>
    %dma_start3A_11 = tpu.memref_slice %arg3[%mul3A_2] : memref<640000xi32, #tpu.memory_space<hbm>> -> memref<10000xi32, #tpu.memory_space<hbm>>
    tpu.enqueue_dma source(%dma_start3A_11 : memref<10000xi32, #tpu.memory_space<hbm>>) target(%arg7 : memref<10000xi32, #tpu.memory_space<vmem>>) target_semaphore(%arg18 : memref<!tpu.dma_semaphore, #tpu.memory_space<semaphore_mem>>)
    %dma_wait3A = arith.constant 0 : i32
    %dma_wait3A_12 = tpu.memref_slice %arg15[%mul3A_8, %dma_wait3A] : memref<10240x128xf32, #tpu.memory_space<vmem_shared>> -> memref<640x128xf32, #tpu.memory_space<vmem_shared>>
    tpu.wait_dma2 semaphore(%arg17 : memref<!tpu.dma_semaphore, #tpu.memory_space<semaphore_mem>>) src(%arg4 : memref<640x128xf32, #tpu.memory_space<hbm>>) dst(%dma_wait3A_12 : memref<640x128xf32, #tpu.memory_space<vmem_shared>>)
    %dma_wait3A_13 = tpu.memref_slice %arg3[%mul3A_2] : memref<640000xi32, #tpu.memory_space<hbm>> -> memref<10000xi32, #tpu.memory_space<hbm>>
    %dma_wait3A_14 = tpu.memref_slice %arg3[%mul3A_2] : memref<640000xi32, #tpu.memory_space<hbm>> -> memref<10000xi32, #tpu.memory_space<hbm>>
    tpu.wait_dma2 semaphore(%arg18 : memref<!tpu.dma_semaphore, #tpu.memory_space<semaphore_mem>>) src(%dma_wait3A_14 : memref<10000xi32, #tpu.memory_space<hbm>>) dst(%arg7 : memref<10000xi32, #tpu.memory_space<vmem>>)
    %barrier3A = arith.constant 0 : index
    tpu.barrier barrier_id(%barrier3A)
    %add3A_15 = arith.constant 0 : i32
    %add3A_16 = arith.addi %add3A_6, %add3A_15 : i32
    %dma_start3A_17 = tpu.memref_slice %arg3[%add3A_16] : memref<640000xi32, #tpu.memory_space<hbm>> -> memref<80xi32, #tpu.memory_space<hbm>>
    %dma_start3A_18 = tpu.memref_slice %arg3[%add3A_16] : memref<640000xi32, #tpu.memory_space<hbm>> -> memref<80xi32, #tpu.memory_space<hbm>>
    tpu.enqueue_dma source(%dma_start3A_18 : memref<80xi32, #tpu.memory_space<hbm>>) target(%arg8 : memref<80xi32, #tpu.memory_space<vmem>>) target_semaphore(%arg23 : memref<!tpu.dma_semaphore, #tpu.memory_space<semaphore_mem>>)
    %dma_start3A_19 = arith.constant 0 : i32
    %dma_start3A_20 = tpu.memref_slice %arg7[%dma_start3A_19] : memref<10000xi32, #tpu.memory_space<vmem>> -> memref<80xi32, #tpu.memory_space<vmem>>
    %dma_start3A_21 = arith.constant 0 : i32
    %dma_start3A_22 = arith.constant 0 : i32
    %dma_start3A_23 = tpu.memref_slice %arg2[%dma_start3A_21, %dma_start3A_22] : memref<10000x128xf32, #tpu.memory_space<hbm>> -> memref<10000x128xf32, #tpu.memory_space<hbm>>
    tpu.enqueue_indirect_dma source(%dma_start3A_23 : memref<10000x128xf32, #tpu.memory_space<hbm>>) target(%arg11 : memref<80x128xf32, #tpu.memory_space<vmem>>) offsets(%dma_start3A_20 : memref<80xi32, #tpu.memory_space<vmem>>) semaphore(%arg17 : memref<!tpu.dma_semaphore, #tpu.memory_space<semaphore_mem>>)
    %add3A_24 = arith.constant 80 : i32
    %add3A_25 = arith.addi %add3A_6, %add3A_24 : i32
    %dma_start3A_26 = tpu.memref_slice %arg3[%add3A_25] : memref<640000xi32, #tpu.memory_space<hbm>> -> memref<80xi32, #tpu.memory_space<hbm>>
    %dma_start3A_27 = tpu.memref_slice %arg3[%add3A_25] : memref<640000xi32, #tpu.memory_space<hbm>> -> memref<80xi32, #tpu.memory_space<hbm>>
    tpu.enqueue_dma source(%dma_start3A_27 : memref<80xi32, #tpu.memory_space<hbm>>) target(%arg9 : memref<80xi32, #tpu.memory_space<vmem>>) target_semaphore(%arg24 : memref<!tpu.dma_semaphore, #tpu.memory_space<semaphore_mem>>)
    %dma_start3A_28 = arith.constant 80 : i32
    %dma_start3A_29 = tpu.memref_slice %arg7[%dma_start3A_28] : memref<10000xi32, #tpu.memory_space<vmem>> -> memref<80xi32, #tpu.memory_space<vmem>>
    %dma_start3A_30 = arith.constant 0 : i32
    %dma_start3A_31 = arith.constant 0 : i32
    %dma_start3A_32 = tpu.memref_slice %arg2[%dma_start3A_30, %dma_start3A_31] : memref<10000x128xf32, #tpu.memory_space<hbm>> -> memref<10000x128xf32, #tpu.memory_space<hbm>>
    tpu.enqueue_indirect_dma source(%dma_start3A_32 : memref<10000x128xf32, #tpu.memory_space<hbm>>) target(%arg12 : memref<80x128xf32, #tpu.memory_space<vmem>>) offsets(%dma_start3A_29 : memref<80xi32, #tpu.memory_space<vmem>>) semaphore(%arg18 : memref<!tpu.dma_semaphore, #tpu.memory_space<semaphore_mem>>)
    %dma_wait3A_33 = arith.constant 0 : i32
    %dma_wait3A_34 = tpu.memref_slice %arg7[%dma_wait3A_33] : memref<10000xi32, #tpu.memory_space<vmem>> -> memref<80xi32, #tpu.memory_space<vmem>>
    %dma_wait3A_35 = arith.constant 0 : i32
    %dma_wait3A_36 = arith.constant 0 : i32
    %dma_wait3A_37 = tpu.memref_slice %arg2[%dma_wait3A_35, %dma_wait3A_36] : memref<10000x128xf32, #tpu.memory_space<hbm>> -> memref<10000x128xf32, #tpu.memory_space<hbm>>
    tpu.wait_indirect_dma semaphore(%arg17 : memref<!tpu.dma_semaphore, #tpu.memory_space<semaphore_mem>>) src(%dma_wait3A_37 : memref<10000x128xf32, #tpu.memory_space<hbm>>) dst(%arg11 : memref<80x128xf32, #tpu.memory_space<vmem>>)
    %dma_wait3A_38 = arith.constant 0 : i32
    %dma_wait3A_39 = tpu.memref_slice %arg3[%dma_wait3A_38] : memref<640000xi32, #tpu.memory_space<hbm>> -> memref<80xi32, #tpu.memory_space<hbm>>
    %dma_wait3A_40 = arith.constant 0 : i32
    %dma_wait3A_41 = tpu.memref_slice %arg3[%dma_wait3A_40] : memref<640000xi32, #tpu.memory_space<hbm>> -> memref<80xi32, #tpu.memory_space<hbm>>
    tpu.wait_dma2 semaphore(%arg23 : memref<!tpu.dma_semaphore, #tpu.memory_space<semaphore_mem>>) src(%dma_wait3A_41 : memref<80xi32, #tpu.memory_space<hbm>>) dst(%arg8 : memref<80xi32, #tpu.memory_space<vmem>>)
    %dma_start3A_42 = arith.constant 0 : i32
    %dma_start3A_43 = arith.constant 0 : i32
    %dma_start3A_44 = tpu.memref_slice %arg15[%dma_start3A_42, %dma_start3A_43] : memref<10240x128xf32, #tpu.memory_space<vmem_shared>> -> memref<10240x128xf32, #tpu.memory_space<vmem_shared>>
    tpu.enqueue_indirect_dma source(%arg11 : memref<80x128xf32, #tpu.memory_space<vmem>>) target(%dma_start3A_44 : memref<10240x128xf32, #tpu.memory_space<vmem_shared>>) offsets(%arg8 : memref<80xi32, #tpu.memory_space<vmem>>) semaphore(%arg20 : memref<!tpu.dma_semaphore, #tpu.memory_space<semaphore_mem>>) {add = true}
    %add3A_45 = arith.constant 160 : i32
    %add3A_46 = arith.addi %add3A_6, %add3A_45 : i32
    %dma_start3A_47 = tpu.memref_slice %arg3[%add3A_46] : memref<640000xi32, #tpu.memory_space<hbm>> -> memref<80xi32, #tpu.memory_space<hbm>>
    %dma_start3A_48 = tpu.memref_slice %arg3[%add3A_46] : memref<640000xi32, #tpu.memory_space<hbm>> -> memref<80xi32, #tpu.memory_space<hbm>>
    tpu.enqueue_dma source(%dma_start3A_48 : memref<80xi32, #tpu.memory_space<hbm>>) target(%arg10 : memref<80xi32, #tpu.memory_space<vmem>>) target_semaphore(%arg25 : memref<!tpu.dma_semaphore, #tpu.memory_space<semaphore_mem>>)
    %dma_start3A_49 = arith.constant 160 : i32
    %dma_start3A_50 = tpu.memref_slice %arg7[%dma_start3A_49] : memref<10000xi32, #tpu.memory_space<vmem>> -> memref<80xi32, #tpu.memory_space<vmem>>
    %dma_start3A_51 = arith.constant 0 : i32
    %dma_start3A_52 = arith.constant 0 : i32
    %dma_start3A_53 = tpu.memref_slice %arg2[%dma_start3A_51, %dma_start3A_52] : memref<10000x128xf32, #tpu.memory_space<hbm>> -> memref<10000x128xf32, #tpu.memory_space<hbm>>
    tpu.enqueue_indirect_dma source(%dma_start3A_53 : memref<10000x128xf32, #tpu.memory_space<hbm>>) target(%arg13 : memref<80x128xf32, #tpu.memory_space<vmem>>) offsets(%dma_start3A_50 : memref<80xi32, #tpu.memory_space<vmem>>) semaphore(%arg19 : memref<!tpu.dma_semaphore, #tpu.memory_space<semaphore_mem>>)
    %dma_wait3A_54 = arith.constant 0 : i32
    %dma_wait3A_55 = tpu.memref_slice %arg7[%dma_wait3A_54] : memref<10000xi32, #tpu.memory_space<vmem>> -> memref<80xi32, #tpu.memory_space<vmem>>
    %dma_wait3A_56 = arith.constant 0 : i32
    %dma_wait3A_57 = arith.constant 0 : i32
    %dma_wait3A_58 = tpu.memref_slice %arg2[%dma_wait3A_56, %dma_wait3A_57] : memref<10000x128xf32, #tpu.memory_space<hbm>> -> memref<10000x128xf32, #tpu.memory_space<hbm>>
    tpu.wait_indirect_dma semaphore(%arg18 : memref<!tpu.dma_semaphore, #tpu.memory_space<semaphore_mem>>) src(%dma_wait3A_58 : memref<10000x128xf32, #tpu.memory_space<hbm>>) dst(%arg12 : memref<80x128xf32, #tpu.memory_space<vmem>>)
    %dma_wait3A_59 = arith.constant 0 : i32
    %dma_wait3A_60 = tpu.memref_slice %arg3[%dma_wait3A_59] : memref<640000xi32, #tpu.memory_space<hbm>> -> memref<80xi32, #tpu.memory_space<hbm>>
    %dma_wait3A_61 = arith.constant 0 : i32
    %dma_wait3A_62 = tpu.memref_slice %arg3[%dma_wait3A_61] : memref<640000xi32, #tpu.memory_space<hbm>> -> memref<80xi32, #tpu.memory_space<hbm>>
    tpu.wait_dma2 semaphore(%arg24 : memref<!tpu.dma_semaphore, #tpu.memory_space<semaphore_mem>>) src(%dma_wait3A_62 : memref<80xi32, #tpu.memory_space<hbm>>) dst(%arg9 : memref<80xi32, #tpu.memory_space<vmem>>)
    %dma_start3A_63 = arith.constant 0 : i32
    %dma_start3A_64 = arith.constant 0 : i32
    %dma_start3A_65 = tpu.memref_slice %arg15[%dma_start3A_63, %dma_start3A_64] : memref<10240x128xf32, #tpu.memory_space<vmem_shared>> -> memref<10240x128xf32, #tpu.memory_space<vmem_shared>>
    tpu.enqueue_indirect_dma source(%arg12 : memref<80x128xf32, #tpu.memory_space<vmem>>) target(%dma_start3A_65 : memref<10240x128xf32, #tpu.memory_space<vmem_shared>>) offsets(%arg9 : memref<80xi32, #tpu.memory_space<vmem>>) semaphore(%arg21 : memref<!tpu.dma_semaphore, #tpu.memory_space<semaphore_mem>>) {add = true}
    %dma_wait3A_66 = arith.constant 0 : i32
    %dma_wait3A_67 = arith.constant 0 : i32
    %dma_wait3A_68 = tpu.memref_slice %arg15[%dma_wait3A_66, %dma_wait3A_67] : memref<10240x128xf32, #tpu.memory_space<vmem_shared>> -> memref<10240x128xf32, #tpu.memory_space<vmem_shared>>
    tpu.wait_indirect_dma semaphore(%arg20 : memref<!tpu.dma_semaphore, #tpu.memory_space<semaphore_mem>>) src(%arg11 : memref<80x128xf32, #tpu.memory_space<vmem>>) dst(%dma_wait3A_68 : memref<10240x128xf32, #tpu.memory_space<vmem_shared>>)
    %add3A_69 = arith.constant 240 : i32
    %add3A_70 = arith.addi %add3A_6, %add3A_69 : i32
    %dma_start3A_71 = tpu.memref_slice %arg3[%add3A_70] : memref<640000xi32, #tpu.memory_space<hbm>> -> memref<80xi32, #tpu.memory_space<hbm>>
    %dma_start3A_72 = tpu.memref_slice %arg3[%add3A_70] : memref<640000xi32, #tpu.memory_space<hbm>> -> memref<80xi32, #tpu.memory_space<hbm>>
    tpu.enqueue_dma source(%dma_start3A_72 : memref<80xi32, #tpu.memory_space<hbm>>) target(%arg8 : memref<80xi32, #tpu.memory_space<vmem>>) target_semaphore(%arg23 : memref<!tpu.dma_semaphore, #tpu.memory_space<semaphore_mem>>)
    %dma_start3A_73 = arith.constant 240 : i32
    %dma_start3A_74 = tpu.memref_slice %arg7[%dma_start3A_73] : memref<10000xi32, #tpu.memory_space<vmem>> -> memref<80xi32, #tpu.memory_space<vmem>>
    %dma_start3A_75 = arith.constant 0 : i32
    %dma_start3A_76 = arith.constant 0 : i32
    %dma_start3A_77 = tpu.memref_slice %arg2[%dma_start3A_75, %dma_start3A_76] : memref<10000x128xf32, #tpu.memory_space<hbm>> -> memref<10000x128xf32, #tpu.memory_space<hbm>>
    tpu.enqueue_indirect_dma source(%dma_start3A_77 : memref<10000x128xf32, #tpu.memory_space<hbm>>) target(%arg11 : memref<80x128xf32, #tpu.memory_space<vmem>>) offsets(%dma_start3A_74 : memref<80xi32, #tpu.memory_space<vmem>>) semaphore(%arg17 : memref<!tpu.dma_semaphore, #tpu.memory_space<semaphore_mem>>)
    %dma_wait3A_78 = arith.constant 0 : i32
    %dma_wait3A_79 = tpu.memref_slice %arg7[%dma_wait3A_78] : memref<10000xi32, #tpu.memory_space<vmem>> -> memref<80xi32, #tpu.memory_space<vmem>>
    %dma_wait3A_80 = arith.constant 0 : i32
    %dma_wait3A_81 = arith.constant 0 : i32
    %dma_wait3A_82 = tpu.memref_slice %arg2[%dma_wait3A_80, %dma_wait3A_81] : memref<10000x128xf32, #tpu.memory_space<hbm>> -> memref<10000x128xf32, #tpu.memory_space<hbm>>
    tpu.wait_indirect_dma semaphore(%arg19 : memref<!tpu.dma_semaphore, #tpu.memory_space<semaphore_mem>>) src(%dma_wait3A_82 : memref<10000x128xf32, #tpu.memory_space<hbm>>) dst(%arg13 : memref<80x128xf32, #tpu.memory_space<vmem>>)
    %dma_wait3A_83 = arith.constant 0 : i32
    %dma_wait3A_84 = tpu.memref_slice %arg3[%dma_wait3A_83] : memref<640000xi32, #tpu.memory_space<hbm>> -> memref<80xi32, #tpu.memory_space<hbm>>
    %dma_wait3A_85 = arith.constant 0 : i32
    %dma_wait3A_86 = tpu.memref_slice %arg3[%dma_wait3A_85] : memref<640000xi32, #tpu.memory_space<hbm>> -> memref<80xi32, #tpu.memory_space<hbm>>
    tpu.wait_dma2 semaphore(%arg25 : memref<!tpu.dma_semaphore, #tpu.memory_space<semaphore_mem>>) src(%dma_wait3A_86 : memref<80xi32, #tpu.memory_space<hbm>>) dst(%arg10 : memref<80xi32, #tpu.memory_space<vmem>>)
    %dma_start3A_87 = arith.constant 0 : i32
    %dma_start3A_88 = arith.constant 0 : i32
    %dma_start3A_89 = tpu.memref_slice %arg15[%dma_start3A_87, %dma_start3A_88] : memref<10240x128xf32, #tpu.memory_space<vmem_shared>> -> memref<10240x128xf32, #tpu.memory_space<vmem_shared>>
    tpu.enqueue_indirect_dma source(%arg13 : memref<80x128xf32, #tpu.memory_space<vmem>>) target(%dma_start3A_89 : memref<10240x128xf32, #tpu.memory_space<vmem_shared>>) offsets(%arg10 : memref<80xi32, #tpu.memory_space<vmem>>) semaphore(%arg22 : memref<!tpu.dma_semaphore, #tpu.memory_space<semaphore_mem>>) {add = true}
    %scan3A = arith.constant 0 : i32
    %scan3A_90 = arith.constant 1 : i32
    %scan3A_91 = arith.constant 39 : i32
    %scan3A_92 = arith.addi %scan3A_90, %scan3A_91 : i32
    %scan3A_93 = arith.constant 1 : i32
    scf.for %scan3A_217 = %scan3A_90 to %scan3A_92 step %scan3A_93  : i32 {
      %mul3A_218 = arith.constant 3 : i32
      %mul3A_219 = arith.muli %mul3A_218, %scan3A_217 : i32
      %dma_wait3A_220 = arith.constant 0 : i32
      %dma_wait3A_221 = arith.constant 0 : i32
      %dma_wait3A_222 = tpu.memref_slice %arg15[%dma_wait3A_220, %dma_wait3A_221] : memref<10240x128xf32, #tpu.memory_space<vmem_shared>> -> memref<10240x128xf32, #tpu.memory_space<vmem_shared>>
      tpu.wait_indirect_dma semaphore(%arg21 : memref<!tpu.dma_semaphore, #tpu.memory_space<semaphore_mem>>) src(%arg12 : memref<80x128xf32, #tpu.memory_space<vmem>>) dst(%dma_wait3A_222 : memref<10240x128xf32, #tpu.memory_space<vmem_shared>>)
      %add3A_223 = arith.constant 1 : i32
      %add3A_224 = arith.addi %mul3A_219, %add3A_223 : i32
      %mul3A_225 = arith.constant 80 : i32
      %mul3A_226 = arith.muli %add3A_224, %mul3A_225 : i32
      %add3A_227 = arith.addi %add3A_6, %mul3A_226 : i32
      %dma_start3A_228 = tpu.memref_slice %arg3[%add3A_227] : memref<640000xi32, #tpu.memory_space<hbm>> -> memref<80xi32, #tpu.memory_space<hbm>>
      %dma_start3A_229 = tpu.memref_slice %arg3[%add3A_227] : memref<640000xi32, #tpu.memory_space<hbm>> -> memref<80xi32, #tpu.memory_space<hbm>>
      tpu.enqueue_dma source(%dma_start3A_229 : memref<80xi32, #tpu.memory_space<hbm>>) target(%arg9 : memref<80xi32, #tpu.memory_space<vmem>>) target_semaphore(%arg24 : memref<!tpu.dma_semaphore, #tpu.memory_space<semaphore_mem>>)
      %add3A_230 = arith.constant 1 : i32
      %add3A_231 = arith.addi %mul3A_219, %add3A_230 : i32
      %mul3A_232 = arith.constant 80 : i32
      %mul3A_233 = arith.muli %add3A_231, %mul3A_232 : i32
      %dma_start3A_234 = tpu.memref_slice %arg7[%mul3A_233] : memref<10000xi32, #tpu.memory_space<vmem>> -> memref<80xi32, #tpu.memory_space<vmem>>
      %dma_start3A_235 = arith.constant 0 : i32
      %dma_start3A_236 = arith.constant 0 : i32
      %dma_start3A_237 = tpu.memref_slice %arg2[%dma_start3A_235, %dma_start3A_236] : memref<10000x128xf32, #tpu.memory_space<hbm>> -> memref<10000x128xf32, #tpu.memory_space<hbm>>
      tpu.enqueue_indirect_dma source(%dma_start3A_237 : memref<10000x128xf32, #tpu.memory_space<hbm>>) target(%arg12 : memref<80x128xf32, #tpu.memory_space<vmem>>) offsets(%dma_start3A_234 : memref<80xi32, #tpu.memory_space<vmem>>) semaphore(%arg18 : memref<!tpu.dma_semaphore, #tpu.memory_space<semaphore_mem>>)
      %dma_wait3A_238 = arith.constant 0 : i32
      %dma_wait3A_239 = tpu.memref_slice %arg7[%dma_wait3A_238] : memref<10000xi32, #tpu.memory_space<vmem>> -> memref<80xi32, #tpu.memory_space<vmem>>
      %dma_wait3A_240 = arith.constant 0 : i32
      %dma_wait3A_241 = arith.constant 0 : i32
      %dma_wait3A_242 = tpu.memref_slice %arg2[%dma_wait3A_240, %dma_wait3A_241] : memref<10000x128xf32, #tpu.memory_space<hbm>> -> memref<10000x128xf32, #tpu.memory_space<hbm>>
      tpu.wait_indirect_dma semaphore(%arg17 : memref<!tpu.dma_semaphore, #tpu.memory_space<semaphore_mem>>) src(%dma_wait3A_242 : memref<10000x128xf32, #tpu.memory_space<hbm>>) dst(%arg11 : memref<80x128xf32, #tpu.memory_space<vmem>>)
      %dma_wait3A_243 = arith.constant 0 : i32
      %dma_wait3A_244 = tpu.memref_slice %arg3[%dma_wait3A_243] : memref<640000xi32, #tpu.memory_space<hbm>> -> memref<80xi32, #tpu.memory_space<hbm>>
      %dma_wait3A_245 = arith.constant 0 : i32
      %dma_wait3A_246 = tpu.memref_slice %arg3[%dma_wait3A_245] : memref<640000xi32, #tpu.memory_space<hbm>> -> memref<80xi32, #tpu.memory_space<hbm>>
      tpu.wait_dma2 semaphore(%arg23 : memref<!tpu.dma_semaphore, #tpu.memory_space<semaphore_mem>>) src(%dma_wait3A_246 : memref<80xi32, #tpu.memory_space<hbm>>) dst(%arg8 : memref<80xi32, #tpu.memory_space<vmem>>)
      %dma_start3A_247 = arith.constant 0 : i32
      %dma_start3A_248 = arith.constant 0 : i32
      %dma_start3A_249 = tpu.memref_slice %arg15[%dma_start3A_247, %dma_start3A_248] : memref<10240x128xf32, #tpu.memory_space<vmem_shared>> -> memref<10240x128xf32, #tpu.memory_space<vmem_shared>>
      tpu.enqueue_indirect_dma source(%arg11 : memref<80x128xf32, #tpu.memory_space<vmem>>) target(%dma_start3A_249 : memref<10240x128xf32, #tpu.memory_space<vmem_shared>>) offsets(%arg8 : memref<80xi32, #tpu.memory_space<vmem>>) semaphore(%arg20 : memref<!tpu.dma_semaphore, #tpu.memory_space<semaphore_mem>>) {add = true}
      %add3A_250 = arith.constant 1 : i32
      %add3A_251 = arith.addi %mul3A_219, %add3A_250 : i32
      %dma_wait3A_252 = arith.constant 0 : i32
      %dma_wait3A_253 = arith.constant 0 : i32
      %dma_wait3A_254 = tpu.memref_slice %arg15[%dma_wait3A_252, %dma_wait3A_253] : memref<10240x128xf32, #tpu.memory_space<vmem_shared>> -> memref<10240x128xf32, #tpu.memory_space<vmem_shared>>
      tpu.wait_indirect_dma semaphore(%arg22 : memref<!tpu.dma_semaphore, #tpu.memory_space<semaphore_mem>>) src(%arg13 : memref<80x128xf32, #tpu.memory_space<vmem>>) dst(%dma_wait3A_254 : memref<10240x128xf32, #tpu.memory_space<vmem_shared>>)
      %add3A_255 = arith.constant 1 : i32
      %add3A_256 = arith.addi %add3A_251, %add3A_255 : i32
      %mul3A_257 = arith.constant 80 : i32
      %mul3A_258 = arith.muli %add3A_256, %mul3A_257 : i32
      %add3A_259 = arith.addi %add3A_6, %mul3A_258 : i32
      %dma_start3A_260 = tpu.memref_slice %arg3[%add3A_259] : memref<640000xi32, #tpu.memory_space<hbm>> -> memref<80xi32, #tpu.memory_space<hbm>>
      %dma_start3A_261 = tpu.memref_slice %arg3[%add3A_259] : memref<640000xi32, #tpu.memory_space<hbm>> -> memref<80xi32, #tpu.memory_space<hbm>>
      tpu.enqueue_dma source(%dma_start3A_261 : memref<80xi32, #tpu.memory_space<hbm>>) target(%arg10 : memref<80xi32, #tpu.memory_space<vmem>>) target_semaphore(%arg25 : memref<!tpu.dma_semaphore, #tpu.memory_space<semaphore_mem>>)
      %add3A_262 = arith.constant 1 : i32
      %add3A_263 = arith.addi %add3A_251, %add3A_262 : i32
      %mul3A_264 = arith.constant 80 : i32
      %mul3A_265 = arith.muli %add3A_263, %mul3A_264 : i32
      %dma_start3A_266 = tpu.memref_slice %arg7[%mul3A_265] : memref<10000xi32, #tpu.memory_space<vmem>> -> memref<80xi32, #tpu.memory_space<vmem>>
      %dma_start3A_267 = arith.constant 0 : i32
      %dma_start3A_268 = arith.constant 0 : i32
      %dma_start3A_269 = tpu.memref_slice %arg2[%dma_start3A_267, %dma_start3A_268] : memref<10000x128xf32, #tpu.memory_space<hbm>> -> memref<10000x128xf32, #tpu.memory_space<hbm>>
      tpu.enqueue_indirect_dma source(%dma_start3A_269 : memref<10000x128xf32, #tpu.memory_space<hbm>>) target(%arg13 : memref<80x128xf32, #tpu.memory_space<vmem>>) offsets(%dma_start3A_266 : memref<80xi32, #tpu.memory_space<vmem>>) semaphore(%arg19 : memref<!tpu.dma_semaphore, #tpu.memory_space<semaphore_mem>>)
      %dma_wait3A_270 = arith.constant 0 : i32
      %dma_wait3A_271 = tpu.memref_slice %arg7[%dma_wait3A_270] : memref<10000xi32, #tpu.memory_space<vmem>> -> memref<80xi32, #tpu.memory_space<vmem>>
      %dma_wait3A_272 = arith.constant 0 : i32
      %dma_wait3A_273 = arith.constant 0 : i32
      %dma_wait3A_274 = tpu.memref_slice %arg2[%dma_wait3A_272, %dma_wait3A_273] : memref<10000x128xf32, #tpu.memory_space<hbm>> -> memref<10000x128xf32, #tpu.memory_space<hbm>>
      tpu.wait_indirect_dma semaphore(%arg18 : memref<!tpu.dma_semaphore, #tpu.memory_space<semaphore_mem>>) src(%dma_wait3A_274 : memref<10000x128xf32, #tpu.memory_space<hbm>>) dst(%arg12 : memref<80x128xf32, #tpu.memory_space<vmem>>)
      %dma_wait3A_275 = arith.constant 0 : i32
      %dma_wait3A_276 = tpu.memref_slice %arg3[%dma_wait3A_275] : memref<640000xi32, #tpu.memory_space<hbm>> -> memref<80xi32, #tpu.memory_space<hbm>>
      %dma_wait3A_277 = arith.constant 0 : i32
      %dma_wait3A_278 = tpu.memref_slice %arg3[%dma_wait3A_277] : memref<640000xi32, #tpu.memory_space<hbm>> -> memref<80xi32, #tpu.memory_space<hbm>>
      tpu.wait_dma2 semaphore(%arg24 : memref<!tpu.dma_semaphore, #tpu.memory_space<semaphore_mem>>) src(%dma_wait3A_278 : memref<80xi32, #tpu.memory_space<hbm>>) dst(%arg9 : memref<80xi32, #tpu.memory_space<vmem>>)
      %dma_start3A_279 = arith.constant 0 : i32
      %dma_start3A_280 = arith.constant 0 : i32
      %dma_start3A_281 = tpu.memref_slice %arg15[%dma_start3A_279, %dma_start3A_280] : memref<10240x128xf32, #tpu.memory_space<vmem_shared>> -> memref<10240x128xf32, #tpu.memory_space<vmem_shared>>
      tpu.enqueue_indirect_dma source(%arg12 : memref<80x128xf32, #tpu.memory_space<vmem>>) target(%dma_start3A_281 : memref<10240x128xf32, #tpu.memory_space<vmem_shared>>) offsets(%arg9 : memref<80xi32, #tpu.memory_space<vmem>>) semaphore(%arg21 : memref<!tpu.dma_semaphore, #tpu.memory_space<semaphore_mem>>) {add = true}
      %add3A_282 = arith.constant 2 : i32
      %add3A_283 = arith.addi %mul3A_219, %add3A_282 : i32
      %dma_wait3A_284 = arith.constant 0 : i32
      %dma_wait3A_285 = arith.constant 0 : i32
      %dma_wait3A_286 = tpu.memref_slice %arg15[%dma_wait3A_284, %dma_wait3A_285] : memref<10240x128xf32, #tpu.memory_space<vmem_shared>> -> memref<10240x128xf32, #tpu.memory_space<vmem_shared>>
      tpu.wait_indirect_dma semaphore(%arg20 : memref<!tpu.dma_semaphore, #tpu.memory_space<semaphore_mem>>) src(%arg11 : memref<80x128xf32, #tpu.memory_space<vmem>>) dst(%dma_wait3A_286 : memref<10240x128xf32, #tpu.memory_space<vmem_shared>>)
      %add3A_287 = arith.constant 1 : i32
      %add3A_288 = arith.addi %add3A_283, %add3A_287 : i32
      %mul3A_289 = arith.constant 80 : i32
      %mul3A_290 = arith.muli %add3A_288, %mul3A_289 : i32
      %add3A_291 = arith.addi %add3A_6, %mul3A_290 : i32
      %dma_start3A_292 = tpu.memref_slice %arg3[%add3A_291] : memref<640000xi32, #tpu.memory_space<hbm>> -> memref<80xi32, #tpu.memory_space<hbm>>
      %dma_start3A_293 = tpu.memref_slice %arg3[%add3A_291] : memref<640000xi32, #tpu.memory_space<hbm>> -> memref<80xi32, #tpu.memory_space<hbm>>
      tpu.enqueue_dma source(%dma_start3A_293 : memref<80xi32, #tpu.memory_space<hbm>>) target(%arg8 : memref<80xi32, #tpu.memory_space<vmem>>) target_semaphore(%arg23 : memref<!tpu.dma_semaphore, #tpu.memory_space<semaphore_mem>>)
      %add3A_294 = arith.constant 1 : i32
      %add3A_295 = arith.addi %add3A_283, %add3A_294 : i32
      %mul3A_296 = arith.constant 80 : i32
      %mul3A_297 = arith.muli %add3A_295, %mul3A_296 : i32
      %dma_start3A_298 = tpu.memref_slice %arg7[%mul3A_297] : memref<10000xi32, #tpu.memory_space<vmem>> -> memref<80xi32, #tpu.memory_space<vmem>>
      %dma_start3A_299 = arith.constant 0 : i32
      %dma_start3A_300 = arith.constant 0 : i32
      %dma_start3A_301 = tpu.memref_slice %arg2[%dma_start3A_299, %dma_start3A_300] : memref<10000x128xf32, #tpu.memory_space<hbm>> -> memref<10000x128xf32, #tpu.memory_space<hbm>>
      tpu.enqueue_indirect_dma source(%dma_start3A_301 : memref<10000x128xf32, #tpu.memory_space<hbm>>) target(%arg11 : memref<80x128xf32, #tpu.memory_space<vmem>>) offsets(%dma_start3A_298 : memref<80xi32, #tpu.memory_space<vmem>>) semaphore(%arg17 : memref<!tpu.dma_semaphore, #tpu.memory_space<semaphore_mem>>)
      %dma_wait3A_302 = arith.constant 0 : i32
      %dma_wait3A_303 = tpu.memref_slice %arg7[%dma_wait3A_302] : memref<10000xi32, #tpu.memory_space<vmem>> -> memref<80xi32, #tpu.memory_space<vmem>>
      %dma_wait3A_304 = arith.constant 0 : i32
      %dma_wait3A_305 = arith.constant 0 : i32
      %dma_wait3A_306 = tpu.memref_slice %arg2[%dma_wait3A_304, %dma_wait3A_305] : memref<10000x128xf32, #tpu.memory_space<hbm>> -> memref<10000x128xf32, #tpu.memory_space<hbm>>
      tpu.wait_indirect_dma semaphore(%arg19 : memref<!tpu.dma_semaphore, #tpu.memory_space<semaphore_mem>>) src(%dma_wait3A_306 : memref<10000x128xf32, #tpu.memory_space<hbm>>) dst(%arg13 : memref<80x128xf32, #tpu.memory_space<vmem>>)
      %dma_wait3A_307 = arith.constant 0 : i32
      %dma_wait3A_308 = tpu.memref_slice %arg3[%dma_wait3A_307] : memref<640000xi32, #tpu.memory_space<hbm>> -> memref<80xi32, #tpu.memory_space<hbm>>
      %dma_wait3A_309 = arith.constant 0 : i32
      %dma_wait3A_310 = tpu.memref_slice %arg3[%dma_wait3A_309] : memref<640000xi32, #tpu.memory_space<hbm>> -> memref<80xi32, #tpu.memory_space<hbm>>
      tpu.wait_dma2 semaphore(%arg25 : memref<!tpu.dma_semaphore, #tpu.memory_space<semaphore_mem>>) src(%dma_wait3A_310 : memref<80xi32, #tpu.memory_space<hbm>>) dst(%arg10 : memref<80xi32, #tpu.memory_space<vmem>>)
      %dma_start3A_311 = arith.constant 0 : i32
      %dma_start3A_312 = arith.constant 0 : i32
      %dma_start3A_313 = tpu.memref_slice %arg15[%dma_start3A_311, %dma_start3A_312] : memref<10240x128xf32, #tpu.memory_space<vmem_shared>> -> memref<10240x128xf32, #tpu.memory_space<vmem_shared>>
      tpu.enqueue_indirect_dma source(%arg13 : memref<80x128xf32, #tpu.memory_space<vmem>>) target(%dma_start3A_313 : memref<10240x128xf32, #tpu.memory_space<vmem_shared>>) offsets(%arg10 : memref<80xi32, #tpu.memory_space<vmem>>) semaphore(%arg22 : memref<!tpu.dma_semaphore, #tpu.memory_space<semaphore_mem>>) {add = true}
    }
    %scan3A_94 = arith.constant 39 : i32
    %dma_wait3A_95 = arith.constant 0 : i32
    %dma_wait3A_96 = arith.constant 0 : i32
    %dma_wait3A_97 = tpu.memref_slice %arg15[%dma_wait3A_95, %dma_wait3A_96] : memref<10240x128xf32, #tpu.memory_space<vmem_shared>> -> memref<10240x128xf32, #tpu.memory_space<vmem_shared>>
    tpu.wait_indirect_dma semaphore(%arg21 : memref<!tpu.dma_semaphore, #tpu.memory_space<semaphore_mem>>) src(%arg12 : memref<80x128xf32, #tpu.memory_space<vmem>>) dst(%dma_wait3A_97 : memref<10240x128xf32, #tpu.memory_space<vmem_shared>>)
    %add3A_98 = arith.constant 9680 : i32
    %add3A_99 = arith.addi %add3A_6, %add3A_98 : i32
    %dma_start3A_100 = tpu.memref_slice %arg3[%add3A_99] : memref<640000xi32, #tpu.memory_space<hbm>> -> memref<80xi32, #tpu.memory_space<hbm>>
    %dma_start3A_101 = tpu.memref_slice %arg3[%add3A_99] : memref<640000xi32, #tpu.memory_space<hbm>> -> memref<80xi32, #tpu.memory_space<hbm>>
    tpu.enqueue_dma source(%dma_start3A_101 : memref<80xi32, #tpu.memory_space<hbm>>) target(%arg9 : memref<80xi32, #tpu.memory_space<vmem>>) target_semaphore(%arg24 : memref<!tpu.dma_semaphore, #tpu.memory_space<semaphore_mem>>)
    %dma_start3A_102 = arith.constant 9680 : i32
    %dma_start3A_103 = tpu.memref_slice %arg7[%dma_start3A_102] : memref<10000xi32, #tpu.memory_space<vmem>> -> memref<80xi32, #tpu.memory_space<vmem>>
    %dma_start3A_104 = arith.constant 0 : i32
    %dma_start3A_105 = arith.constant 0 : i32
    %dma_start3A_106 = tpu.memref_slice %arg2[%dma_start3A_104, %dma_start3A_105] : memref<10000x128xf32, #tpu.memory_space<hbm>> -> memref<10000x128xf32, #tpu.memory_space<hbm>>
    tpu.enqueue_indirect_dma source(%dma_start3A_106 : memref<10000x128xf32, #tpu.memory_space<hbm>>) target(%arg12 : memref<80x128xf32, #tpu.memory_space<vmem>>) offsets(%dma_start3A_103 : memref<80xi32, #tpu.memory_space<vmem>>) semaphore(%arg18 : memref<!tpu.dma_semaphore, #tpu.memory_space<semaphore_mem>>)
    %dma_wait3A_107 = arith.constant 0 : i32
    %dma_wait3A_108 = tpu.memref_slice %arg7[%dma_wait3A_107] : memref<10000xi32, #tpu.memory_space<vmem>> -> memref<80xi32, #tpu.memory_space<vmem>>
    %dma_wait3A_109 = arith.constant 0 : i32
    %dma_wait3A_110 = arith.constant 0 : i32
    %dma_wait3A_111 = tpu.memref_slice %arg2[%dma_wait3A_109, %dma_wait3A_110] : memref<10000x128xf32, #tpu.memory_space<hbm>> -> memref<10000x128xf32, #tpu.memory_space<hbm>>
    tpu.wait_indirect_dma semaphore(%arg17 : memref<!tpu.dma_semaphore, #tpu.memory_space<semaphore_mem>>) src(%dma_wait3A_111 : memref<10000x128xf32, #tpu.memory_space<hbm>>) dst(%arg11 : memref<80x128xf32, #tpu.memory_space<vmem>>)
    %dma_wait3A_112 = arith.constant 0 : i32
    %dma_wait3A_113 = tpu.memref_slice %arg3[%dma_wait3A_112] : memref<640000xi32, #tpu.memory_space<hbm>> -> memref<80xi32, #tpu.memory_space<hbm>>
    %dma_wait3A_114 = arith.constant 0 : i32
    %dma_wait3A_115 = tpu.memref_slice %arg3[%dma_wait3A_114] : memref<640000xi32, #tpu.memory_space<hbm>> -> memref<80xi32, #tpu.memory_space<hbm>>
    tpu.wait_dma2 semaphore(%arg23 : memref<!tpu.dma_semaphore, #tpu.memory_space<semaphore_mem>>) src(%dma_wait3A_115 : memref<80xi32, #tpu.memory_space<hbm>>) dst(%arg8 : memref<80xi32, #tpu.memory_space<vmem>>)
    %dma_start3A_116 = arith.constant 0 : i32
    %dma_start3A_117 = arith.constant 0 : i32
    %dma_start3A_118 = tpu.memref_slice %arg15[%dma_start3A_116, %dma_start3A_117] : memref<10240x128xf32, #tpu.memory_space<vmem_shared>> -> memref<10240x128xf32, #tpu.memory_space<vmem_shared>>
    tpu.enqueue_indirect_dma source(%arg11 : memref<80x128xf32, #tpu.memory_space<vmem>>) target(%dma_start3A_118 : memref<10240x128xf32, #tpu.memory_space<vmem_shared>>) offsets(%arg8 : memref<80xi32, #tpu.memory_space<vmem>>) semaphore(%arg20 : memref<!tpu.dma_semaphore, #tpu.memory_space<semaphore_mem>>) {add = true}
    %dma_wait3A_119 = arith.constant 0 : i32
    %dma_wait3A_120 = arith.constant 0 : i32
    %dma_wait3A_121 = tpu.memref_slice %arg15[%dma_wait3A_119, %dma_wait3A_120] : memref<10240x128xf32, #tpu.memory_space<vmem_shared>> -> memref<10240x128xf32, #tpu.memory_space<vmem_shared>>
    tpu.wait_indirect_dma semaphore(%arg22 : memref<!tpu.dma_semaphore, #tpu.memory_space<semaphore_mem>>) src(%arg13 : memref<80x128xf32, #tpu.memory_space<vmem>>) dst(%dma_wait3A_121 : memref<10240x128xf32, #tpu.memory_space<vmem_shared>>)
    %add3A_122 = arith.constant 9760 : i32
    %add3A_123 = arith.addi %add3A_6, %add3A_122 : i32
    %dma_start3A_124 = tpu.memref_slice %arg3[%add3A_123] : memref<640000xi32, #tpu.memory_space<hbm>> -> memref<80xi32, #tpu.memory_space<hbm>>
    %dma_start3A_125 = tpu.memref_slice %arg3[%add3A_123] : memref<640000xi32, #tpu.memory_space<hbm>> -> memref<80xi32, #tpu.memory_space<hbm>>
    tpu.enqueue_dma source(%dma_start3A_125 : memref<80xi32, #tpu.memory_space<hbm>>) target(%arg10 : memref<80xi32, #tpu.memory_space<vmem>>) target_semaphore(%arg25 : memref<!tpu.dma_semaphore, #tpu.memory_space<semaphore_mem>>)
    %dma_start3A_126 = arith.constant 9760 : i32
    %dma_start3A_127 = tpu.memref_slice %arg7[%dma_start3A_126] : memref<10000xi32, #tpu.memory_space<vmem>> -> memref<80xi32, #tpu.memory_space<vmem>>
    %dma_start3A_128 = arith.constant 0 : i32
    %dma_start3A_129 = arith.constant 0 : i32
    %dma_start3A_130 = tpu.memref_slice %arg2[%dma_start3A_128, %dma_start3A_129] : memref<10000x128xf32, #tpu.memory_space<hbm>> -> memref<10000x128xf32, #tpu.memory_space<hbm>>
    tpu.enqueue_indirect_dma source(%dma_start3A_130 : memref<10000x128xf32, #tpu.memory_space<hbm>>) target(%arg13 : memref<80x128xf32, #tpu.memory_space<vmem>>) offsets(%dma_start3A_127 : memref<80xi32, #tpu.memory_space<vmem>>) semaphore(%arg19 : memref<!tpu.dma_semaphore, #tpu.memory_space<semaphore_mem>>)
    %dma_wait3A_131 = arith.constant 0 : i32
    %dma_wait3A_132 = tpu.memref_slice %arg7[%dma_wait3A_131] : memref<10000xi32, #tpu.memory_space<vmem>> -> memref<80xi32, #tpu.memory_space<vmem>>
    %dma_wait3A_133 = arith.constant 0 : i32
    %dma_wait3A_134 = arith.constant 0 : i32
    %dma_wait3A_135 = tpu.memref_slice %arg2[%dma_wait3A_133, %dma_wait3A_134] : memref<10000x128xf32, #tpu.memory_space<hbm>> -> memref<10000x128xf32, #tpu.memory_space<hbm>>
    tpu.wait_indirect_dma semaphore(%arg18 : memref<!tpu.dma_semaphore, #tpu.memory_space<semaphore_mem>>) src(%dma_wait3A_135 : memref<10000x128xf32, #tpu.memory_space<hbm>>) dst(%arg12 : memref<80x128xf32, #tpu.memory_space<vmem>>)
    %dma_wait3A_136 = arith.constant 0 : i32
    %dma_wait3A_137 = tpu.memref_slice %arg3[%dma_wait3A_136] : memref<640000xi32, #tpu.memory_space<hbm>> -> memref<80xi32, #tpu.memory_space<hbm>>
    %dma_wait3A_138 = arith.constant 0 : i32
    %dma_wait3A_139 = tpu.memref_slice %arg3[%dma_wait3A_138] : memref<640000xi32, #tpu.memory_space<hbm>> -> memref<80xi32, #tpu.memory_space<hbm>>
    tpu.wait_dma2 semaphore(%arg24 : memref<!tpu.dma_semaphore, #tpu.memory_space<semaphore_mem>>) src(%dma_wait3A_139 : memref<80xi32, #tpu.memory_space<hbm>>) dst(%arg9 : memref<80xi32, #tpu.memory_space<vmem>>)
    %dma_start3A_140 = arith.constant 0 : i32
    %dma_start3A_141 = arith.constant 0 : i32
    %dma_start3A_142 = tpu.memref_slice %arg15[%dma_start3A_140, %dma_start3A_141] : memref<10240x128xf32, #tpu.memory_space<vmem_shared>> -> memref<10240x128xf32, #tpu.memory_space<vmem_shared>>
    tpu.enqueue_indirect_dma source(%arg12 : memref<80x128xf32, #tpu.memory_space<vmem>>) target(%dma_start3A_142 : memref<10240x128xf32, #tpu.memory_space<vmem_shared>>) offsets(%arg9 : memref<80xi32, #tpu.memory_space<vmem>>) semaphore(%arg21 : memref<!tpu.dma_semaphore, #tpu.memory_space<semaphore_mem>>) {add = true}
    %dma_wait3A_143 = arith.constant 0 : i32
    %dma_wait3A_144 = arith.constant 0 : i32
    %dma_wait3A_145 = tpu.memref_slice %arg15[%dma_wait3A_143, %dma_wait3A_144] : memref<10240x128xf32, #tpu.memory_space<vmem_shared>> -> memref<10240x128xf32, #tpu.memory_space<vmem_shared>>
    tpu.wait_indirect_dma semaphore(%arg20 : memref<!tpu.dma_semaphore, #tpu.memory_space<semaphore_mem>>) src(%arg11 : memref<80x128xf32, #tpu.memory_space<vmem>>) dst(%dma_wait3A_145 : memref<10240x128xf32, #tpu.memory_space<vmem_shared>>)
    %add3A_146 = arith.constant 9840 : i32
    %add3A_147 = arith.addi %add3A_6, %add3A_146 : i32
    %dma_start3A_148 = tpu.memref_slice %arg3[%add3A_147] : memref<640000xi32, #tpu.memory_space<hbm>> -> memref<80xi32, #tpu.memory_space<hbm>>
    %dma_start3A_149 = tpu.memref_slice %arg3[%add3A_147] : memref<640000xi32, #tpu.memory_space<hbm>> -> memref<80xi32, #tpu.memory_space<hbm>>
    tpu.enqueue_dma source(%dma_start3A_149 : memref<80xi32, #tpu.memory_space<hbm>>) target(%arg8 : memref<80xi32, #tpu.memory_space<vmem>>) target_semaphore(%arg23 : memref<!tpu.dma_semaphore, #tpu.memory_space<semaphore_mem>>)
    %dma_start3A_150 = arith.constant 9840 : i32
    %dma_start3A_151 = tpu.memref_slice %arg7[%dma_start3A_150] : memref<10000xi32, #tpu.memory_space<vmem>> -> memref<80xi32, #tpu.memory_space<vmem>>
    %dma_start3A_152 = arith.constant 0 : i32
    %dma_start3A_153 = arith.constant 0 : i32
    %dma_start3A_154 = tpu.memref_slice %arg2[%dma_start3A_152, %dma_start3A_153] : memref<10000x128xf32, #tpu.memory_space<hbm>> -> memref<10000x128xf32, #tpu.memory_space<hbm>>
    tpu.enqueue_indirect_dma source(%dma_start3A_154 : memref<10000x128xf32, #tpu.memory_space<hbm>>) target(%arg11 : memref<80x128xf32, #tpu.memory_space<vmem>>) offsets(%dma_start3A_151 : memref<80xi32, #tpu.memory_space<vmem>>) semaphore(%arg17 : memref<!tpu.dma_semaphore, #tpu.memory_space<semaphore_mem>>)
    %dma_wait3A_155 = arith.constant 0 : i32
    %dma_wait3A_156 = tpu.memref_slice %arg7[%dma_wait3A_155] : memref<10000xi32, #tpu.memory_space<vmem>> -> memref<80xi32, #tpu.memory_space<vmem>>
    %dma_wait3A_157 = arith.constant 0 : i32
    %dma_wait3A_158 = arith.constant 0 : i32
    %dma_wait3A_159 = tpu.memref_slice %arg2[%dma_wait3A_157, %dma_wait3A_158] : memref<10000x128xf32, #tpu.memory_space<hbm>> -> memref<10000x128xf32, #tpu.memory_space<hbm>>
    tpu.wait_indirect_dma semaphore(%arg19 : memref<!tpu.dma_semaphore, #tpu.memory_space<semaphore_mem>>) src(%dma_wait3A_159 : memref<10000x128xf32, #tpu.memory_space<hbm>>) dst(%arg13 : memref<80x128xf32, #tpu.memory_space<vmem>>)
    %dma_wait3A_160 = arith.constant 0 : i32
    %dma_wait3A_161 = tpu.memref_slice %arg3[%dma_wait3A_160] : memref<640000xi32, #tpu.memory_space<hbm>> -> memref<80xi32, #tpu.memory_space<hbm>>
    %dma_wait3A_162 = arith.constant 0 : i32
    %dma_wait3A_163 = tpu.memref_slice %arg3[%dma_wait3A_162] : memref<640000xi32, #tpu.memory_space<hbm>> -> memref<80xi32, #tpu.memory_space<hbm>>
    tpu.wait_dma2 semaphore(%arg25 : memref<!tpu.dma_semaphore, #tpu.memory_space<semaphore_mem>>) src(%dma_wait3A_163 : memref<80xi32, #tpu.memory_space<hbm>>) dst(%arg10 : memref<80xi32, #tpu.memory_space<vmem>>)
    %dma_start3A_164 = arith.constant 0 : i32
    %dma_start3A_165 = arith.constant 0 : i32
    %dma_start3A_166 = tpu.memref_slice %arg15[%dma_start3A_164, %dma_start3A_165] : memref<10240x128xf32, #tpu.memory_space<vmem_shared>> -> memref<10240x128xf32, #tpu.memory_space<vmem_shared>>
    tpu.enqueue_indirect_dma source(%arg13 : memref<80x128xf32, #tpu.memory_space<vmem>>) target(%dma_start3A_166 : memref<10240x128xf32, #tpu.memory_space<vmem_shared>>) offsets(%arg10 : memref<80xi32, #tpu.memory_space<vmem>>) semaphore(%arg22 : memref<!tpu.dma_semaphore, #tpu.memory_space<semaphore_mem>>) {add = true}
    %dma_wait3A_167 = arith.constant 0 : i32
    %dma_wait3A_168 = arith.constant 0 : i32
    %dma_wait3A_169 = tpu.memref_slice %arg15[%dma_wait3A_167, %dma_wait3A_168] : memref<10240x128xf32, #tpu.memory_space<vmem_shared>> -> memref<10240x128xf32, #tpu.memory_space<vmem_shared>>
    tpu.wait_indirect_dma semaphore(%arg21 : memref<!tpu.dma_semaphore, #tpu.memory_space<semaphore_mem>>) src(%arg12 : memref<80x128xf32, #tpu.memory_space<vmem>>) dst(%dma_wait3A_169 : memref<10240x128xf32, #tpu.memory_space<vmem_shared>>)
    %add3A_170 = arith.constant 9920 : i32
    %add3A_171 = arith.addi %add3A_6, %add3A_170 : i32
    %dma_start3A_172 = tpu.memref_slice %arg3[%add3A_171] : memref<640000xi32, #tpu.memory_space<hbm>> -> memref<80xi32, #tpu.memory_space<hbm>>
    %dma_start3A_173 = tpu.memref_slice %arg3[%add3A_171] : memref<640000xi32, #tpu.memory_space<hbm>> -> memref<80xi32, #tpu.memory_space<hbm>>
    tpu.enqueue_dma source(%dma_start3A_173 : memref<80xi32, #tpu.memory_space<hbm>>) target(%arg9 : memref<80xi32, #tpu.memory_space<vmem>>) target_semaphore(%arg24 : memref<!tpu.dma_semaphore, #tpu.memory_space<semaphore_mem>>)
    %dma_start3A_174 = arith.constant 9920 : i32
    %dma_start3A_175 = tpu.memref_slice %arg7[%dma_start3A_174] : memref<10000xi32, #tpu.memory_space<vmem>> -> memref<80xi32, #tpu.memory_space<vmem>>
    %dma_start3A_176 = arith.constant 0 : i32
    %dma_start3A_177 = arith.constant 0 : i32
    %dma_start3A_178 = tpu.memref_slice %arg2[%dma_start3A_176, %dma_start3A_177] : memref<10000x128xf32, #tpu.memory_space<hbm>> -> memref<10000x128xf32, #tpu.memory_space<hbm>>
    tpu.enqueue_indirect_dma source(%dma_start3A_178 : memref<10000x128xf32, #tpu.memory_space<hbm>>) target(%arg12 : memref<80x128xf32, #tpu.memory_space<vmem>>) offsets(%dma_start3A_175 : memref<80xi32, #tpu.memory_space<vmem>>) semaphore(%arg18 : memref<!tpu.dma_semaphore, #tpu.memory_space<semaphore_mem>>)
    %dma_wait3A_179 = arith.constant 0 : i32
    %dma_wait3A_180 = tpu.memref_slice %arg7[%dma_wait3A_179] : memref<10000xi32, #tpu.memory_space<vmem>> -> memref<80xi32, #tpu.memory_space<vmem>>
    %dma_wait3A_181 = arith.constant 0 : i32
    %dma_wait3A_182 = arith.constant 0 : i32
    %dma_wait3A_183 = tpu.memref_slice %arg2[%dma_wait3A_181, %dma_wait3A_182] : memref<10000x128xf32, #tpu.memory_space<hbm>> -> memref<10000x128xf32, #tpu.memory_space<hbm>>
    tpu.wait_indirect_dma semaphore(%arg17 : memref<!tpu.dma_semaphore, #tpu.memory_space<semaphore_mem>>) src(%dma_wait3A_183 : memref<10000x128xf32, #tpu.memory_space<hbm>>) dst(%arg11 : memref<80x128xf32, #tpu.memory_space<vmem>>)
    %dma_wait3A_184 = arith.constant 0 : i32
    %dma_wait3A_185 = tpu.memref_slice %arg3[%dma_wait3A_184] : memref<640000xi32, #tpu.memory_space<hbm>> -> memref<80xi32, #tpu.memory_space<hbm>>
    %dma_wait3A_186 = arith.constant 0 : i32
    %dma_wait3A_187 = tpu.memref_slice %arg3[%dma_wait3A_186] : memref<640000xi32, #tpu.memory_space<hbm>> -> memref<80xi32, #tpu.memory_space<hbm>>
    tpu.wait_dma2 semaphore(%arg23 : memref<!tpu.dma_semaphore, #tpu.memory_space<semaphore_mem>>) src(%dma_wait3A_187 : memref<80xi32, #tpu.memory_space<hbm>>) dst(%arg8 : memref<80xi32, #tpu.memory_space<vmem>>)
    %dma_start3A_188 = arith.constant 0 : i32
    %dma_start3A_189 = arith.constant 0 : i32
    %dma_start3A_190 = tpu.memref_slice %arg15[%dma_start3A_188, %dma_start3A_189] : memref<10240x128xf32, #tpu.memory_space<vmem_shared>> -> memref<10240x128xf32, #tpu.memory_space<vmem_shared>>
    tpu.enqueue_indirect_dma source(%arg11 : memref<80x128xf32, #tpu.memory_space<vmem>>) target(%dma_start3A_190 : memref<10240x128xf32, #tpu.memory_space<vmem_shared>>) offsets(%arg8 : memref<80xi32, #tpu.memory_space<vmem>>) semaphore(%arg20 : memref<!tpu.dma_semaphore, #tpu.memory_space<semaphore_mem>>) {add = true}
    %dma_wait3A_191 = arith.constant 0 : i32
    %dma_wait3A_192 = arith.constant 0 : i32
    %dma_wait3A_193 = tpu.memref_slice %arg15[%dma_wait3A_191, %dma_wait3A_192] : memref<10240x128xf32, #tpu.memory_space<vmem_shared>> -> memref<10240x128xf32, #tpu.memory_space<vmem_shared>>
    tpu.wait_indirect_dma semaphore(%arg22 : memref<!tpu.dma_semaphore, #tpu.memory_space<semaphore_mem>>) src(%arg13 : memref<80x128xf32, #tpu.memory_space<vmem>>) dst(%dma_wait3A_193 : memref<10240x128xf32, #tpu.memory_space<vmem_shared>>)
    %dma_wait3A_194 = arith.constant 0 : i32
    %dma_wait3A_195 = tpu.memref_slice %arg7[%dma_wait3A_194] : memref<10000xi32, #tpu.memory_space<vmem>> -> memref<80xi32, #tpu.memory_space<vmem>>
    %dma_wait3A_196 = arith.constant 0 : i32
    %dma_wait3A_197 = arith.constant 0 : i32
    %dma_wait3A_198 = tpu.memref_slice %arg2[%dma_wait3A_196, %dma_wait3A_197] : memref<10000x128xf32, #tpu.memory_space<hbm>> -> memref<10000x128xf32, #tpu.memory_space<hbm>>
    tpu.wait_indirect_dma semaphore(%arg18 : memref<!tpu.dma_semaphore, #tpu.memory_space<semaphore_mem>>) src(%dma_wait3A_198 : memref<10000x128xf32, #tpu.memory_space<hbm>>) dst(%arg12 : memref<80x128xf32, #tpu.memory_space<vmem>>)
    %dma_wait3A_199 = arith.constant 0 : i32
    %dma_wait3A_200 = tpu.memref_slice %arg3[%dma_wait3A_199] : memref<640000xi32, #tpu.memory_space<hbm>> -> memref<80xi32, #tpu.memory_space<hbm>>
    %dma_wait3A_201 = arith.constant 0 : i32
    %dma_wait3A_202 = tpu.memref_slice %arg3[%dma_wait3A_201] : memref<640000xi32, #tpu.memory_space<hbm>> -> memref<80xi32, #tpu.memory_space<hbm>>
    tpu.wait_dma2 semaphore(%arg24 : memref<!tpu.dma_semaphore, #tpu.memory_space<semaphore_mem>>) src(%dma_wait3A_202 : memref<80xi32, #tpu.memory_space<hbm>>) dst(%arg9 : memref<80xi32, #tpu.memory_space<vmem>>)
    %dma_start3A_203 = arith.constant 0 : i32
    %dma_start3A_204 = arith.constant 0 : i32
    %dma_start3A_205 = tpu.memref_slice %arg15[%dma_start3A_203, %dma_start3A_204] : memref<10240x128xf32, #tpu.memory_space<vmem_shared>> -> memref<10240x128xf32, #tpu.memory_space<vmem_shared>>
    tpu.enqueue_indirect_dma source(%arg12 : memref<80x128xf32, #tpu.memory_space<vmem>>) target(%dma_start3A_205 : memref<10240x128xf32, #tpu.memory_space<vmem_shared>>) offsets(%arg9 : memref<80xi32, #tpu.memory_space<vmem>>) semaphore(%arg21 : memref<!tpu.dma_semaphore, #tpu.memory_space<semaphore_mem>>) {add = true}
    %dma_wait3A_206 = arith.constant 0 : i32
    %dma_wait3A_207 = arith.constant 0 : i32
    %dma_wait3A_208 = tpu.memref_slice %arg15[%dma_wait3A_206, %dma_wait3A_207] : memref<10240x128xf32, #tpu.memory_space<vmem_shared>> -> memref<10240x128xf32, #tpu.memory_space<vmem_shared>>
    tpu.wait_indirect_dma semaphore(%arg20 : memref<!tpu.dma_semaphore, #tpu.memory_space<semaphore_mem>>) src(%arg11 : memref<80x128xf32, #tpu.memory_space<vmem>>) dst(%dma_wait3A_208 : memref<10240x128xf32, #tpu.memory_space<vmem_shared>>)
    %dma_wait3A_209 = arith.constant 0 : i32
    %dma_wait3A_210 = arith.constant 0 : i32
    %dma_wait3A_211 = tpu.memref_slice %arg15[%dma_wait3A_209, %dma_wait3A_210] : memref<10240x128xf32, #tpu.memory_space<vmem_shared>> -> memref<10240x128xf32, #tpu.memory_space<vmem_shared>>
    tpu.wait_indirect_dma semaphore(%arg21 : memref<!tpu.dma_semaphore, #tpu.memory_space<semaphore_mem>>) src(%arg12 : memref<80x128xf32, #tpu.memory_space<vmem>>) dst(%dma_wait3A_211 : memref<10240x128xf32, #tpu.memory_space<vmem_shared>>)
    %barrier3A_212 = arith.constant 0 : index
    tpu.barrier barrier_id(%barrier3A_212)
    %mul3A_213 = arith.constant 640 : i32
    %mul3A_214 = arith.muli %arg1, %mul3A_213 : i32
    %mul3A_215 = arith.constant 640 : i32
    %mul3A_216 = arith.muli %arg1, %mul3A_215 : i32
    "tpu.region"() ({
      %run_scoped3A = tpu.sem_alloc : memref<!tpu.dma_semaphore, #tpu.memory_space<semaphore_mem>>
      %dma_start3A_217 = arith.constant 0 : i32
      %dma_start3A_218 = tpu.memref_slice %arg6[%arg0, %mul3A_216, %dma_start3A_217] : memref<2x10240x128xf32, #tpu.memory_space<hbm>> -> memref<1x640x128xf32, #tpu.memory_space<hbm>>
      %dma_start3A_219 = tpu.memref_squeeze %dma_start3A_218 : memref<1x640x128xf32, #tpu.memory_space<hbm>> -> memref<640x128xf32, #tpu.memory_space<hbm>>
      %dma_start3A_220 = arith.constant 0 : i32
      %dma_start3A_221 = tpu.memref_slice %arg15[%mul3A_214, %dma_start3A_220] : memref<10240x128xf32, #tpu.memory_space<vmem_shared>> -> memref<640x128xf32, #tpu.memory_space<vmem_shared>>
      tpu.enqueue_dma source(%dma_start3A_221 : memref<640x128xf32, #tpu.memory_space<vmem_shared>>) target(%dma_start3A_219 : memref<640x128xf32, #tpu.memory_space<hbm>>) target_semaphore(%run_scoped3A : memref<!tpu.dma_semaphore, #tpu.memory_space<semaphore_mem>>)
      %dma_wait3A_222 = arith.constant 0 : i32
      %dma_wait3A_223 = tpu.memref_slice %arg6[%arg0, %mul3A_216, %dma_wait3A_222] : memref<2x10240x128xf32, #tpu.memory_space<hbm>> -> memref<1x640x128xf32, #tpu.memory_space<hbm>>
      %dma_wait3A_224 = tpu.memref_squeeze %dma_wait3A_223 : memref<1x640x128xf32, #tpu.memory_space<hbm>> -> memref<640x128xf32, #tpu.memory_space<hbm>>
      %dma_wait3A_225 = arith.constant 0 : i32
      %dma_wait3A_226 = tpu.memref_slice %arg15[%mul3A_214, %dma_wait3A_225] : memref<10240x128xf32, #tpu.memory_space<vmem_shared>> -> memref<640x128xf32, #tpu.memory_space<vmem_shared>>
      tpu.wait_dma2 semaphore(%run_scoped3A : memref<!tpu.dma_semaphore, #tpu.memory_space<semaphore_mem>>) src(%dma_wait3A_226 : memref<640x128xf32, #tpu.memory_space<vmem_shared>>) dst(%dma_wait3A_224 : memref<640x128xf32, #tpu.memory_space<hbm>>)
      tpu.yield
    }) : () -> ()
    return
  }
}

module attributes {stable_mosaic.version = 14 : i64} {
  func.func @body(%arg0: i32, %arg1: memref<2x2048x128xf32, #tpu.memory_space<vmem>>, %arg2: memref<10240xf32, #tpu.memory_space<vmem>>, %arg3: memref<10240xf32, #tpu.memory_space<vmem>>, %arg4: memref<2048x128xf32, #tpu.memory_space<vmem>>, %arg5: memref<128x128xf32, #tpu.memory_space<vmem>>, %arg6: memref<2048x128xf32, #tpu.memory_space<vmem>>) attributes {dimension_semantics = [#tpu.dimension_semantics<arbitrary>], iteration_bounds = array<i64: 5>, scalar_prefetch = 0 : i64, scratch_operands = 0 : i64, tpu.core_type = #tpu.core_type<tc>, window_params = [{transform_indices = @transform_0, window_bounds = array<i64: 2, 2048, 128>}, {pipeline_mode = #tpu.pipeline_mode<synchronous>, transform_indices = @transform_1, window_bounds = array<i64: 10240>}, {pipeline_mode = #tpu.pipeline_mode<synchronous>, transform_indices = @transform_2, window_bounds = array<i64: 10240>}, {transform_indices = @transform_3, window_bounds = array<i64: 2048, 128>}, {pipeline_mode = #tpu.pipeline_mode<synchronous>, transform_indices = @transform_4, window_bounds = array<i64: 128, 128>}, {transform_indices = @transform_5, window_bounds = array<i64: 2048, 128>}]} {
    %mul3A = arith.constant 2048 : i32
    %mul3A_0 = arith.muli %arg0, %mul3A : i32
    %get3A = arith.index_cast %mul3A_0 : i32 to index
    %get3A_1 = vector.load %arg2[%get3A] : memref<10240xf32, #tpu.memory_space<vmem>>, vector<2048xf32>
    %mul3A_2 = arith.constant 2048 : i32
    %mul3A_3 = arith.muli %arg0, %mul3A_2 : i32
    %get3A_4 = arith.index_cast %mul3A_3 : i32 to index
    %get3A_5 = vector.load %arg3[%get3A_4] : memref<10240xf32, #tpu.memory_space<vmem>>, vector<2048xf32>
    %add3A = arith.addf %get3A_1, %get3A_5 : vector<2048xf32>
    %max3A = arith.constant 1.000000e+00 : f32
    %max3A_6 = vector.broadcast %max3A : f32 to vector<2048xf32>
    %max3A_7 = arith.maximumf %add3A, %max3A_6 : vector<2048xf32>
    %div3A = arith.constant 1.000000e+00 : f32
    %div3A_8 = vector.broadcast %div3A : f32 to vector<2048xf32>
    %div3A_9 = arith.divf %div3A_8, %max3A_7 : vector<2048xf32>
    %get3A_10 = arith.constant 0 : index
    %get3A_11 = arith.constant 0 : index
    %get3A_12 = arith.constant 0 : index
    %get3A_13 = vector.load %arg1[%get3A_10, %get3A_11, %get3A_12] : memref<2x2048x128xf32, #tpu.memory_space<vmem>>, vector<1x2048x128xf32>
    %get3A_14 = vector.shape_cast %get3A_13 : vector<1x2048x128xf32> to vector<2048x128xf32>
    %get3A_15 = arith.constant 1 : index
    %get3A_16 = arith.constant 0 : index
    %get3A_17 = arith.constant 0 : index
    %get3A_18 = vector.load %arg1[%get3A_15, %get3A_16, %get3A_17] : memref<2x2048x128xf32, #tpu.memory_space<vmem>>, vector<1x2048x128xf32>
    %get3A_19 = vector.shape_cast %get3A_18 : vector<1x2048x128xf32> to vector<2048x128xf32>
    %add3A_20 = arith.addf %get3A_14, %get3A_19 : vector<2048x128xf32>
    %broadcast_in_dim3A = vector.shape_cast %div3A_9 : vector<2048xf32> to vector<2048x1xf32>
    %mul3A_21 = vector.broadcast %broadcast_in_dim3A : vector<2048x1xf32> to vector<2048x128xf32>
    %mul3A_22 = arith.mulf %add3A_20, %mul3A_21 : vector<2048x128xf32>
    %get3A_23 = arith.constant 0 : index
    %get3A_24 = arith.constant 0 : index
    %get3A_25 = vector.load %arg5[%get3A_23, %get3A_24] : memref<128x128xf32, #tpu.memory_space<vmem>>, vector<128x128xf32>
    %dot_general3A = arith.constant dense<0.000000e+00> : vector<2048x128xf32>
    %dot_general3A_26 = tpu.matmul %mul3A_22, %get3A_25, %dot_general3A {dimension_numbers = #tpu.dot_dimension_numbers<[1], [1], [0], [0], [0, 0, 1, 0], [], []>, transpose_lhs_hint = false} : vector<2048x128xf32>, vector<128x128xf32>, vector<2048x128xf32> -> vector<2048x128xf32>
    %get3A_27 = arith.constant 0 : index
    %get3A_28 = arith.constant 0 : index
    %get3A_29 = vector.load %arg4[%get3A_27, %get3A_28] : memref<2048x128xf32, #tpu.memory_space<vmem>>, vector<2048x128xf32>
    %add3A_30 = arith.addf %dot_general3A_26, %get3A_29 : vector<2048x128xf32>
    %max3A_31 = arith.constant 0.000000e+00 : f32
    %max3A_32 = vector.broadcast %max3A_31 : f32 to vector<2048x128xf32>
    %max3A_33 = arith.maximumf %add3A_30, %max3A_32 : vector<2048x128xf32>
    %swap3A = arith.constant 0 : index
    %swap3A_34 = arith.constant 0 : index
    %swap3A_35 = vector.load %arg6[%swap3A, %swap3A_34] : memref<2048x128xf32, #tpu.memory_space<vmem>>, vector<2048x128xf32>
    tpu.vector_store %arg6[%swap3A, %swap3A_34], %max3A_33 {strides = array<i32>} : memref<2048x128xf32, #tpu.memory_space<vmem>>, vector<2048x128xf32>,
    return
  }
  func.func @transform_0(%arg0: i32) -> (i32, i32, i32) {
    %c0_i32 = arith.constant 0 : i32
    %c0_i32_0 = arith.constant 0 : i32
    %c0_i32_1 = arith.constant 0 : i32
    return %c0_i32, %arg0, %c0_i32_0 : i32, i32, i32
  }
  func.func @transform_1(%arg0: i32) -> i32 {
    %c0_i32 = arith.constant 0 : i32
    %c0_i32_0 = arith.constant 0 : i32
    return %c0_i32 : i32
  }
  func.func @transform_2(%arg0: i32) -> i32 {
    %c0_i32 = arith.constant 0 : i32
    %c0_i32_0 = arith.constant 0 : i32
    return %c0_i32 : i32
  }
  func.func @transform_3(%arg0: i32) -> (i32, i32) {
    %c0_i32 = arith.constant 0 : i32
    %c0_i32_0 = arith.constant 0 : i32
    return %arg0, %c0_i32 : i32, i32
  }
  func.func @transform_4(%arg0: i32) -> (i32, i32) {
    %c0_i32 = arith.constant 0 : i32
    %c0_i32_0 = arith.constant 0 : i32
    %c0_i32_1 = arith.constant 0 : i32
    return %c0_i32, %c0_i32_0 : i32, i32
  }
  func.func @transform_5(%arg0: i32) -> (i32, i32) {
    %c0_i32 = arith.constant 0 : i32
    %c0_i32_0 = arith.constant 0 : i32
    return %arg0, %c0_i32 : i32, i32
  }
}

module attributes {stable_mosaic.version = 14 : i64} {
  func.func @body(%arg0: i32, %arg1: memref<2048x128xf32, #tpu.memory_space<vmem>>, %arg2: memref<128x128xf32, #tpu.memory_space<vmem>>, %arg3: memref<1x128xf32, #tpu.memory_space<vmem>>, %arg4: memref<2048x128xf32, #tpu.memory_space<vmem>>) attributes {dimension_semantics = [#tpu.dimension_semantics<arbitrary>], iteration_bounds = array<i64: 5>, scalar_prefetch = 0 : i64, scratch_operands = 0 : i64, tpu.core_type = #tpu.core_type<tc>, window_params = [{transform_indices = @transform_0, window_bounds = array<i64: 2048, 128>}, {pipeline_mode = #tpu.pipeline_mode<synchronous>, transform_indices = @transform_1, window_bounds = array<i64: 128, 128>}, {pipeline_mode = #tpu.pipeline_mode<synchronous>, transform_indices = @transform_2, window_bounds = array<i64: 1, 128>}, {transform_indices = @transform_3, window_bounds = array<i64: 2048, 128>}]} {
    %get3A = arith.constant 0 : index
    %get3A_0 = arith.constant 0 : index
    %get3A_1 = vector.load %arg1[%get3A, %get3A_0] : memref<2048x128xf32, #tpu.memory_space<vmem>>, vector<2048x128xf32>
    %get3A_2 = arith.constant 0 : index
    %get3A_3 = arith.constant 0 : index
    %get3A_4 = vector.load %arg2[%get3A_2, %get3A_3] : memref<128x128xf32, #tpu.memory_space<vmem>>, vector<128x128xf32>
    %dot_general3A = arith.constant dense<0.000000e+00> : vector<2048x128xf32>
    %dot_general3A_5 = tpu.matmul %get3A_1, %get3A_4, %dot_general3A {dimension_numbers = #tpu.dot_dimension_numbers<[1], [1], [0], [0], [0, 0, 1, 0], [], []>, transpose_lhs_hint = false} : vector<2048x128xf32>, vector<128x128xf32>, vector<2048x128xf32> -> vector<2048x128xf32>
    %get3A_6 = arith.constant 0 : index
    %get3A_7 = arith.constant 0 : index
    %get3A_8 = vector.load %arg3[%get3A_6, %get3A_7] : memref<1x128xf32, #tpu.memory_space<vmem>>, vector<1x128xf32>
    %add3A = vector.broadcast %get3A_8 : vector<1x128xf32> to vector<2048x128xf32>
    %add3A_9 = arith.addf %dot_general3A_5, %add3A : vector<2048x128xf32>
    %swap3A = arith.constant 0 : index
    %swap3A_10 = arith.constant 0 : index
    %swap3A_11 = vector.load %arg4[%swap3A, %swap3A_10] : memref<2048x128xf32, #tpu.memory_space<vmem>>, vector<2048x128xf32>
    tpu.vector_store %arg4[%swap3A, %swap3A_10], %add3A_9 {strides = array<i32>} : memref<2048x128xf32, #tpu.memory_space<vmem>>, vector<2048x128xf32>,
    return
  }
  func.func @transform_0(%arg0: i32) -> (i32, i32) {
    %c0_i32 = arith.constant 0 : i32
    %c0_i32_0 = arith.constant 0 : i32
    return %arg0, %c0_i32 : i32, i32
  }
  func.func @transform_1(%arg0: i32) -> (i32, i32) {
    %c0_i32 = arith.constant 0 : i32
    %c0_i32_0 = arith.constant 0 : i32
    %c0_i32_1 = arith.constant 0 : i32
    return %c0_i32, %c0_i32_0 : i32, i32
  }
  func.func @transform_2(%arg0: i32) -> (i32, i32) {
    %c0_i32 = arith.constant 0 : i32
    %c0_i32_0 = arith.constant 0 : i32
    %c0_i32_1 = arith.constant 0 : i32
    return %c0_i32, %c0_i32_0 : i32, i32
  }
  func.func @transform_3(%arg0: i32) -> (i32, i32) {
    %c0_i32 = arith.constant 0 : i32
    %c0_i32_0 = arith.constant 0 : i32
    return %arg0, %c0_i32 : i32, i32
  }
}

module attributes {stable_mosaic.version = 14 : i64} {
  func.func @body(%arg0: i32, %arg1: memref<2x2048x128xf32, #tpu.memory_space<vmem>>, %arg2: memref<10240xf32, #tpu.memory_space<vmem>>, %arg3: memref<10240xf32, #tpu.memory_space<vmem>>, %arg4: memref<2048x128xf32, #tpu.memory_space<vmem>>, %arg5: memref<128x128xf32, #tpu.memory_space<vmem>>, %arg6: memref<2048x128xf32, #tpu.memory_space<vmem>>) attributes {dimension_semantics = [#tpu.dimension_semantics<arbitrary>], iteration_bounds = array<i64: 5>, scalar_prefetch = 0 : i64, scratch_operands = 0 : i64, tpu.core_type = #tpu.core_type<tc>, window_params = [{transform_indices = @transform_0, window_bounds = array<i64: 2, 2048, 128>}, {pipeline_mode = #tpu.pipeline_mode<synchronous>, transform_indices = @transform_1, window_bounds = array<i64: 10240>}, {pipeline_mode = #tpu.pipeline_mode<synchronous>, transform_indices = @transform_2, window_bounds = array<i64: 10240>}, {transform_indices = @transform_3, window_bounds = array<i64: 2048, 128>}, {pipeline_mode = #tpu.pipeline_mode<synchronous>, transform_indices = @transform_4, window_bounds = array<i64: 128, 128>}, {transform_indices = @transform_5, window_bounds = array<i64: 2048, 128>}]} {
    %mul3A = arith.constant 2048 : i32
    %mul3A_0 = arith.muli %arg0, %mul3A : i32
    %get3A = arith.index_cast %mul3A_0 : i32 to index
    %get3A_1 = vector.load %arg2[%get3A] : memref<10240xf32, #tpu.memory_space<vmem>>, vector<2048xf32>
    %mul3A_2 = arith.constant 2048 : i32
    %mul3A_3 = arith.muli %arg0, %mul3A_2 : i32
    %get3A_4 = arith.index_cast %mul3A_3 : i32 to index
    %get3A_5 = vector.load %arg3[%get3A_4] : memref<10240xf32, #tpu.memory_space<vmem>>, vector<2048xf32>
    %add3A = arith.addf %get3A_1, %get3A_5 : vector<2048xf32>
    %max3A = arith.constant 1.000000e+00 : f32
    %max3A_6 = vector.broadcast %max3A : f32 to vector<2048xf32>
    %max3A_7 = arith.maximumf %add3A, %max3A_6 : vector<2048xf32>
    %div3A = arith.constant 1.000000e+00 : f32
    %div3A_8 = vector.broadcast %div3A : f32 to vector<2048xf32>
    %div3A_9 = arith.divf %div3A_8, %max3A_7 : vector<2048xf32>
    %get3A_10 = arith.constant 0 : index
    %get3A_11 = arith.constant 0 : index
    %get3A_12 = arith.constant 0 : index
    %get3A_13 = vector.load %arg1[%get3A_10, %get3A_11, %get3A_12] : memref<2x2048x128xf32, #tpu.memory_space<vmem>>, vector<1x2048x128xf32>
    %get3A_14 = vector.shape_cast %get3A_13 : vector<1x2048x128xf32> to vector<2048x128xf32>
    %get3A_15 = arith.constant 1 : index
    %get3A_16 = arith.constant 0 : index
    %get3A_17 = arith.constant 0 : index
    %get3A_18 = vector.load %arg1[%get3A_15, %get3A_16, %get3A_17] : memref<2x2048x128xf32, #tpu.memory_space<vmem>>, vector<1x2048x128xf32>
    %get3A_19 = vector.shape_cast %get3A_18 : vector<1x2048x128xf32> to vector<2048x128xf32>
    %add3A_20 = arith.addf %get3A_14, %get3A_19 : vector<2048x128xf32>
    %broadcast_in_dim3A = vector.shape_cast %div3A_9 : vector<2048xf32> to vector<2048x1xf32>
    %mul3A_21 = vector.broadcast %broadcast_in_dim3A : vector<2048x1xf32> to vector<2048x128xf32>
    %mul3A_22 = arith.mulf %add3A_20, %mul3A_21 : vector<2048x128xf32>
    %get3A_23 = arith.constant 0 : index
    %get3A_24 = arith.constant 0 : index
    %get3A_25 = vector.load %arg5[%get3A_23, %get3A_24] : memref<128x128xf32, #tpu.memory_space<vmem>>, vector<128x128xf32>
    %dot_general3A = arith.constant dense<0.000000e+00> : vector<2048x128xf32>
    %dot_general3A_26 = tpu.matmul %mul3A_22, %get3A_25, %dot_general3A {dimension_numbers = #tpu.dot_dimension_numbers<[1], [1], [0], [0], [0, 0, 1, 0], [], []>, transpose_lhs_hint = false} : vector<2048x128xf32>, vector<128x128xf32>, vector<2048x128xf32> -> vector<2048x128xf32>
    %get3A_27 = arith.constant 0 : index
    %get3A_28 = arith.constant 0 : index
    %get3A_29 = vector.load %arg4[%get3A_27, %get3A_28] : memref<2048x128xf32, #tpu.memory_space<vmem>>, vector<2048x128xf32>
    %add3A_30 = arith.addf %dot_general3A_26, %get3A_29 : vector<2048x128xf32>
    %swap3A = arith.constant 0 : index
    %swap3A_31 = arith.constant 0 : index
    %swap3A_32 = vector.load %arg6[%swap3A, %swap3A_31] : memref<2048x128xf32, #tpu.memory_space<vmem>>, vector<2048x128xf32>
    tpu.vector_store %arg6[%swap3A, %swap3A_31], %add3A_30 {strides = array<i32>} : memref<2048x128xf32, #tpu.memory_space<vmem>>, vector<2048x128xf32>,
    return
  }
  func.func @transform_0(%arg0: i32) -> (i32, i32, i32) {
    %c0_i32 = arith.constant 0 : i32
    %c0_i32_0 = arith.constant 0 : i32
    %c0_i32_1 = arith.constant 0 : i32
    return %c0_i32, %arg0, %c0_i32_0 : i32, i32, i32
  }
  func.func @transform_1(%arg0: i32) -> i32 {
    %c0_i32 = arith.constant 0 : i32
    %c0_i32_0 = arith.constant 0 : i32
    return %c0_i32 : i32
  }
  func.func @transform_2(%arg0: i32) -> i32 {
    %c0_i32 = arith.constant 0 : i32
    %c0_i32_0 = arith.constant 0 : i32
    return %c0_i32 : i32
  }
  func.func @transform_3(%arg0: i32) -> (i32, i32) {
    %c0_i32 = arith.constant 0 : i32
    %c0_i32_0 = arith.constant 0 : i32
    return %arg0, %c0_i32 : i32, i32
  }
  func.func @transform_4(%arg0: i32) -> (i32, i32) {
    %c0_i32 = arith.constant 0 : i32
    %c0_i32_0 = arith.constant 0 : i32
    %c0_i32_1 = arith.constant 0 : i32
    return %c0_i32, %c0_i32_0 : i32, i32
  }
  func.func @transform_5(%arg0: i32) -> (i32, i32) {
    %c0_i32 = arith.constant 0 : i32
    %c0_i32_0 = arith.constant 0 : i32
    return %arg0, %c0_i32 : i32, i32
  }
}

</mosaic_0001>

<sc_bundles>
// kernel: kernel.11.cloned.1.call-start
scs
__scs_entry_jumppad:
0x0: {  	(pc) =	sbr.rel $0x88, $3  }
0x1: {  	(tag) =	ssettag $0x0;
	lr =	simm.s32 $0x1  }
0x2: {  	[smem:$0x3F99] =	sst lr;
	_ =	strace $0xD0000000  }
0x3: {  	_ = 	snop  }
0x4: {  	_ = 	snop  }
0x5: {  	_ = 	snop  }
0x6: {  	_ = 	snop  }
0x7: {  	_ = 	snop  }
__scs_overlays_trampoline_lowered:
0x8: {  	[smem:$0x3FA8] =	sst s0  }
0x9: {  	[smem:$0x3FA9] =	sst s1  }
0xa: {  	[smem:$0x3FAA] =	sst s2  }
0xb: {  	[smem:$0x3FAB] =	sst s3  }
0xc: {  	[smem:$0x3FAC] =	sst s4  }
0xd: {  	[smem:$0x3FAD] =	sst s5  }
0xe: {  	[smem:$0x3FAE] =	sst s6  }
0xf: {  	[smem:$0x3FAF] =	sst s7  }
0x10: {  	[smem:$0x3FB0] =	sst s8  }
0x11: {  	[smem:$0x3FB1] =	sst s9;
	s0 =	simm.s32 @!p0 $0x0  }
0x12: {  	s1 =	sld [smem:$0x3F97];
	s0 =	simm.s32 @p0 $0x1  }
0x13: {  	[smem:$0x3FB2] =	sst s0;
	s0 =	simm.s32 @!p1 $0x0  }
0x14: {  	s2 =	sld [smem:$0x3F96];
	s0 =	simm.s32 @p1 $0x1  }
0x15: {  	[smem:$0x3FB3] =	sst s0;
	s0 =	simm.s32 @!p2 $0x0  }
0x16: {  	s3 =	sld [smem:$0x3FDB];
	s0 =	simm.s32 @p2 $0x1  }
0x17: {  	s4 =	simm.s32 $0x1BF5;
	[smem:$0x3FB5] =	sst s0  }
0x18: {  	s0 =	sld [smem:$0x3F98];
	_ =	swait.ge [sflag:s4], $0x0  }
0x19: {  	s7 =	sld [smem:$0x3F99]  }
0x1a: {  	s8 =	sadd.s32 $0xFFFFE003, lr  }
0x1b: {  	s9 =	sadd.s32 $0xFFFFFEF7, lr;
	s5 =	simm.s32 $0xFFFFFFFF;
	p2 =	slt.u32 s8, $0xFFFFF086  }
0x1c: {  	p1 =	slt.u32 s9, $0xF7A;
	s5 =	simm.s32 @!p2 $0x0  }
0x1d: {  	s5 =	simm.s32 @p1 $0x1;
	p0 =	seq.s32 s7, s2  }
0x1e: {  	s7 =	smul.u32 @!p0 $0xF7A, s2;
	p2 =	seq.s32 @!p0 s5, $0x0  }
0x1f: {  	s9 =	smul.u32 $0xF7A, s1;
	s8 =	simm.s32 @!p0 $0x1BF5;
	p2 =	por !p2, p0  }
0x20: {  	[sflag:s8] =	ssyncset.s32 @!p0 $0xFFFFF086;
	s6 =	sadd.s32 @!p0 s3, s7;
	s7 =	simm.s32 @!p0 $0x108  }
0x21: {  	s3 =	sadd.s32 s3, s9;
	s6 =	sadd.s32 @!p0 $0x88, s6;
	s7 =	simm.s32 @p2 $0x1082  }
0x22: {  	[simem:s7], [sflag:s8] =	dma.local @!p0 [hbm:s6], $0xF7A  }
0x23: {  	s9 =	sor.u32 $0xD0000000, s2;
	s6 =	simm.s32 $0x108;
	_ =	swait.ge @!p0 [sflag:s8], $0x0  }
0x24: {  	s3 =	sadd.s32 $0x88, s3;
	s6 =	simm.s32 @!p1 $0x1082;
	[sflag:s4] =	ssyncset.s32 $0xFFFFF086  }
0x25: {  	[simem:s6], [sflag:s4] =	dma.local [hbm:s3], $0xF7A  }
0x26: {  	[smem:$0x3F99] =	sst s1;
	(tag) =	ssettag s2;
	_ =	strace s9  }
0x27: {  	s1 =	sld [smem:$0x3FA9]  }
0x28: {  	s2 =	sld [smem:$0x3FAA]  }
0x29: {  	s4 =	sld [smem:$0x3FAC]  }
0x2a: {  	p0 =	seq.s32 s5, $0x0;
	s5 =	sld [smem:$0x3FAD]  }
0x2b: {  	s6 =	sld [smem:$0x3FAE]  }
0x2c: {  	s7 =	sld [smem:$0x3FAF]  }
0x2d: {  	s3 =	simm.s32 $0x108;
	s8 =	sld [smem:$0x3FB0]  }
0x2e: {  	s3 =	simm.s32 @!p0 $0x1082;
	s9 =	sld [smem:$0x3FB1]  }
0x2f: {  	lr =	sadd.s32 s0, s3;
	s0 =	sld [smem:$0x3FA8]  }
0x30: {  	s3 =	sld [smem:$0x3FAB]  }
0x31: {  	[smem:$0x3FB4] =	sst s10  }
0x32: {  	s10 =	sld [smem:$0x3FB2];
	_ =	sdelay $0x3  }
0x33: {  	p0 =	seq.s32 s10, $0x1;
	s10 =	sld [smem:$0x3FB4];
	_ =	sdelay $0x3  }
0x34: {  	[smem:$0x3FB4] =	sst s10  }
0x35: {  	s10 =	sld [smem:$0x3FB3];
	_ =	sdelay $0x3  }
0x36: {  	p1 =	seq.s32 s10, $0x1;
	s10 =	sld [smem:$0x3FB4];
	_ =	sdelay $0x3  }
0x37: {  	[smem:$0x3FB4] =	sst s10  }
0x38: {  	s10 =	sld [smem:$0x3FB5]  }
0x39: {  	_ = 	snop;
	(pc) =	sbr.ind lr, $3  }
0x3a: {  	_ = 	snop  }
0x3b: {  	_ = 	snop  }
0x3c: {  	p2 =	seq.s32 s10, $0x1;
	s10 =	sld [smem:$0x3FB4]  }
0x3d: {  	_ =	shalt  }
0x3e: {  	_ =	shalt  }
0x3f: {  	_ =	shalt  }
0x40: {  	_ =	shalt  }
0x41: {  	_ =	shalt  }
0x42: {  	_ =	shalt  }
0x43: {  	_ =	shalt  }
0x44: {  	_ =	shalt  }
0x45: {  	_ =	shalt  }
0x46: {  	_ =	shalt  }
0x47: {  	_ =	shalt  }
0x48: {  	_ =	shalt  }
0x49: {  	_ =	shalt  }
0x4a: {  	_ =	shalt  }
0x4b: {  	_ =	shalt  }
0x4c: {  	_ =	shalt  }
0x4d: {  	_ =	shalt  }
0x4e: {  	_ =	shalt  }
0x4f: {  	_ =	shalt  }
0x50: {  	_ =	shalt  }
0x51: {  	_ =	shalt  }
0x52: {  	_ =	shalt  }
0x53: {  	_ =	shalt  }
0x54: {  	_ =	shalt  }
0x55: {  	_ =	shalt  }
0x56: {  	_ =	shalt  }
0x57: {  	_ =	shalt  }
0x58: {  	_ =	shalt  }
0x59: {  	_ =	shalt  }
0x5a: {  	_ =	shalt  }
0x5b: {  	_ =	shalt  }
0x5c: {  	_ =	shalt  }
0x5d: {  	_ =	shalt  }
0x5e: {  	_ =	shalt  }
0x5f: {  	_ =	shalt  }
0x60: {  	_ =	shalt  }
0x61: {  	_ =	shalt  }
0x62: {  	_ =	shalt  }
0x63: {  	_ =	shalt  }
0x64: {  	_ =	shalt  }
0x65: {  	_ =	shalt  }
0x66: {  	_ =	shalt  }
0x67: {  	_ =	shalt  }
0x68: {  	_ =	shalt  }
0x69: {  	_ =	shalt  }
0x6a: {  	_ =	shalt  }
0x6b: {  	_ =	shalt  }
0x6c: {  	_ =	shalt  }
0x6d: {  	_ =	shalt  }
0x6e: {  	_ =	shalt  }
0x6f: {  	_ =	shalt  }
0x70: {  	_ =	shalt  }
0x71: {  	_ =	shalt  }
0x72: {  	_ =	shalt  }
0x73: {  	_ =	shalt  }
0x74: {  	_ =	shalt  }
0x75: {  	_ =	shalt  }
0x76: {  	_ =	shalt  }
0x77: {  	_ =	shalt  }
0x78: {  	_ =	shalt  }
0x79: {  	_ =	shalt  }
0x7a: {  	_ =	shalt  }
0x7b: {  	_ =	shalt  }
0x7c: {  	_ =	shalt  }
0x7d: {  	_ =	shalt  }
0x7e: {  	_ =	shalt  }
0x7f: {  	_ =	shalt  }
0x80: {  	_ =	shalt  }
0x81: {  	_ =	shalt  }
0x82: {  	_ =	shalt  }
0x83: {  	_ =	shalt  }
0x84: {  	_ =	shalt  }
0x85: {  	_ =	shalt  }
0x86: {  	_ =	shalt  }
0x87: {  	_ =	shalt  }
.Lfunc_end0:
.L_simem_size_0:
called_computation.1_lowered:
.L_overlay_start_0:
0x88: {  	s2 =	sld [smem:$0x3FD9]  }
0x89: {  	s3 =	sld [smem:$0x3FFE];
	_ =	sdelay $0x1  }
0x8a: {  	s1 =	srdreg.scid  }
0x8b: {  	s0 =	sand.u32 $0x1, s1  }
0x8c: {  	s17 =	sshll.u32 s0, $0xA;
	s2 =	sadd.s32 s3, s2  }
0x8d: {  	s2 =	sadd.s32 s2, s17  }
0x8e: {  	[smem:$0x3FC0] =	sst s2  }
0x8f: {  	_ = 	snop  }
0x90: {  	s2 =	sld [smem:$0x3FD0];
	(tm) =	ssettm $0x1  }
0x91: {  	s18 =	sld [smem:$0x3FFB];
	_ =	sdelay $0x3  }
0x92: {  	_ =	strace s18  }
0x93: {  	s3 =	sld [smem:$0x3FFC];
	_ =	sdelay $0x3  }
0x94: {  	_ =	strace s3  }
0x95: {  	s3 =	sld [smem:$0x3FFD];
	_ =	sdelay $0x3  }
0x96: {  	_ =	strace s3  }
0x97: {  	_ =	strace $0x8FFFFFFF  }
0x98: {  	s19 =	sld [smem:$0x3FDB];
	_ =	sdelay $0x1  }
0x99: {  	s4 =	simm.s32 $_scs_section_size  }
0x9a: {  	s5 =	simm.s32 $_size__tile_overlayer_lowered;
	s6 =	simm.s32 $_tile_overlayer_lowered  }
0x9b: {  	s22 =	simm.s32 $0x1BFF;
	s21 =	sshll.u32 s6, $0x1;
	s3 =	sadd.s32 s4, s19  }
0x9c: {  	s7 =	simm.s32 $0x0;
	s20 =	sshll.u32 s5, $0x1;
	s5 =	sadd.s32 s21, s3  }
0x9d: {  	[timem:s7], [sflag:s22] =	dma.local [hbm:s5], s20  }
0x9e: {  	_ =	swait.ge [sflag:s22], s20  }
0x9f: {  	s4 =	ssub.s32 $0x0, s20;
	[sflag:s22] =	ssyncset.done $0x0  }
0xa0: {  	[sflag:s22] =	ssyncadd.s32 s4;
	_ =	sdelay $0x1  }
0xa1: {  	s23 =	simm.s32 $0x1B8B  }
0xa2: {  	_ =	swait.ge [sflag:s23], $0x1  }
0xa3: {  	[sflag:s23] =	ssyncset.done $0x0  }
0xa4: {  	s25 =	simm.s32 $0x1B8E;
	s24 =	sld [smem:$0x3FFE];
	[sflag:s23] =	ssyncadd.s32 $0xFFFFFFFF  }
0xa5: {  	s26 =	simm.s32 $execute0_lowered;
	[smem:$0x3FD2] =	sst s25  }
0xa6: {  	s5 =	sshll.u32 s26, $0x1;
	_ =	strace $0x80000049;
	[dreg:$0x1] =	wrdreg $0xFFFFFFFF  }
0xa7: {  	s28 =	simm.s32 $_size_execute0_lowered;
	s3 =	sadd.s32 s3, s5;
	[dreg:$0x0] =	wrdreg $0x0  }
0xa8: {  	s5 =	sshll.u32 s28, $0x1;
	[dreg:$0x2] =	wrdreg s3  }
0xa9: {  	[dreg:$0x3] =	wrdreg s5  }
0xaa: {  	[dreg:$0x4] =	wrdreg $0xC0  }
0xab: {  	_ =	task [dreg:s7], $0x5FFFF  }
0xac: {  	[dreg:$0x1] =	wrdreg $0xFFFFFFFF  }
0xad: {  	[dreg:$0x0] =	wrdreg $0x60  }
0xae: {  	[dreg:$0x2] =	wrdreg s2  }
0xaf: {  	[dreg:$0x3] =	wrdreg s24  }
0xb0: {  	[dreg:$0x4] =	wrdreg $0xA1000  }
0xb1: {  	[dreg:$0x5] =	wrdreg $0x9  }
0xb2: {  	_ =	task.clear_ibuf [dreg:s7], $0x6FFFF;
	_ =	strace $0x90000049  }
0xb3: {  	s29 =	simm.s32 $0x9;
	_ =	strace $0x8000004B  }
0xb4: {  	_ =	swait.ge [sflag:s29], $0x1  }
0xb5: {  	[sflag:s29] =	ssyncadd.s32 $0xFFFFFFFF  }
0xb6: {  	_ =	strace $0x9000004B  }
0xb7: {  	_ =	sfence  }
0xb8: {  	s30 =	sld [smem:$0x0];
	_ =	sdelay $0x2  }
0xb9: {  	s31 =	sshll.u32 s1, $0xD;
	s1 =	sshrl.u32 s1, $0x2  }
0xba: {  	s3 =	sand.u32 $0x4000, s31;
	s1 =	sadd.s32 s1, s30  }
0xbb: {  	s0 =	sor.u32 s3, s0;
	s1 =	sshll.u32 s1, $0x11  }
0xbc: {  	s0 =	sor.u32 s1, s0  }
0xbd: {  	s0 =	sadd.s32 $0x8F2B, s0  }
0xbe: {  	[sflag:s0] =	ssyncadd.remote.s32 $0x1  }
0xbf: {  	_ =	sfence.sel $0xFFFF  }
0xc0: {  	[dreg:$0x0] =	wrdreg $0xFFFFFFFF;
	(pc) =	sbr.abs _section_cstart, $3  }
0xc1: {  	[dreg:$0x1] =	wrdreg $0xFFFFFFFF  }
0xc2: {  	_ =	task.clear_ibuf [dreg:s7], $0x2FFFF;
	_ =	strace $0x9FFFFFFF  }
0xc3: {  	(tm) =	ssettm $0x7FFFFFFF  }
tec
execute0_lowered:
.L_overlay_start_1:
0x0: {  	(tag) =	ssettag $0x1  }
0x1: {  	s1 =	rddreg [dreg:$0x0]  }
0x2: {  	s0 =	rddreg [dreg:$0x1]  }
0x3: {  	s2 =	rddreg [dreg:$0x2];
	s3 =	srdreg.scid  }
0x4: {  	s4 =	simm.s32 $0x0;
	s10 =	stileid.u32;
	s28 =	simm.s32 $0x2900  }
0x5: {  	s29 =	simm.s32 $0x2800;
	s30 =	simm.s32 $0x5100;
	s6 =	smul.u32 $0x14000, s10  }
0x6: {  	s31 =	simm.s32 $0x7;
	s3 =	sand.u32 $0x1, s3;
	s9 =	smul.u32 $0x50000, s10  }
0x7: {  	[smem:$0x7FF] =	sst s4;
	s8 =	sadd.s32 $0x3000, s0;
	s18 =	smul.u32 $0x2710, s10  }
0x8: {  	s11 =	sadd.s32 $0x16A00, s0;
	s13 =	sshll.u32 s10, $0x6;
	s5 =	smul.u32 $0x140000, s3  }
0x9: {  	s7 =	sshll.u32 s3, $0x4;
	_ =	strace $0x8000004A;
	[dreg:$0x4] =	wrdreg s11  }
0xa: {  	s26 =	ssub.s32 $0x2, s3;
	[dreg:$0x5] =	wrdreg s13;
	s14 =	sor.u32 $0x1C01, s13  }
0xb: {  	s3 =	smul.u32 $0x27100, s3;
	s13 =	simm.s32 $0xA;
	s7 =	sor.u32 s10, s7  }
0xc: {  	s11 =	sshrl.u32 s26, $0x1;
	s12 =	sshrl.u32 s9, $0x2;
	[dreg:$0x6] =	wrdreg s14  }
0xd: {  	s10 =	simm.s32 $0x9;
	s5 =	sadd.s32 s6, s5;
	s25 =	smul.u32 $0x2710, s7  }
0xe: {  	s9 =	sadd.s32 s12, s2;
	s3 =	sadd.s32 s18, s3;
	s5 =	sshrl.u32 s5, $0x3  }
0xf: {  	s12 =	simm.s32 $0x6;
	s24 =	sadd.s32 $0x4E3E0, s3;
	s0 =	sadd.s32 s5, s0  }
0x10: {  	s5 =	ssub.s32 s26, s11;
	s6 =	sshrl.u32 s25, $0x3;
	s25 =	sadd.s32 $0x4E390, s3  }
0x11: {  	s3 =	sadd.s32 $0x4E340, s3;
	s7 =	sadd.s32 s8, s6;
	s0 =	sadd.s32 $0x19800, s0  }
0x12: {  	s11 =	simm.s32 $0x5;
	s15 =	sadd.s32 $0x9C40, s7;
	[dreg:$0xf] =	wrdreg s0  }
0x13: {  	s18 =	smax.u32 s5, $0x1;
	s16 =	sadd.s32 $0x9C4A, s7;
	[dreg:$0x7] =	wrdreg s15  }
0x14: {  	s26 =	sshrl.u32 s25, $0x3;
	s17 =	sadd.s32 $0x9C54, s7;
	[dreg:$0x8] =	wrdreg s16  }
0x15: {  	s3 =	sshrl.u32 s3, $0x3;
	s19 =	sadd.s32 $0x9C5E, s7;
	[dreg:$0x9] =	wrdreg s17  }
0x16: {  	s25 =	simm.s32 $0x2780;
	s20 =	sadd.s32 $0xA0FA, s7;
	[dreg:$0xa] =	wrdreg s19  }
0x17: {  	s5 =	simm.s32 $0x8;
	s21 =	sadd.s32 $0xA104, s7;
	[dreg:$0xb] =	wrdreg s20  }
0x18: {  	s6 =	simm.s32 $0x0;
	s22 =	sadd.s32 $0xA10E, s7;
	[dreg:$0xc] =	wrdreg s21  }
0x19: {  	s23 =	sadd.s32 $0xA118, s7;
	s0 =	sshrl.u32 s24, $0x3;
	[dreg:$0xd] =	wrdreg s22  }
0x1a: {  	s24 =	simm.s32 $0x2;
	[dreg:$0xe] =	wrdreg s23;
	s19 =	sadd.s32 s0, s8  }
0x1b: {  	s20 =	sadd.s32 s26, s8;
	s21 =	sadd.s32 s3, s8;
	s22 =	sshrl.u32 s9, $0x3  }
0x1c: {  	s23 =	simm.s32 $0x1;
	s26 =	simm.s32 $0x50;
	s0 =	simm.s32 $0x2880  }
0x1d: {  	s3 =	simm.s32 $0x7900;
	s8 =	simm.s32 $0x4;
	s9 =	simm.s32 $0x3  }
.LBB2_1:
0x1e: {  	s14 =	rddreg [dreg:$0x4]  }
0x1f: {  	s15 =	rddreg [dreg:$0x6]  }
0x20: {  	[spmem:s22], [sflag:s15] =	dma.local [hbm:s14], $0x2800  }
0x21: {  	[tilespmem:s4], [sflag:$0x2] =	stream.linear.gather [hbm4b:s7+s4], $0x2710, $0x38;
	[tilespmem:$0x1E100] =	vst v63  }
0x22: {  	_ =	swait.ge [sflag:s23], $0x2800  }
0x23: {  	[sflag:s23] =	ssyncset.done $0x0  }
0x24: {  	[sflag:s23] =	ssyncadd.s32 $0xFFFFD800  }
0x25: {  	_ =	swait.ge [sflag:s24], $0x2710  }
0x26: {  	[sflag:s24] =	ssyncset.done $0x0  }
0x27: {  	[sflag:s24] =	ssyncadd.s32 $0xFFFFD8F0  }
0x28: {  	[bflag:$0x0] =	sbarrier.arrive $0xFFFF  }
0x29: {  	s15 =	rddreg [dreg:$0x7]  }
0x2a: {  	[tilespmem:s25], [sflag:$0x7] =	stream.linear.gather [hbm4b:s15+s4], $0x50, $0x38;
	[tilespmem:$0x1E100] =	vst v63  }
0x2b: {  	_ = 	snop  }
0x2c: {  	[tilespmem:s28], [sflag:$0x1] =	stream.indirect.gather [hbm4b:s1+s26], $0x80, s4, s26, $0xb8;
	[tilespmem:$0x1E100] =	vst v63  }
0x2d: {  	s16 =	rddreg [dreg:$0x8]  }
0x2e: {  	[tilespmem:s29], [sflag:$0x8] =	stream.linear.gather [hbm4b:s16+s4], $0x50, $0x38;
	[tilespmem:$0x1E100] =	vst v63  }
0x2f: {  	_ = 	snop  }
0x30: {  	[tilespmem:s30], [sflag:$0x2] =	stream.indirect.gather [hbm4b:s1+s26], $0x80, s26, s26, $0xb8;
	[tilespmem:$0x1E100] =	vst v63  }
0x31: {  	_ =	swait.ge [sflag:s23], $0x2800  }
0x32: {  	[sflag:s23] =	ssyncset.done $0x0  }
0x33: {  	[sflag:s23] =	ssyncadd.s32 $0xFFFFD800  }
0x34: {  	_ =	swait.ge [sflag:s31], $0x50  }
0x35: {  	[sflag:s31] =	ssyncset.done $0x0  }
0x36: {  	[sflag:s31] =	ssyncadd.s32 $0xFFFFFFB0  }
0x37: {  	[spmem:s2] =	stream.indirect.scatter.add.f32 [tilespmem:s28], [sflag:$0x4], $0x80, s25, s26, $0xb8;
	[tilespmem:$0x1E100] =	vst v63  }
0x38: {  	s17 =	rddreg [dreg:$0x9]  }
0x39: {  	[tilespmem:s0], [sflag:$0x9] =	stream.linear.gather [hbm4b:s17+s4], $0x50, $0x38;
	[tilespmem:$0x1E100] =	vst v63  }
0x3a: {  	s15 =	simm.s32 $0xA0  }
0x3b: {  	[tilespmem:s3], [sflag:$0x3] =	stream.indirect.gather [hbm4b:s1+s26], $0x80, s15, s26, $0xb8;
	[tilespmem:$0x1E100] =	vst v63  }
0x3c: {  	_ =	swait.ge [sflag:s24], $0x2800  }
0x3d: {  	[sflag:s24] =	ssyncset.done $0x0  }
0x3e: {  	[sflag:s24] =	ssyncadd.s32 $0xFFFFD800  }
0x3f: {  	_ =	swait.ge [sflag:s5], $0x50  }
0x40: {  	[sflag:s5] =	ssyncset.done $0x0  }
0x41: {  	[sflag:s5] =	ssyncadd.s32 $0xFFFFFFB0  }
0x42: {  	[spmem:s2] =	stream.indirect.scatter.add.f32 [tilespmem:s30], [sflag:$0x5], $0x80, s29, s26, $0xb8;
	[tilespmem:$0x1E100] =	vst v63  }
0x43: {  	_ =	swait.ge [sflag:s8], $0x2800  }
0x44: {  	[sflag:s8] =	ssyncset.done $0x0  }
0x45: {  	s16 =	rddreg [dreg:$0xa];
	[sflag:s8] =	ssyncadd.s32 $0xFFFFD800  }
0x46: {  	[tilespmem:s25], [sflag:$0x7] =	stream.linear.gather [hbm4b:s16+s4], $0x50, $0x38;
	[tilespmem:$0x1E100] =	vst v63  }
0x47: {  	s17 =	simm.s32 $0xF0  }
0x48: {  	[tilespmem:s28], [sflag:$0x1] =	stream.indirect.gather [hbm4b:s1+s26], $0x80, s17, s26, $0xb8;
	[tilespmem:$0x1E100] =	vst v63  }
0x49: {  	_ =	swait.ge [sflag:s9], $0x2800  }
0x4a: {  	[sflag:s9] =	ssyncset.done $0x0  }
0x4b: {  	[sflag:s9] =	ssyncadd.s32 $0xFFFFD800  }
0x4c: {  	_ =	swait.ge [sflag:s10], $0x50  }
0x4d: {  	[sflag:s10] =	ssyncset.done $0x0  }
0x4e: {  	[sflag:s10] =	ssyncadd.s32 $0xFFFFFFB0  }
0x4f: {  	[spmem:s2] =	stream.indirect.scatter.add.f32 [tilespmem:s3], [sflag:$0x6], $0x80, s0, s26, $0xb8;
	[tilespmem:$0x1E100] =	vst v63  }
0x50: {  	_ =	swait.ge [sflag:s11], $0x2800  }
0x51: {  	[sflag:s11] =	ssyncset.done $0x0  }
0x52: {  	s15 =	sadd.s32 $0x0, s21;
	[sflag:s11] =	ssyncadd.s32 $0xFFFFD800  }
0x53: {  	[tilespmem:s29], [sflag:$0x8] =	stream.linear.gather [hbm4b:s15+s4], $0x50, $0x38;
	[tilespmem:$0x1E100] =	vst v63  }
0x54: {  	s16 =	simm.s32 $0x140  }
0x55: {  	[tilespmem:s30], [sflag:$0x2] =	stream.indirect.gather [hbm4b:s1+s26], $0x80, s16, s26, $0xb8;
	[tilespmem:$0x1E100] =	vst v63  }
0x56: {  	_ =	swait.ge [sflag:s23], $0x2800  }
0x57: {  	[sflag:s23] =	ssyncset.done $0x0  }
0x58: {  	[sflag:s23] =	ssyncadd.s32 $0xFFFFD800  }
0x59: {  	_ =	swait.ge [sflag:s31], $0x50  }
0x5a: {  	[sflag:s31] =	ssyncset.done $0x0  }
0x5b: {  	[sflag:s31] =	ssyncadd.s32 $0xFFFFFFB0  }
0x5c: {  	[spmem:s2] =	stream.indirect.scatter.add.f32 [tilespmem:s28], [sflag:$0x4], $0x80, s25, s26, $0xb8;
	[tilespmem:$0x1E100] =	vst v63  }
0x5d: {  	_ =	swait.ge [sflag:s12], $0x2800  }
0x5e: {  	[sflag:s12] =	ssyncset.done $0x0  }
0x5f: {  	s17 =	sadd.s32 $0x0, s20;
	[sflag:s12] =	ssyncadd.s32 $0xFFFFD800  }
0x60: {  	[tilespmem:s0], [sflag:$0x9] =	stream.linear.gather [hbm4b:s17+s4], $0x50, $0x38;
	[tilespmem:$0x1E100] =	vst v63  }
0x61: {  	s15 =	simm.s32 $0x190  }
0x62: {  	[tilespmem:s3], [sflag:$0x3] =	stream.indirect.gather [hbm4b:s1+s26], $0x80, s15, s26, $0xb8;
	[tilespmem:$0x1E100] =	vst v63  }
0x63: {  	_ =	swait.ge [sflag:s24], $0x2800  }
0x64: {  	[sflag:s24] =	ssyncset.done $0x0  }
0x65: {  	[sflag:s24] =	ssyncadd.s32 $0xFFFFD800  }
0x66: {  	_ =	swait.ge [sflag:s5], $0x50  }
0x67: {  	[sflag:s5] =	ssyncset.done $0x0  }
0x68: {  	[sflag:s5] =	ssyncadd.s32 $0xFFFFFFB0  }
0x69: {  	[spmem:s2] =	stream.indirect.scatter.add.f32 [tilespmem:s30], [sflag:$0x5], $0x80, s29, s26, $0xb8;
	[tilespmem:$0x1E100] =	vst v63  }
0x6a: {  	_ =	swait.ge [sflag:s8], $0x2800  }
0x6b: {  	[sflag:s8] =	ssyncset.done $0x0  }
0x6c: {  	s16 =	sadd.s32 $0x0, s19;
	[sflag:s8] =	ssyncadd.s32 $0xFFFFD800  }
0x6d: {  	[tilespmem:s25], [sflag:$0x7] =	stream.linear.gather [hbm4b:s16+s4], $0x50, $0x38;
	[tilespmem:$0x1E100] =	vst v63  }
0x6e: {  	s17 =	simm.s32 $0x1E0  }
0x6f: {  	[tilespmem:s28], [sflag:$0x1] =	stream.indirect.gather [hbm4b:s1+s26], $0x80, s17, s26, $0xb8;
	[tilespmem:$0x1E100] =	vst v63  }
0x70: {  	_ =	swait.ge [sflag:s9], $0x2800  }
0x71: {  	[sflag:s9] =	ssyncset.done $0x0  }
0x72: {  	[sflag:s9] =	ssyncadd.s32 $0xFFFFD800  }
0x73: {  	_ =	swait.ge [sflag:s10], $0x50  }
0x74: {  	[sflag:s10] =	ssyncset.done $0x0  }
0x75: {  	s14 =	simm.s32 $0x1E;
	s15 =	simm.s32 $0x2D0;
	[sflag:s10] =	ssyncadd.s32 $0xFFFFFFB0  }
.LBB2_2:
0x76: {  	[spmem:s2] =	stream.indirect.scatter.add.f32 [tilespmem:s3], [sflag:$0x6], $0x80, s0, s26, $0xb8;
	[tilespmem:$0x1E100] =	vst v63  }
0x77: {  	s16 =	smov.u32 s14  }
0x78: {  	p0 =	sne.s32 s14, $0x474;
	s14 =	sadd.s32 $0x1E, s14;
	_ =	swait.ge [sflag:s11], $0x2800  }
0x79: {  	[sflag:s11] =	ssyncset.done $0x0  }
0x7a: {  	s17 =	sadd.s32 s16, s21;
	[sflag:s11] =	ssyncadd.s32 $0xFFFFD800  }
0x7b: {  	[tilespmem:s29], [sflag:$0x8] =	stream.linear.gather [hbm4b:s17+s4], $0x50, $0x38;
	[tilespmem:$0x1E100] =	vst v63  }
0x7c: {  	s17 =	sadd.s32 $0xFFFFFF60, s15  }
0x7d: {  	[tilespmem:s30], [sflag:$0x2] =	stream.indirect.gather [hbm4b:s1+s26], $0x80, s17, s26, $0xb8;
	[tilespmem:$0x1E100] =	vst v63  }
0x7e: {  	_ =	swait.ge [sflag:s23], $0x2800  }
0x7f: {  	[sflag:s23] =	ssyncset.done $0x0  }
0x80: {  	[sflag:s23] =	ssyncadd.s32 $0xFFFFD800  }
0x81: {  	_ =	swait.ge [sflag:s31], $0x50  }
0x82: {  	[sflag:s31] =	ssyncset.done $0x0  }
0x83: {  	[sflag:s31] =	ssyncadd.s32 $0xFFFFFFB0  }
0x84: {  	[spmem:s2] =	stream.indirect.scatter.add.f32 [tilespmem:s28], [sflag:$0x4], $0x80, s25, s26, $0xb8;
	[tilespmem:$0x1E100] =	vst v63  }
0x85: {  	_ =	swait.ge [sflag:s12], $0x2800  }
0x86: {  	[sflag:s12] =	ssyncset.done $0x0  }
0x87: {  	s17 =	sadd.s32 s16, s20;
	[sflag:s12] =	ssyncadd.s32 $0xFFFFD800  }
0x88: {  	[tilespmem:s0], [sflag:$0x9] =	stream.linear.gather [hbm4b:s17+s4], $0x50, $0x38;
	[tilespmem:$0x1E100] =	vst v63  }
0x89: {  	s17 =	sadd.s32 $0xFFFFFFB0, s15  }
0x8a: {  	[tilespmem:s3], [sflag:$0x3] =	stream.indirect.gather [hbm4b:s1+s26], $0x80, s17, s26, $0xb8;
	[tilespmem:$0x1E100] =	vst v63  }
0x8b: {  	_ =	swait.ge [sflag:s24], $0x2800  }
0x8c: {  	[sflag:s24] =	ssyncset.done $0x0  }
0x8d: {  	[sflag:s24] =	ssyncadd.s32 $0xFFFFD800  }
0x8e: {  	_ =	swait.ge [sflag:s5], $0x50  }
0x8f: {  	[sflag:s5] =	ssyncset.done $0x0  }
0x90: {  	[sflag:s5] =	ssyncadd.s32 $0xFFFFFFB0  }
0x91: {  	[spmem:s2] =	stream.indirect.scatter.add.f32 [tilespmem:s30], [sflag:$0x5], $0x80, s29, s26, $0xb8;
	[tilespmem:$0x1E100] =	vst v63  }
0x92: {  	_ =	swait.ge [sflag:s8], $0x2800  }
0x93: {  	[sflag:s8] =	ssyncset.done $0x0  }
0x94: {  	s16 =	sadd.s32 s16, s19;
	[sflag:s8] =	ssyncadd.s32 $0xFFFFD800  }
0x95: {  	[tilespmem:s25], [sflag:$0x7] =	stream.linear.gather [hbm4b:s16+s4], $0x50, $0x38;
	[tilespmem:$0x1E100] =	vst v63  }
0x96: {  	_ = 	snop  }
0x97: {  	[tilespmem:s28], [sflag:$0x1] =	stream.indirect.gather [hbm4b:s1+s26], $0x80, s15, s26, $0xb8;
	[tilespmem:$0x1E100] =	vst v63  }
0x98: {  	_ =	swait.ge [sflag:s9], $0x2800  }
.Ltmp0:
0x99: {  	[sflag:s9] =	ssyncset.done $0x0;
	(pc) =	sbr.rel @p0 .LBB2_2-.Ltmp0, $4  }
0x9a: {  	[sflag:s9] =	ssyncadd.s32 $0xFFFFD800  }
0x9b: {  	_ =	swait.ge [sflag:s10], $0x50  }
0x9c: {  	[sflag:s10] =	ssyncset.done $0x0  }
0x9d: {  	s15 =	sadd.s32 $0xF0, s15;
	[sflag:s10] =	ssyncadd.s32 $0xFFFFFFB0  }
0x9e: {  	[spmem:s2] =	stream.indirect.scatter.add.f32 [tilespmem:s3], [sflag:$0x6], $0x80, s0, s26, $0xb8;
	[tilespmem:$0x1E100] =	vst v63  }
0x9f: {  	_ =	swait.ge [sflag:s11], $0x2800  }
0xa0: {  	[sflag:s11] =	ssyncset.done $0x0  }
0xa1: {  	s14 =	rddreg [dreg:$0xb];
	[sflag:s11] =	ssyncadd.s32 $0xFFFFD800  }
0xa2: {  	[tilespmem:s29], [sflag:$0x8] =	stream.linear.gather [hbm4b:s14+s4], $0x50, $0x38;
	[tilespmem:$0x1E100] =	vst v63  }
0xa3: {  	s16 =	simm.s32 $0x25D0  }
0xa4: {  	[tilespmem:s30], [sflag:$0x2] =	stream.indirect.gather [hbm4b:s1+s26], $0x80, s16, s26, $0xb8;
	[tilespmem:$0x1E100] =	vst v63  }
0xa5: {  	_ =	swait.ge [sflag:s23], $0x2800  }
0xa6: {  	[sflag:s23] =	ssyncset.done $0x0  }
0xa7: {  	[sflag:s23] =	ssyncadd.s32 $0xFFFFD800  }
0xa8: {  	_ =	swait.ge [sflag:s31], $0x50  }
0xa9: {  	[sflag:s31] =	ssyncset.done $0x0  }
0xaa: {  	[sflag:s31] =	ssyncadd.s32 $0xFFFFFFB0  }
0xab: {  	[spmem:s2] =	stream.indirect.scatter.add.f32 [tilespmem:s28], [sflag:$0x4], $0x80, s25, s26, $0xb8;
	[tilespmem:$0x1E100] =	vst v63  }
0xac: {  	_ =	swait.ge [sflag:s12], $0x2800  }
0xad: {  	[sflag:s12] =	ssyncset.done $0x0  }
0xae: {  	s17 =	rddreg [dreg:$0xc];
	[sflag:s12] =	ssyncadd.s32 $0xFFFFD800  }
0xaf: {  	[tilespmem:s0], [sflag:$0x9] =	stream.linear.gather [hbm4b:s17+s4], $0x50, $0x38;
	[tilespmem:$0x1E100] =	vst v63  }
0xb0: {  	s15 =	simm.s32 $0x2620  }
0xb1: {  	[tilespmem:s3], [sflag:$0x3] =	stream.indirect.gather [hbm4b:s1+s26], $0x80, s15, s26, $0xb8;
	[tilespmem:$0x1E100] =	vst v63  }
0xb2: {  	_ =	swait.ge [sflag:s24], $0x2800  }
0xb3: {  	[sflag:s24] =	ssyncset.done $0x0  }
0xb4: {  	[sflag:s24] =	ssyncadd.s32 $0xFFFFD800  }
0xb5: {  	_ =	swait.ge [sflag:s5], $0x50  }
0xb6: {  	[sflag:s5] =	ssyncset.done $0x0  }
0xb7: {  	[sflag:s5] =	ssyncadd.s32 $0xFFFFFFB0  }
0xb8: {  	[spmem:s2] =	stream.indirect.scatter.add.f32 [tilespmem:s30], [sflag:$0x5], $0x80, s29, s26, $0xb8;
	[tilespmem:$0x1E100] =	vst v63  }
0xb9: {  	_ =	swait.ge [sflag:s8], $0x2800  }
0xba: {  	[sflag:s8] =	ssyncset.done $0x0  }
0xbb: {  	s16 =	rddreg [dreg:$0xd];
	[sflag:s8] =	ssyncadd.s32 $0xFFFFD800  }
0xbc: {  	[tilespmem:s25], [sflag:$0x7] =	stream.linear.gather [hbm4b:s16+s4], $0x50, $0x38;
	[tilespmem:$0x1E100] =	vst v63  }
0xbd: {  	s17 =	simm.s32 $0x2670  }
0xbe: {  	[tilespmem:s28], [sflag:$0x1] =	stream.indirect.gather [hbm4b:s1+s26], $0x80, s17, s26, $0xb8;
	[tilespmem:$0x1E100] =	vst v63  }
0xbf: {  	_ =	swait.ge [sflag:s9], $0x2800  }
0xc0: {  	[sflag:s9] =	ssyncset.done $0x0  }
0xc1: {  	[sflag:s9] =	ssyncadd.s32 $0xFFFFD800  }
0xc2: {  	_ =	swait.ge [sflag:s10], $0x50  }
0xc3: {  	[sflag:s10] =	ssyncset.done $0x0  }
0xc4: {  	[sflag:s10] =	ssyncadd.s32 $0xFFFFFFB0  }
0xc5: {  	[spmem:s2] =	stream.indirect.scatter.add.f32 [tilespmem:s3], [sflag:$0x6], $0x80, s0, s26, $0xb8;
	[tilespmem:$0x1E100] =	vst v63  }
0xc6: {  	_ =	swait.ge [sflag:s11], $0x2800  }
0xc7: {  	[sflag:s11] =	ssyncset.done $0x0  }
0xc8: {  	s15 =	rddreg [dreg:$0xe];
	[sflag:s11] =	ssyncadd.s32 $0xFFFFD800  }
0xc9: {  	[tilespmem:s29], [sflag:$0x8] =	stream.linear.gather [hbm4b:s15+s4], $0x50, $0x38;
	[tilespmem:$0x1E100] =	vst v63  }
0xca: {  	s16 =	simm.s32 $0x26C0  }
0xcb: {  	[tilespmem:s30], [sflag:$0x2] =	stream.indirect.gather [hbm4b:s1+s26], $0x80, s16, s26, $0xb8;
	[tilespmem:$0x1E100] =	vst v63  }
0xcc: {  	_ =	swait.ge [sflag:s23], $0x2800  }
0xcd: {  	[sflag:s23] =	ssyncset.done $0x0  }
0xce: {  	[sflag:s23] =	ssyncadd.s32 $0xFFFFD800  }
0xcf: {  	_ =	swait.ge [sflag:s31], $0x50  }
0xd0: {  	[sflag:s31] =	ssyncset.done $0x0  }
0xd1: {  	[sflag:s31] =	ssyncadd.s32 $0xFFFFFFB0  }
0xd2: {  	[spmem:s2] =	stream.indirect.scatter.add.f32 [tilespmem:s28], [sflag:$0x4], $0x80, s25, s26, $0xb8;
	[tilespmem:$0x1E100] =	vst v63  }
0xd3: {  	_ =	swait.ge [sflag:s12], $0x2800  }
0xd4: {  	[sflag:s12] =	ssyncset.done $0x0  }
0xd5: {  	[sflag:s12] =	ssyncadd.s32 $0xFFFFD800  }
0xd6: {  	_ =	swait.ge [sflag:s24], $0x2800  }
0xd7: {  	[sflag:s24] =	ssyncset.done $0x0  }
0xd8: {  	[sflag:s24] =	ssyncadd.s32 $0xFFFFD800  }
0xd9: {  	_ =	swait.ge [sflag:s5], $0x50  }
0xda: {  	[sflag:s5] =	ssyncset.done $0x0  }
0xdb: {  	[sflag:s5] =	ssyncadd.s32 $0xFFFFFFB0  }
0xdc: {  	[spmem:s2] =	stream.indirect.scatter.add.f32 [tilespmem:s30], [sflag:$0x5], $0x80, s29, s26, $0xb8;
	[tilespmem:$0x1E100] =	vst v63  }
0xdd: {  	_ =	swait.ge [sflag:s8], $0x2800  }
0xde: {  	[sflag:s8] =	ssyncset.done $0x0  }
0xdf: {  	[sflag:s8] =	ssyncadd.s32 $0xFFFFD800  }
0xe0: {  	_ =	swait.ge [sflag:s11], $0x2800  }
0xe1: {  	[sflag:s11] =	ssyncset.done $0x0  }
0xe2: {  	[sflag:s11] =	ssyncadd.s32 $0xFFFFD800  }
0xe3: {  	s6 =	sadd.s32 $0x1, s6;
	[bflag:$0x0] =	sbarrier.arrive $0xFFFF  }
0xe4: {  	p0 =	sne.s32 s6, s18;
	s17 =	rddreg [dreg:$0x5]  }
.Ltmp1:
0xe5: {  	s15 =	rddreg [dreg:$0xf];
	s14 =	sor.u32 $0x1C0A, s17;
	(pc) =	sbr.rel @p0 .LBB2_1-.Ltmp1, $4  }
0xe6: {  	[hbm:s15], [sflag:s14] =	dma.local [spmem:s22], $0x2800  }
0xe7: {  	_ =	swait.ge [sflag:s13], $0x2800  }
0xe8: {  	[sflag:s13] =	ssyncset.done $0x0  }
0xe9: {  	[sflag:s13] =	ssyncadd.s32 $0xFFFFD800  }
0xea: {  	_ =	sfence.sel $0x180000  }
0xeb: {  	[bflag:$0x0] =	sbarrier.arrive $0xFFFF  }
0xec: {  	_ =	strace $0x9000004A  }
0xed: {  	s0 =	stileid.u32;
	[bflag:$0x2] =	sbarrier.arrive $0xFFFF  }
0xee: {  	p0 =	sne.s32 s0, $0x0;
	s0 =	rddreg [dreg:$0x3]  }
0xef: {  	s0 =	sadd.s32 @!p0 $0x100000, s0  }
0xf0: {  	[sflag:s0] =	ssyncadd.tile.s32 @!p0 $0x1;
	_ =	shalt  }
.Lfunc_end2:
_tile_overlayer_lowered:
.L_overlay_start_2:
0xf1: {  	(tag) =	ssettag $0x2  }
0xf2: {  	s0 =	rddreg [dreg:$0x0];
	s2 =	stileid.u32  }
0xf3: {  	s1 =	rddreg [dreg:$0x1];
	p0 =	sne.s32 s2, $0x0  }
0xf4: {  	s3 =	rddreg [dreg:$0x2];
	[bflag:$0x3] =	sbarrier.arrive $0xFFFF;
	s2 =	simm.s32 @!p0 $0x1C0A  }
0xf5: {  	[timem:s3], [sflag:s2] =	dma.local @!p0 [hbm:s0], s1  }
0xf6: {  	s0 =	simm.s32 @!p0 $0xA  }
0xf7: {  	_ =	swait.ge @!p0 [sflag:s0], s1  }
0xf8: {  	s1 =	ssub.s32 @!p0 $0x0, s1;
	[sflag:s0] =	ssyncset.done @!p0 $0x0  }
0xf9: {  	[sflag:s0] =	ssyncadd.s32 @!p0 s1  }
0xfa: {  	[bflag:$0x3] =	sbarrier.arrive $0xFFFF  }
0xfb: {  	_ =	shalt  }

// kernel: kernel.8.cloned.1.call-start
scs
__scs_entry_jumppad:
0x0: {  	(pc) =	sbr.rel $0x88, $3  }
0x1: {  	(tag) =	ssettag $0x0;
	lr =	simm.s32 $0x1  }
0x2: {  	[smem:$0x3F99] =	sst lr;
	_ =	strace $0xD0000000  }
0x3: {  	_ = 	snop  }
0x4: {  	_ = 	snop  }
0x5: {  	_ = 	snop  }
0x6: {  	_ = 	snop  }
0x7: {  	_ = 	snop  }
__scs_overlays_trampoline_lowered:
0x8: {  	[smem:$0x3FA8] =	sst s0  }
0x9: {  	[smem:$0x3FA9] =	sst s1  }
0xa: {  	[smem:$0x3FAA] =	sst s2  }
0xb: {  	[smem:$0x3FAB] =	sst s3  }
0xc: {  	[smem:$0x3FAC] =	sst s4  }
0xd: {  	[smem:$0x3FAD] =	sst s5  }
0xe: {  	[smem:$0x3FAE] =	sst s6  }
0xf: {  	[smem:$0x3FAF] =	sst s7  }
0x10: {  	[smem:$0x3FB0] =	sst s8  }
0x11: {  	[smem:$0x3FB1] =	sst s9;
	s0 =	simm.s32 @!p0 $0x0  }
0x12: {  	s1 =	sld [smem:$0x3F97];
	s0 =	simm.s32 @p0 $0x1  }
0x13: {  	[smem:$0x3FB2] =	sst s0;
	s0 =	simm.s32 @!p1 $0x0  }
0x14: {  	s2 =	sld [smem:$0x3F96];
	s0 =	simm.s32 @p1 $0x1  }
0x15: {  	[smem:$0x3FB3] =	sst s0;
	s0 =	simm.s32 @!p2 $0x0  }
0x16: {  	s3 =	sld [smem:$0x3FDB];
	s0 =	simm.s32 @p2 $0x1  }
0x17: {  	s4 =	simm.s32 $0x1BF5;
	[smem:$0x3FB5] =	sst s0  }
0x18: {  	s0 =	sld [smem:$0x3F98];
	_ =	swait.ge [sflag:s4], $0x0  }
0x19: {  	s7 =	sld [smem:$0x3F99]  }
0x1a: {  	s8 =	sadd.s32 $0xFFFFE003, lr  }
0x1b: {  	s9 =	sadd.s32 $0xFFFFFEF7, lr;
	s5 =	simm.s32 $0xFFFFFFFF;
	p2 =	slt.u32 s8, $0xFFFFF086  }
0x1c: {  	p1 =	slt.u32 s9, $0xF7A;
	s5 =	simm.s32 @!p2 $0x0  }
0x1d: {  	s5 =	simm.s32 @p1 $0x1;
	p0 =	seq.s32 s7, s2  }
0x1e: {  	s7 =	smul.u32 @!p0 $0xF7A, s2;
	p2 =	seq.s32 @!p0 s5, $0x0  }
0x1f: {  	s9 =	smul.u32 $0xF7A, s1;
	s8 =	simm.s32 @!p0 $0x1BF5;
	p2 =	por !p2, p0  }
0x20: {  	[sflag:s8] =	ssyncset.s32 @!p0 $0xFFFFF086;
	s6 =	sadd.s32 @!p0 s3, s7;
	s7 =	simm.s32 @!p0 $0x108  }
0x21: {  	s3 =	sadd.s32 s3, s9;
	s6 =	sadd.s32 @!p0 $0x88, s6;
	s7 =	simm.s32 @p2 $0x1082  }
0x22: {  	[simem:s7], [sflag:s8] =	dma.local @!p0 [hbm:s6], $0xF7A  }
0x23: {  	s9 =	sor.u32 $0xD0000000, s2;
	s6 =	simm.s32 $0x108;
	_ =	swait.ge @!p0 [sflag:s8], $0x0  }
0x24: {  	s3 =	sadd.s32 $0x88, s3;
	s6 =	simm.s32 @!p1 $0x1082;
	[sflag:s4] =	ssyncset.s32 $0xFFFFF086  }
0x25: {  	[simem:s6], [sflag:s4] =	dma.local [hbm:s3], $0xF7A  }
0x26: {  	[smem:$0x3F99] =	sst s1;
	(tag) =	ssettag s2;
	_ =	strace s9  }
0x27: {  	s1 =	sld [smem:$0x3FA9]  }
0x28: {  	s2 =	sld [smem:$0x3FAA]  }
0x29: {  	s4 =	sld [smem:$0x3FAC]  }
0x2a: {  	p0 =	seq.s32 s5, $0x0;
	s5 =	sld [smem:$0x3FAD]  }
0x2b: {  	s6 =	sld [smem:$0x3FAE]  }
0x2c: {  	s7 =	sld [smem:$0x3FAF]  }
0x2d: {  	s3 =	simm.s32 $0x108;
	s8 =	sld [smem:$0x3FB0]  }
0x2e: {  	s3 =	simm.s32 @!p0 $0x1082;
	s9 =	sld [smem:$0x3FB1]  }
0x2f: {  	lr =	sadd.s32 s0, s3;
	s0 =	sld [smem:$0x3FA8]  }
0x30: {  	s3 =	sld [smem:$0x3FAB]  }
0x31: {  	[smem:$0x3FB4] =	sst s10  }
0x32: {  	s10 =	sld [smem:$0x3FB2];
	_ =	sdelay $0x3  }
0x33: {  	p0 =	seq.s32 s10, $0x1;
	s10 =	sld [smem:$0x3FB4];
	_ =	sdelay $0x3  }
0x34: {  	[smem:$0x3FB4] =	sst s10  }
0x35: {  	s10 =	sld [smem:$0x3FB3];
	_ =	sdelay $0x3  }
0x36: {  	p1 =	seq.s32 s10, $0x1;
	s10 =	sld [smem:$0x3FB4];
	_ =	sdelay $0x3  }
0x37: {  	[smem:$0x3FB4] =	sst s10  }
0x38: {  	s10 =	sld [smem:$0x3FB5]  }
0x39: {  	_ = 	snop;
	(pc) =	sbr.ind lr, $3  }
0x3a: {  	_ = 	snop  }
0x3b: {  	_ = 	snop  }
0x3c: {  	p2 =	seq.s32 s10, $0x1;
	s10 =	sld [smem:$0x3FB4]  }
0x3d: {  	_ =	shalt  }
0x3e: {  	_ =	shalt  }
0x3f: {  	_ =	shalt  }
0x40: {  	_ =	shalt  }
0x41: {  	_ =	shalt  }
0x42: {  	_ =	shalt  }
0x43: {  	_ =	shalt  }
0x44: {  	_ =	shalt  }
0x45: {  	_ =	shalt  }
0x46: {  	_ =	shalt  }
0x47: {  	_ =	shalt  }
0x48: {  	_ =	shalt  }
0x49: {  	_ =	shalt  }
0x4a: {  	_ =	shalt  }
0x4b: {  	_ =	shalt  }
0x4c: {  	_ =	shalt  }
0x4d: {  	_ =	shalt  }
0x4e: {  	_ =	shalt  }
0x4f: {  	_ =	shalt  }
0x50: {  	_ =	shalt  }
0x51: {  	_ =	shalt  }
0x52: {  	_ =	shalt  }
0x53: {  	_ =	shalt  }
0x54: {  	_ =	shalt  }
0x55: {  	_ =	shalt  }
0x56: {  	_ =	shalt  }
0x57: {  	_ =	shalt  }
0x58: {  	_ =	shalt  }
0x59: {  	_ =	shalt  }
0x5a: {  	_ =	shalt  }
0x5b: {  	_ =	shalt  }
0x5c: {  	_ =	shalt  }
0x5d: {  	_ =	shalt  }
0x5e: {  	_ =	shalt  }
0x5f: {  	_ =	shalt  }
0x60: {  	_ =	shalt  }
0x61: {  	_ =	shalt  }
0x62: {  	_ =	shalt  }
0x63: {  	_ =	shalt  }
0x64: {  	_ =	shalt  }
0x65: {  	_ =	shalt  }
0x66: {  	_ =	shalt  }
0x67: {  	_ =	shalt  }
0x68: {  	_ =	shalt  }
0x69: {  	_ =	shalt  }
0x6a: {  	_ =	shalt  }
0x6b: {  	_ =	shalt  }
0x6c: {  	_ =	shalt  }
0x6d: {  	_ =	shalt  }
0x6e: {  	_ =	shalt  }
0x6f: {  	_ =	shalt  }
0x70: {  	_ =	shalt  }
0x71: {  	_ =	shalt  }
0x72: {  	_ =	shalt  }
0x73: {  	_ =	shalt  }
0x74: {  	_ =	shalt  }
0x75: {  	_ =	shalt  }
0x76: {  	_ =	shalt  }
0x77: {  	_ =	shalt  }
0x78: {  	_ =	shalt  }
0x79: {  	_ =	shalt  }
0x7a: {  	_ =	shalt  }
0x7b: {  	_ =	shalt  }
0x7c: {  	_ =	shalt  }
0x7d: {  	_ =	shalt  }
0x7e: {  	_ =	shalt  }
0x7f: {  	_ =	shalt  }
0x80: {  	_ =	shalt  }
0x81: {  	_ =	shalt  }
0x82: {  	_ =	shalt  }
0x83: {  	_ =	shalt  }
0x84: {  	_ =	shalt  }
0x85: {  	_ =	shalt  }
0x86: {  	_ =	shalt  }
0x87: {  	_ =	shalt  }
.Lfunc_end0:
.L_simem_size_0:
called_computation_lowered:
.L_overlay_start_0:
0x88: {  	s2 =	sld [smem:$0x3FD9]  }
0x89: {  	s3 =	sld [smem:$0x3FFE];
	_ =	sdelay $0x1  }
0x8a: {  	s1 =	srdreg.scid  }
0x8b: {  	s0 =	sand.u32 $0x1, s1  }
0x8c: {  	s17 =	sshll.u32 s0, $0xA;
	s2 =	sadd.s32 s3, s2  }
0x8d: {  	s2 =	sadd.s32 s2, s17  }
0x8e: {  	[smem:$0x3FC0] =	sst s2  }
0x8f: {  	_ = 	snop  }
0x90: {  	s2 =	sld [smem:$0x3FC9];
	(tm) =	ssettm $0x1  }
0x91: {  	s18 =	sld [smem:$0x3FFB];
	_ =	sdelay $0x3  }
0x92: {  	_ =	strace s18  }
0x93: {  	s3 =	sld [smem:$0x3FFC];
	_ =	sdelay $0x3  }
0x94: {  	_ =	strace s3  }
0x95: {  	s3 =	sld [smem:$0x3FFD];
	_ =	sdelay $0x3  }
0x96: {  	_ =	strace s3  }
0x97: {  	_ =	strace $0x8FFFFFFF  }
0x98: {  	s19 =	sld [smem:$0x3FDB];
	_ =	sdelay $0x1  }
0x99: {  	s4 =	simm.s32 $_scs_section_size  }
0x9a: {  	s5 =	simm.s32 $_size__tile_overlayer_lowered;
	s6 =	simm.s32 $_tile_overlayer_lowered  }
0x9b: {  	s22 =	simm.s32 $0x1BFF;
	s21 =	sshll.u32 s6, $0x1;
	s3 =	sadd.s32 s4, s19  }
0x9c: {  	s7 =	simm.s32 $0x0;
	s20 =	sshll.u32 s5, $0x1;
	s5 =	sadd.s32 s21, s3  }
0x9d: {  	[timem:s7], [sflag:s22] =	dma.local [hbm:s5], s20  }
0x9e: {  	_ =	swait.ge [sflag:s22], s20  }
0x9f: {  	s4 =	ssub.s32 $0x0, s20;
	[sflag:s22] =	ssyncset.done $0x0  }
0xa0: {  	[sflag:s22] =	ssyncadd.s32 s4;
	_ =	sdelay $0x1  }
0xa1: {  	s23 =	simm.s32 $0x1B8B  }
0xa2: {  	_ =	swait.ge [sflag:s23], $0x1  }
0xa3: {  	[sflag:s23] =	ssyncset.done $0x0  }
0xa4: {  	s25 =	simm.s32 $0x1B8E;
	s24 =	sld [smem:$0x3FFE];
	[sflag:s23] =	ssyncadd.s32 $0xFFFFFFFF  }
0xa5: {  	s26 =	simm.s32 $execute0_lowered;
	[smem:$0x3FD2] =	sst s25  }
0xa6: {  	s5 =	sshll.u32 s26, $0x1;
	_ =	strace $0x80000046;
	[dreg:$0x1] =	wrdreg $0xFFFFFFFF  }
0xa7: {  	s28 =	simm.s32 $_size_execute0_lowered;
	s3 =	sadd.s32 s3, s5;
	[dreg:$0x0] =	wrdreg $0x0  }
0xa8: {  	s5 =	sshll.u32 s28, $0x1;
	[dreg:$0x2] =	wrdreg s3  }
0xa9: {  	[dreg:$0x3] =	wrdreg s5  }
0xaa: {  	[dreg:$0x4] =	wrdreg $0xC0  }
0xab: {  	_ =	task [dreg:s7], $0x5FFFF  }
0xac: {  	[dreg:$0x1] =	wrdreg $0xFFFFFFFF  }
0xad: {  	[dreg:$0x0] =	wrdreg $0x60  }
0xae: {  	[dreg:$0x2] =	wrdreg s2  }
0xaf: {  	[dreg:$0x3] =	wrdreg s24  }
0xb0: {  	[dreg:$0x4] =	wrdreg $0xA1800  }
0xb1: {  	[dreg:$0x5] =	wrdreg $0x1E1800  }
0xb2: {  	[dreg:$0x6] =	wrdreg $0x9  }
0xb3: {  	_ =	task.clear_ibuf [dreg:s7], $0x7FFFF;
	_ =	strace $0x90000046  }
0xb4: {  	s29 =	simm.s32 $0x9;
	_ =	strace $0x80000048  }
0xb5: {  	_ =	swait.ge [sflag:s29], $0x1  }
0xb6: {  	[sflag:s29] =	ssyncadd.s32 $0xFFFFFFFF  }
0xb7: {  	_ =	strace $0x90000048  }
0xb8: {  	_ =	sfence  }
0xb9: {  	s30 =	sld [smem:$0x0];
	_ =	sdelay $0x2  }
0xba: {  	s31 =	sshll.u32 s1, $0xD;
	s1 =	sshrl.u32 s1, $0x2  }
0xbb: {  	s3 =	sand.u32 $0x4000, s31;
	s1 =	sadd.s32 s1, s30  }
0xbc: {  	s0 =	sor.u32 s3, s0;
	s1 =	sshll.u32 s1, $0x11  }
0xbd: {  	s0 =	sor.u32 s1, s0  }
0xbe: {  	s0 =	sadd.s32 $0x8F2B, s0  }
0xbf: {  	[sflag:s0] =	ssyncadd.remote.s32 $0x1  }
0xc0: {  	_ =	sfence.sel $0xFFFF  }
0xc1: {  	[dreg:$0x0] =	wrdreg $0xFFFFFFFF;
	(pc) =	sbr.abs _section_cstart, $3  }
0xc2: {  	[dreg:$0x1] =	wrdreg $0xFFFFFFFF  }
0xc3: {  	_ =	task.clear_ibuf [dreg:s7], $0x2FFFF;
	_ =	strace $0x9FFFFFFF  }
0xc4: {  	(tm) =	ssettm $0x7FFFFFFF  }
0xc5: {  	_ =	shalt  }
tec
execute0_lowered:
.L_overlay_start_1:
0x0: {  	(tag) =	ssettag $0x1  }
0x1: {  	s1 =	rddreg [dreg:$0x0]  }
0x2: {  	s0 =	rddreg [dreg:$0x1]  }
0x3: {  	s2 =	rddreg [dreg:$0x2]  }
0x4: {  	s3 =	rddreg [dreg:$0x3]  }
0x5: {  	s4 =	srdreg.scid;
	s6 =	stileid.u32  }
0x6: {  	s28 =	simm.s32 $0x2900;
	s29 =	simm.s32 $0x2800;
	s30 =	simm.s32 $0x5100  }
0x7: {  	s31 =	simm.s32 $0x7;
	s5 =	sand.u32 $0x1, s4;
	s4 =	simm.s32 $0x0  }
0x8: {  	s8 =	smul.u32 $0x14000, s6;
	s9 =	sadd.s32 $0x3000, s0;
	s10 =	sadd.s32 $0x16A00, s0  }
0x9: {  	s21 =	sadd.s32 $0x19200, s0;
	s22 =	sadd.s32 $0x69800, s0;
	s11 =	smul.u32 $0x50000, s6  }
0xa: {  	s26 =	smul.u32 $0x2710, s6;
	s14 =	sshll.u32 s6, $0x6;
	p0 =	seq.s32 s6, $0x0  }
0xb: {  	s7 =	smul.u32 $0x140000, s5;
	[smem:$0x7FF] =	sst s4;
	s20 =	sshll.u32 s5, $0x4  }
0xc: {  	s23 =	ssub.s32 $0x2, s5;
	_ =	strace $0x80000047;
	[dreg:$0x8] =	wrdreg s10  }
0xd: {  	s13 =	smul.u32 $0x27100, s5;
	p1 =	seq.s32 s5, $0x1;
	[dreg:$0x9] =	wrdreg s21  }
0xe: {  	s5 =	sor.u32 s5, s6;
	[dreg:$0xa] =	wrdreg s22;
	s24 =	sshrl.u32 s23, $0x1  }
0xf: {  	s25 =	sshrl.u32 s11, $0x2;
	[dreg:$0xd] =	wrdreg s14;
	p0 =	por !p0, !p1  }
0x10: {  	p2 =	sne.s32 s5, $0x0;
	s5 =	simm.s32 $0x2880;
	s11 =	simm.s32 $0x3  }
0x11: {  	s7 =	sadd.s32 s8, s7;
	s8 =	sor.u32 s6, s20;
	s10 =	sadd.s32 s25, s2  }
0x12: {  	s15 =	sadd.s32 s26, s13;
	p1 =	por !p0, !p0;
	p0 =	sne.s32 s6, $0x0  }
0x13: {  	s6 =	simm.s32 $0x7900;
	s13 =	simm.s32 $0x9;
	s7 =	sshrl.u32 s7, $0x3  }
0x14: {  	s8 =	smul.u32 $0x2710, s8;
	[dreg:$0xc] =	wrdreg s10;
	s10 =	sor.u32 $0x1C01, s14  }
0x15: {  	s17 =	sadd.s32 $0x4E3E0, s15;
	s21 =	sadd.s32 $0x4E390, s15;
	s7 =	sadd.s32 s7, s0  }
0x16: {  	s0 =	sadd.s32 $0x69E00, s0;
	[dreg:$0xe] =	wrdreg s10;
	s10 =	sshrl.u32 s17, $0x3  }
0x17: {  	[dreg:$0xb] =	wrdreg s0;
	s0 =	ssub.s32 s23, s24;
	s10 =	sadd.s32 s10, s9  }
0x18: {  	s23 =	sshrl.u32 s21, $0x3;
	s7 =	sadd.s32 $0x19800, s7;
	[dreg:$0x5] =	wrdreg s10  }
0x19: {  	s8 =	sshrl.u32 s8, $0x3;
	s10 =	sadd.s32 s23, s9;
	[dreg:$0x18] =	wrdreg s7  }
0x1a: {  	s14 =	simm.s32 $0x5;
	s12 =	sadd.s32 s9, s8;
	[dreg:$0x6] =	wrdreg s10  }
0x1b: {  	s17 =	simm.s32 $0xD;
	s0 =	smax.u32 s0, $0x1;
	[dreg:$0xf] =	wrdreg s12  }
0x1c: {  	s8 =	sadd.s32 $0x4E340, s15;
	s16 =	sadd.s32 $0x9C40, s12;
	[dreg:$0x19] =	wrdreg s0  }
0x1d: {  	s23 =	simm.s32 $0x1;
	s18 =	sadd.s32 $0x9C4A, s12;
	[dreg:$0x10] =	wrdreg s16  }
0x1e: {  	s7 =	simm.s32 $0x8;
	s19 =	sadd.s32 $0x9C54, s12;
	[dreg:$0x11] =	wrdreg s18  }
0x1f: {  	s15 =	simm.s32 $0xB;
	s20 =	sadd.s32 $0x9C5E, s12;
	[dreg:$0x12] =	wrdreg s19  }
0x20: {  	s22 =	sadd.s32 $0xA0FA, s12;
	s24 =	sadd.s32 $0xA104, s12;
	[dreg:$0x13] =	wrdreg s20  }
0x21: {  	s25 =	sadd.s32 $0xA10E, s12;
	s8 =	sshrl.u32 s8, $0x3;
	[dreg:$0x14] =	wrdreg s22  }
0x22: {  	s26 =	sadd.s32 $0xA118, s12;
	s0 =	simm.s32 $0xA100;
	[dreg:$0x15] =	wrdreg s24  }
0x23: {  	s10 =	simm.s32 $0xC;
	[dreg:$0x16] =	wrdreg s25;
	s8 =	sadd.s32 s8, s9  }
0x24: {  	[dreg:$0x17] =	wrdreg s26;
	s24 =	simm.s32 $0x2;
	s25 =	simm.s32 $0x2780  }
0x25: {  	s26 =	simm.s32 $0x50;
	s9 =	simm.s32 $0xA;
	s16 =	simm.s32 $0x6  }
0x26: {  	v0 =	vimm.f32 $1.000000000e+00;
	s18 =	simm.s32 $0x0;
	[dreg:$0x7] =	wrdreg s8;
	s8 =	simm.s32 $0x4  }
.LBB2_1:
0x27: {  	s12 =	rddreg [dreg:$0xc]  }
0x28: {  	s22 =	rddreg [dreg:$0x8]  }
0x29: {  	s20 =	rddreg [dreg:$0xe];
	s19 =	sshrl.u32 s12, $0x3  }
0x2a: {  	[spmem:s19], [sflag:s20] =	dma.local [hbm:s22], $0x2800  }
0x2b: {  	s12 =	rddreg [dreg:$0xf]  }
0x2c: {  	[tilespmem:s4], [sflag:$0x2] =	stream.linear.gather [hbm4b:s12+s4], $0x2710, $0x38;
	[tilespmem:$0x1E400] =	vst v63  }
0x2d: {  	s21 =	simm.s32 @!p0 $0x1C0D;
	s20 =	sshrl.u32 @!p0 s3, $0x3;
	s12 =	rddreg [dreg:$0x9]  }
0x2e: {  	[spmem:s20], [sflag:s21] =	dma.local @!p0 [hbm:s12], $0x500  }
0x2f: {  	s20 =	simm.s32 @!p0 $0xD  }
0x30: {  	_ =	swait.ge @!p0 [sflag:s20], $0x500  }
0x31: {  	[sflag:s20] =	ssyncset.done @!p0 $0x0  }
0x32: {  	[sflag:s20] =	ssyncadd.s32 @!p0 $0xFFFFFB00  }
0x33: {  	[tilespmem:$0xA100] =	vst v0  }
0x34: {  	[tilespmem:$0xA110] =	vst v0  }
0x35: {  	[tilespmem:$0xA120] =	vst v0  }
0x36: {  	[tilespmem:$0xA130] =	vst v0  }
0x37: {  	[tilespmem:$0xA140] =	vst v0  }
0x38: {  	_ =	swait.ge [sflag:s23], $0x2800  }
0x39: {  	[sflag:s23] =	ssyncset.done $0x0  }
0x3a: {  	[sflag:s23] =	ssyncadd.s32 $0xFFFFD800  }
0x3b: {  	_ =	swait.ge [sflag:s24], $0x2710  }
0x3c: {  	[sflag:s24] =	ssyncset.done $0x0  }
0x3d: {  	[sflag:s24] =	ssyncadd.s32 $0xFFFFD8F0  }
0x3e: {  	[bflag:$0x0] =	sbarrier.arrive $0xFFFF  }
0x3f: {  	s20 =	rddreg [dreg:$0x10]  }
0x40: {  	[tilespmem:s25], [sflag:$0x7] =	stream.linear.gather [hbm4b:s20+s4], $0x50, $0x38;
	[tilespmem:$0x1E400] =	vst v63  }
0x41: {  	_ = 	snop  }
0x42: {  	[tilespmem:s28], [sflag:$0x1] =	stream.indirect.gather [hbm4b:s1+s26], $0x80, s4, s26, $0xb8;
	[tilespmem:$0x1E400] =	vst v63  }
0x43: {  	s21 =	rddreg [dreg:$0x11]  }
0x44: {  	[tilespmem:s29], [sflag:$0x8] =	stream.linear.gather [hbm4b:s21+s4], $0x50, $0x38;
	[tilespmem:$0x1E400] =	vst v63  }
0x45: {  	_ = 	snop  }
0x46: {  	[tilespmem:s30], [sflag:$0x2] =	stream.indirect.gather [hbm4b:s1+s26], $0x80, s26, s26, $0xb8;
	[tilespmem:$0x1E400] =	vst v63  }
0x47: {  	_ =	swait.ge [sflag:s23], $0x2800  }
0x48: {  	[sflag:s23] =	ssyncset.done $0x0  }
0x49: {  	[sflag:s23] =	ssyncadd.s32 $0xFFFFD800  }
0x4a: {  	_ =	swait.ge [sflag:s31], $0x50  }
0x4b: {  	[sflag:s31] =	ssyncset.done $0x0  }
0x4c: {  	[sflag:s31] =	ssyncadd.s32 $0xFFFFFFB0  }
0x4d: {  	[spmem:s2] =	stream.indirect.scatter.add.f32 [tilespmem:s28], [sflag:$0x4], $0x80, s25, s26, $0xb8;
	[tilespmem:$0x1E400] =	vst v63  }
0x4e: {  	_ = 	snop  }
0x4f: {  	[spmem:s3] =	stream.indirect.scatter.add.f32 [tilespmem:s0], [sflag:$0xA], $0x1, s25, s26, $0xb8;
	[tilespmem:$0x1E400] =	vst v63  }
0x50: {  	s22 =	rddreg [dreg:$0x12]  }
0x51: {  	[tilespmem:s5], [sflag:$0x9] =	stream.linear.gather [hbm4b:s22+s4], $0x50, $0x38;
	[tilespmem:$0x1E400] =	vst v63  }
0x52: {  	s20 =	simm.s32 $0xA0  }
0x53: {  	[tilespmem:s6], [sflag:$0x3] =	stream.indirect.gather [hbm4b:s1+s26], $0x80, s20, s26, $0xb8;
	[tilespmem:$0x1E400] =	vst v63  }
0x54: {  	_ =	swait.ge [sflag:s24], $0x2800  }
0x55: {  	[sflag:s24] =	ssyncset.done $0x0  }
0x56: {  	[sflag:s24] =	ssyncadd.s32 $0xFFFFD800  }
0x57: {  	_ =	swait.ge [sflag:s7], $0x50  }
0x58: {  	[sflag:s7] =	ssyncset.done $0x0  }
0x59: {  	[sflag:s7] =	ssyncadd.s32 $0xFFFFFFB0  }
0x5a: {  	[spmem:s2] =	stream.indirect.scatter.add.f32 [tilespmem:s30], [sflag:$0x5], $0x80, s29, s26, $0xb8;
	[tilespmem:$0x1E400] =	vst v63  }
0x5b: {  	_ = 	snop  }
0x5c: {  	[spmem:s3] =	stream.indirect.scatter.add.f32 [tilespmem:s0], [sflag:$0xB], $0x1, s29, s26, $0xb8;
	[tilespmem:$0x1E400] =	vst v63  }
0x5d: {  	_ =	swait.ge [sflag:s8], $0x2800  }
0x5e: {  	[sflag:s8] =	ssyncset.done $0x0  }
0x5f: {  	[sflag:s8] =	ssyncadd.s32 $0xFFFFD800  }
0x60: {  	_ =	swait.ge [sflag:s9], $0x50  }
0x61: {  	[sflag:s9] =	ssyncset.done $0x0  }
0x62: {  	s21 =	rddreg [dreg:$0x13];
	[sflag:s9] =	ssyncadd.s32 $0xFFFFFFB0  }
0x63: {  	[tilespmem:s25], [sflag:$0x7] =	stream.linear.gather [hbm4b:s21+s4], $0x50, $0x38;
	[tilespmem:$0x1E400] =	vst v63  }
0x64: {  	s22 =	simm.s32 $0xF0  }
0x65: {  	[tilespmem:s28], [sflag:$0x1] =	stream.indirect.gather [hbm4b:s1+s26], $0x80, s22, s26, $0xb8;
	[tilespmem:$0x1E400] =	vst v63  }
0x66: {  	_ =	swait.ge [sflag:s11], $0x2800  }
0x67: {  	[sflag:s11] =	ssyncset.done $0x0  }
0x68: {  	[sflag:s11] =	ssyncadd.s32 $0xFFFFD800  }
0x69: {  	_ =	swait.ge [sflag:s13], $0x50  }
0x6a: {  	[sflag:s13] =	ssyncset.done $0x0  }
0x6b: {  	[sflag:s13] =	ssyncadd.s32 $0xFFFFFFB0  }
0x6c: {  	[spmem:s2] =	stream.indirect.scatter.add.f32 [tilespmem:s6], [sflag:$0x6], $0x80, s5, s26, $0xb8;
	[tilespmem:$0x1E400] =	vst v63  }
0x6d: {  	_ = 	snop  }
0x6e: {  	[spmem:s3] =	stream.indirect.scatter.add.f32 [tilespmem:s0], [sflag:$0xC], $0x1, s5, s26, $0xb8;
	[tilespmem:$0x1E400] =	vst v63  }
0x6f: {  	_ =	swait.ge [sflag:s14], $0x2800  }
0x70: {  	[sflag:s14] =	ssyncset.done $0x0  }
0x71: {  	[sflag:s14] =	ssyncadd.s32 $0xFFFFD800  }
0x72: {  	_ =	swait.ge [sflag:s15], $0x50  }
0x73: {  	s12 =	rddreg [dreg:$0x7];
	[sflag:s15] =	ssyncset.done $0x0  }
0x74: {  	[sflag:s15] =	ssyncadd.s32 $0xFFFFFFB0;
	s20 =	sadd.s32 $0x0, s12  }
0x75: {  	[tilespmem:s29], [sflag:$0x8] =	stream.linear.gather [hbm4b:s20+s4], $0x50, $0x38;
	[tilespmem:$0x1E400] =	vst v63  }
0x76: {  	s21 =	simm.s32 $0x140  }
0x77: {  	[tilespmem:s30], [sflag:$0x2] =	stream.indirect.gather [hbm4b:s1+s26], $0x80, s21, s26, $0xb8;
	[tilespmem:$0x1E400] =	vst v63  }
0x78: {  	_ =	swait.ge [sflag:s23], $0x2800  }
0x79: {  	[sflag:s23] =	ssyncset.done $0x0  }
0x7a: {  	[sflag:s23] =	ssyncadd.s32 $0xFFFFD800  }
0x7b: {  	_ =	swait.ge [sflag:s31], $0x50  }
0x7c: {  	[sflag:s31] =	ssyncset.done $0x0  }
0x7d: {  	[sflag:s31] =	ssyncadd.s32 $0xFFFFFFB0  }
0x7e: {  	[spmem:s2] =	stream.indirect.scatter.add.f32 [tilespmem:s28], [sflag:$0x4], $0x80, s25, s26, $0xb8;
	[tilespmem:$0x1E400] =	vst v63  }
0x7f: {  	_ = 	snop  }
0x80: {  	[spmem:s3] =	stream.indirect.scatter.add.f32 [tilespmem:s0], [sflag:$0xA], $0x1, s25, s26, $0xb8;
	[tilespmem:$0x1E400] =	vst v63  }
0x81: {  	_ =	swait.ge [sflag:s16], $0x2800  }
0x82: {  	[sflag:s16] =	ssyncset.done $0x0  }
0x83: {  	[sflag:s16] =	ssyncadd.s32 $0xFFFFD800  }
0x84: {  	_ =	swait.ge [sflag:s10], $0x50  }
0x85: {  	s22 =	rddreg [dreg:$0x6];
	[sflag:s10] =	ssyncset.done $0x0  }
0x86: {  	[sflag:s10] =	ssyncadd.s32 $0xFFFFFFB0;
	s20 =	sadd.s32 $0x0, s22  }
0x87: {  	[tilespmem:s5], [sflag:$0x9] =	stream.linear.gather [hbm4b:s20+s4], $0x50, $0x38;
	[tilespmem:$0x1E400] =	vst v63  }
0x88: {  	s12 =	simm.s32 $0x190  }
0x89: {  	[tilespmem:s6], [sflag:$0x3] =	stream.indirect.gather [hbm4b:s1+s26], $0x80, s12, s26, $0xb8;
	[tilespmem:$0x1E400] =	vst v63  }
0x8a: {  	_ =	swait.ge [sflag:s24], $0x2800  }
0x8b: {  	[sflag:s24] =	ssyncset.done $0x0  }
0x8c: {  	[sflag:s24] =	ssyncadd.s32 $0xFFFFD800  }
0x8d: {  	_ =	swait.ge [sflag:s7], $0x50  }
0x8e: {  	[sflag:s7] =	ssyncset.done $0x0  }
0x8f: {  	[sflag:s7] =	ssyncadd.s32 $0xFFFFFFB0  }
0x90: {  	[spmem:s2] =	stream.indirect.scatter.add.f32 [tilespmem:s30], [sflag:$0x5], $0x80, s29, s26, $0xb8;
	[tilespmem:$0x1E400] =	vst v63  }
0x91: {  	_ = 	snop  }
0x92: {  	[spmem:s3] =	stream.indirect.scatter.add.f32 [tilespmem:s0], [sflag:$0xB], $0x1, s29, s26, $0xb8;
	[tilespmem:$0x1E400] =	vst v63  }
0x93: {  	_ =	swait.ge [sflag:s8], $0x2800  }
0x94: {  	[sflag:s8] =	ssyncset.done $0x0  }
0x95: {  	[sflag:s8] =	ssyncadd.s32 $0xFFFFD800  }
0x96: {  	_ =	swait.ge [sflag:s9], $0x50  }
0x97: {  	s21 =	rddreg [dreg:$0x5];
	[sflag:s9] =	ssyncset.done $0x0  }
0x98: {  	[sflag:s9] =	ssyncadd.s32 $0xFFFFFFB0;
	s20 =	sadd.s32 $0x0, s21  }
0x99: {  	[tilespmem:s25], [sflag:$0x7] =	stream.linear.gather [hbm4b:s20+s4], $0x50, $0x38;
	[tilespmem:$0x1E400] =	vst v63  }
0x9a: {  	s22 =	simm.s32 $0x1E0  }
0x9b: {  	[tilespmem:s28], [sflag:$0x1] =	stream.indirect.gather [hbm4b:s1+s26], $0x80, s22, s26, $0xb8;
	[tilespmem:$0x1E400] =	vst v63  }
0x9c: {  	_ =	swait.ge [sflag:s11], $0x2800  }
0x9d: {  	[sflag:s11] =	ssyncset.done $0x0  }
0x9e: {  	[sflag:s11] =	ssyncadd.s32 $0xFFFFD800  }
0x9f: {  	_ =	swait.ge [sflag:s13], $0x50  }
0xa0: {  	[sflag:s13] =	ssyncset.done $0x0  }
0xa1: {  	s21 =	simm.s32 $0x2D0;
	s20 =	simm.s32 $0x1E;
	[sflag:s13] =	ssyncadd.s32 $0xFFFFFFB0  }
0xa2: {  	[spmem:s2] =	stream.indirect.scatter.add.f32 [tilespmem:s6], [sflag:$0x6], $0x80, s5, s26, $0xb8;
	[tilespmem:$0x1E400] =	vst v63  }
.LBB2_2:
0xa3: {  	[spmem:s3] =	stream.indirect.scatter.add.f32 [tilespmem:s0], [sflag:$0xC], $0x1, s5, s26, $0xb8;
	[tilespmem:$0x1E400] =	vst v63  }
0xa4: {  	_ =	swait.ge [sflag:s14], $0x2800  }
0xa5: {  	[sflag:s14] =	ssyncset.done $0x0  }
0xa6: {  	[sflag:s14] =	ssyncadd.s32 $0xFFFFD800  }
0xa7: {  	_ =	swait.ge [sflag:s15], $0x50  }
0xa8: {  	s22 =	smov.u32 s20;
	s12 =	rddreg [dreg:$0x7];
	[sflag:s15] =	ssyncset.done $0x0  }
0xa9: {  	[sflag:s15] =	ssyncadd.s32 $0xFFFFFFB0;
	s12 =	sadd.s32 s22, s12  }
0xaa: {  	[tilespmem:s29], [sflag:$0x8] =	stream.linear.gather [hbm4b:s12+s4], $0x50, $0x38;
	[tilespmem:$0x1E400] =	vst v63  }
0xab: {  	s12 =	sadd.s32 $0xFFFFFF60, s21  }
0xac: {  	[tilespmem:s30], [sflag:$0x2] =	stream.indirect.gather [hbm4b:s1+s26], $0x80, s12, s26, $0xb8;
	[tilespmem:$0x1E400] =	vst v63  }
0xad: {  	_ =	swait.ge [sflag:s23], $0x2800  }
0xae: {  	[sflag:s23] =	ssyncset.done $0x0  }
0xaf: {  	[sflag:s23] =	ssyncadd.s32 $0xFFFFD800  }
0xb0: {  	_ =	swait.ge [sflag:s31], $0x50  }
0xb1: {  	[sflag:s31] =	ssyncset.done $0x0  }
0xb2: {  	[sflag:s31] =	ssyncadd.s32 $0xFFFFFFB0  }
0xb3: {  	[spmem:s2] =	stream.indirect.scatter.add.f32 [tilespmem:s28], [sflag:$0x4], $0x80, s25, s26, $0xb8;
	[tilespmem:$0x1E400] =	vst v63  }
0xb4: {  	_ = 	snop  }
0xb5: {  	[spmem:s3] =	stream.indirect.scatter.add.f32 [tilespmem:s0], [sflag:$0xA], $0x1, s25, s26, $0xb8;
	[tilespmem:$0x1E400] =	vst v63  }
0xb6: {  	_ =	swait.ge [sflag:s16], $0x2800  }
0xb7: {  	[sflag:s16] =	ssyncset.done $0x0  }
0xb8: {  	[sflag:s16] =	ssyncadd.s32 $0xFFFFD800  }
0xb9: {  	_ =	swait.ge [sflag:s10], $0x50  }
0xba: {  	s12 =	rddreg [dreg:$0x6];
	[sflag:s10] =	ssyncset.done $0x0  }
0xbb: {  	[sflag:s10] =	ssyncadd.s32 $0xFFFFFFB0;
	s12 =	sadd.s32 s22, s12  }
0xbc: {  	[tilespmem:s5], [sflag:$0x9] =	stream.linear.gather [hbm4b:s12+s4], $0x50, $0x38;
	[tilespmem:$0x1E400] =	vst v63  }
0xbd: {  	s12 =	sadd.s32 $0xFFFFFFB0, s21  }
0xbe: {  	[tilespmem:s6], [sflag:$0x3] =	stream.indirect.gather [hbm4b:s1+s26], $0x80, s12, s26, $0xb8;
	[tilespmem:$0x1E400] =	vst v63  }
0xbf: {  	_ =	swait.ge [sflag:s24], $0x2800  }
0xc0: {  	[sflag:s24] =	ssyncset.done $0x0  }
0xc1: {  	[sflag:s24] =	ssyncadd.s32 $0xFFFFD800  }
0xc2: {  	_ =	swait.ge [sflag:s7], $0x50  }
0xc3: {  	[sflag:s7] =	ssyncset.done $0x0  }
0xc4: {  	[sflag:s7] =	ssyncadd.s32 $0xFFFFFFB0  }
0xc5: {  	[spmem:s2] =	stream.indirect.scatter.add.f32 [tilespmem:s30], [sflag:$0x5], $0x80, s29, s26, $0xb8;
	[tilespmem:$0x1E400] =	vst v63  }
0xc6: {  	_ = 	snop  }
0xc7: {  	[spmem:s3] =	stream.indirect.scatter.add.f32 [tilespmem:s0], [sflag:$0xB], $0x1, s29, s26, $0xb8;
	[tilespmem:$0x1E400] =	vst v63  }
0xc8: {  	_ =	swait.ge [sflag:s8], $0x2800  }
0xc9: {  	[sflag:s8] =	ssyncset.done $0x0  }
0xca: {  	[sflag:s8] =	ssyncadd.s32 $0xFFFFD800  }
0xcb: {  	_ =	swait.ge [sflag:s9], $0x50  }
0xcc: {  	s12 =	rddreg [dreg:$0x5];
	[sflag:s9] =	ssyncset.done $0x0  }
0xcd: {  	[sflag:s9] =	ssyncadd.s32 $0xFFFFFFB0;
	s12 =	sadd.s32 s22, s12  }
0xce: {  	[tilespmem:s25], [sflag:$0x7] =	stream.linear.gather [hbm4b:s12+s4], $0x50, $0x38;
	[tilespmem:$0x1E400] =	vst v63  }
0xcf: {  	_ = 	snop  }
0xd0: {  	[tilespmem:s28], [sflag:$0x1] =	stream.indirect.gather [hbm4b:s1+s26], $0x80, s21, s26, $0xb8;
	[tilespmem:$0x1E400] =	vst v63  }
0xd1: {  	_ =	swait.ge [sflag:s11], $0x2800  }
0xd2: {  	p3 =	sne.s32 s20, $0x474;
	[sflag:s11] =	ssyncset.done $0x0  }
.Ltmp0:
0xd3: {  	[sflag:s11] =	ssyncadd.s32 $0xFFFFD800;
	(pc) =	sbr.rel @p3 .LBB2_2-.Ltmp0, $4  }
0xd4: {  	_ =	swait.ge [sflag:s13], $0x50  }
0xd5: {  	[sflag:s13] =	ssyncset.done $0x0  }
0xd6: {  	s20 =	sadd.s32 $0x1E, s20;
	s21 =	sadd.s32 $0xF0, s21;
	[sflag:s13] =	ssyncadd.s32 $0xFFFFFFB0  }
0xd7: {  	[spmem:s2] =	stream.indirect.scatter.add.f32 [tilespmem:s6], [sflag:$0x6], $0x80, s5, s26, $0xb8;
	[tilespmem:$0x1E400] =	vst v63  }
0xd8: {  	[spmem:s3] =	stream.indirect.scatter.add.f32 [tilespmem:s0], [sflag:$0xC], $0x1, s5, s26, $0xb8;
	[tilespmem:$0x1E400] =	vst v63  }
0xd9: {  	_ =	swait.ge [sflag:s14], $0x2800  }
0xda: {  	[sflag:s14] =	ssyncset.done $0x0  }
0xdb: {  	[sflag:s14] =	ssyncadd.s32 $0xFFFFD800  }
0xdc: {  	_ =	swait.ge [sflag:s15], $0x50  }
0xdd: {  	[sflag:s15] =	ssyncset.done $0x0  }
0xde: {  	s12 =	rddreg [dreg:$0x14];
	[sflag:s15] =	ssyncadd.s32 $0xFFFFFFB0  }
0xdf: {  	[tilespmem:s29], [sflag:$0x8] =	stream.linear.gather [hbm4b:s12+s4], $0x50, $0x38;
	[tilespmem:$0x1E400] =	vst v63  }
0xe0: {  	s20 =	simm.s32 $0x25D0  }
0xe1: {  	[tilespmem:s30], [sflag:$0x2] =	stream.indirect.gather [hbm4b:s1+s26], $0x80, s20, s26, $0xb8;
	[tilespmem:$0x1E400] =	vst v63  }
0xe2: {  	_ =	swait.ge [sflag:s23], $0x2800  }
0xe3: {  	[sflag:s23] =	ssyncset.done $0x0  }
0xe4: {  	[sflag:s23] =	ssyncadd.s32 $0xFFFFD800  }
0xe5: {  	_ =	swait.ge [sflag:s31], $0x50  }
0xe6: {  	[sflag:s31] =	ssyncset.done $0x0  }
0xe7: {  	[sflag:s31] =	ssyncadd.s32 $0xFFFFFFB0  }
0xe8: {  	[spmem:s2] =	stream.indirect.scatter.add.f32 [tilespmem:s28], [sflag:$0x4], $0x80, s25, s26, $0xb8;
	[tilespmem:$0x1E400] =	vst v63  }
0xe9: {  	_ = 	snop  }
0xea: {  	[spmem:s3] =	stream.indirect.scatter.add.f32 [tilespmem:s0], [sflag:$0xA], $0x1, s25, s26, $0xb8;
	[tilespmem:$0x1E400] =	vst v63  }
0xeb: {  	_ =	swait.ge [sflag:s16], $0x2800  }
0xec: {  	[sflag:s16] =	ssyncset.done $0x0  }
0xed: {  	[sflag:s16] =	ssyncadd.s32 $0xFFFFD800  }
0xee: {  	_ =	swait.ge [sflag:s10], $0x50  }
0xef: {  	[sflag:s10] =	ssyncset.done $0x0  }
0xf0: {  	s21 =	rddreg [dreg:$0x15];
	[sflag:s10] =	ssyncadd.s32 $0xFFFFFFB0  }
0xf1: {  	[tilespmem:s5], [sflag:$0x9] =	stream.linear.gather [hbm4b:s21+s4], $0x50, $0x38;
	[tilespmem:$0x1E400] =	vst v63  }
0xf2: {  	s22 =	simm.s32 $0x2620  }
0xf3: {  	[tilespmem:s6], [sflag:$0x3] =	stream.indirect.gather [hbm4b:s1+s26], $0x80, s22, s26, $0xb8;
	[tilespmem:$0x1E400] =	vst v63  }
0xf4: {  	_ =	swait.ge [sflag:s24], $0x2800  }
0xf5: {  	[sflag:s24] =	ssyncset.done $0x0  }
0xf6: {  	[sflag:s24] =	ssyncadd.s32 $0xFFFFD800  }
0xf7: {  	_ =	swait.ge [sflag:s7], $0x50  }
0xf8: {  	[sflag:s7] =	ssyncset.done $0x0  }
0xf9: {  	[sflag:s7] =	ssyncadd.s32 $0xFFFFFFB0  }
0xfa: {  	[spmem:s2] =	stream.indirect.scatter.add.f32 [tilespmem:s30], [sflag:$0x5], $0x80, s29, s26, $0xb8;
	[tilespmem:$0x1E400] =	vst v63  }
0xfb: {  	_ = 	snop  }
0xfc: {  	[spmem:s3] =	stream.indirect.scatter.add.f32 [tilespmem:s0], [sflag:$0xB], $0x1, s29, s26, $0xb8;
	[tilespmem:$0x1E400] =	vst v63  }
0xfd: {  	_ =	swait.ge [sflag:s8], $0x2800  }
0xfe: {  	[sflag:s8] =	ssyncset.done $0x0  }
0xff: {  	[sflag:s8] =	ssyncadd.s32 $0xFFFFD800  }
0x100: {  	_ =	swait.ge [sflag:s9], $0x50  }
0x101: {  	[sflag:s9] =	ssyncset.done $0x0  }
0x102: {  	s20 =	rddreg [dreg:$0x16];
	[sflag:s9] =	ssyncadd.s32 $0xFFFFFFB0  }
0x103: {  	[tilespmem:s25], [sflag:$0x7] =	stream.linear.gather [hbm4b:s20+s4], $0x50, $0x38;
	[tilespmem:$0x1E400] =	vst v63  }
0x104: {  	s21 =	simm.s32 $0x2670  }
0x105: {  	[tilespmem:s28], [sflag:$0x1] =	stream.indirect.gather [hbm4b:s1+s26], $0x80, s21, s26, $0xb8;
	[tilespmem:$0x1E400] =	vst v63  }
0x106: {  	_ =	swait.ge [sflag:s11], $0x2800  }
0x107: {  	[sflag:s11] =	ssyncset.done $0x0  }
0x108: {  	[sflag:s11] =	ssyncadd.s32 $0xFFFFD800  }
0x109: {  	_ =	swait.ge [sflag:s13], $0x50  }
0x10a: {  	[sflag:s13] =	ssyncset.done $0x0  }
0x10b: {  	[sflag:s13] =	ssyncadd.s32 $0xFFFFFFB0  }
0x10c: {  	[spmem:s2] =	stream.indirect.scatter.add.f32 [tilespmem:s6], [sflag:$0x6], $0x80, s5, s26, $0xb8;
	[tilespmem:$0x1E400] =	vst v63  }
0x10d: {  	_ = 	snop  }
0x10e: {  	[spmem:s3] =	stream.indirect.scatter.add.f32 [tilespmem:s0], [sflag:$0xC], $0x1, s5, s26, $0xb8;
	[tilespmem:$0x1E400] =	vst v63  }
0x10f: {  	_ =	swait.ge [sflag:s14], $0x2800  }
0x110: {  	[sflag:s14] =	ssyncset.done $0x0  }
0x111: {  	[sflag:s14] =	ssyncadd.s32 $0xFFFFD800  }
0x112: {  	_ =	swait.ge [sflag:s15], $0x50  }
0x113: {  	[sflag:s15] =	ssyncset.done $0x0  }
0x114: {  	s22 =	rddreg [dreg:$0x17];
	[sflag:s15] =	ssyncadd.s32 $0xFFFFFFB0  }
0x115: {  	[tilespmem:s29], [sflag:$0x8] =	stream.linear.gather [hbm4b:s22+s4], $0x50, $0x38;
	[tilespmem:$0x1E400] =	vst v63  }
0x116: {  	s20 =	simm.s32 $0x26C0  }
0x117: {  	[tilespmem:s30], [sflag:$0x2] =	stream.indirect.gather [hbm4b:s1+s26], $0x80, s20, s26, $0xb8;
	[tilespmem:$0x1E400] =	vst v63  }
0x118: {  	_ =	swait.ge [sflag:s23], $0x2800  }
0x119: {  	[sflag:s23] =	ssyncset.done $0x0  }
0x11a: {  	[sflag:s23] =	ssyncadd.s32 $0xFFFFD800  }
0x11b: {  	_ =	swait.ge [sflag:s31], $0x50  }
0x11c: {  	[sflag:s31] =	ssyncset.done $0x0  }
0x11d: {  	[sflag:s31] =	ssyncadd.s32 $0xFFFFFFB0  }
0x11e: {  	[spmem:s2] =	stream.indirect.scatter.add.f32 [tilespmem:s28], [sflag:$0x4], $0x80, s25, s26, $0xb8;
	[tilespmem:$0x1E400] =	vst v63  }
0x11f: {  	_ = 	snop  }
0x120: {  	[spmem:s3] =	stream.indirect.scatter.add.f32 [tilespmem:s0], [sflag:$0xA], $0x1, s25, s26, $0xb8;
	[tilespmem:$0x1E400] =	vst v63  }
0x121: {  	_ =	swait.ge [sflag:s16], $0x2800  }
0x122: {  	[sflag:s16] =	ssyncset.done $0x0  }
0x123: {  	[sflag:s16] =	ssyncadd.s32 $0xFFFFD800  }
0x124: {  	_ =	swait.ge [sflag:s10], $0x50  }
0x125: {  	[sflag:s10] =	ssyncset.done $0x0  }
0x126: {  	[sflag:s10] =	ssyncadd.s32 $0xFFFFFFB0  }
0x127: {  	_ =	swait.ge [sflag:s24], $0x2800  }
0x128: {  	[sflag:s24] =	ssyncset.done $0x0  }
0x129: {  	[sflag:s24] =	ssyncadd.s32 $0xFFFFD800  }
0x12a: {  	_ =	swait.ge [sflag:s7], $0x50  }
0x12b: {  	[sflag:s7] =	ssyncset.done $0x0  }
0x12c: {  	[sflag:s7] =	ssyncadd.s32 $0xFFFFFFB0  }
0x12d: {  	[spmem:s2] =	stream.indirect.scatter.add.f32 [tilespmem:s30], [sflag:$0x5], $0x80, s29, s26, $0xb8;
	[tilespmem:$0x1E400] =	vst v63  }
0x12e: {  	_ = 	snop  }
0x12f: {  	[spmem:s3] =	stream.indirect.scatter.add.f32 [tilespmem:s0], [sflag:$0xB], $0x1, s29, s26, $0xb8;
	[tilespmem:$0x1E400] =	vst v63  }
0x130: {  	_ =	swait.ge [sflag:s8], $0x2800  }
0x131: {  	[sflag:s8] =	ssyncset.done $0x0  }
0x132: {  	[sflag:s8] =	ssyncadd.s32 $0xFFFFD800  }
0x133: {  	_ =	swait.ge [sflag:s9], $0x50  }
0x134: {  	[sflag:s9] =	ssyncset.done $0x0  }
0x135: {  	[sflag:s9] =	ssyncadd.s32 $0xFFFFFFB0  }
0x136: {  	_ =	swait.ge [sflag:s14], $0x2800  }
0x137: {  	[sflag:s14] =	ssyncset.done $0x0  }
0x138: {  	[sflag:s14] =	ssyncadd.s32 $0xFFFFD800  }
0x139: {  	_ =	swait.ge [sflag:s15], $0x50  }
0x13a: {  	[sflag:s15] =	ssyncset.done $0x0  }
0x13b: {  	[sflag:s15] =	ssyncadd.s32 $0xFFFFFFB0  }
0x13c: {  	[bflag:$0x0] =	sbarrier.arrive $0xFFFF  }
0x13d: {  	s21 =	rddreg [dreg:$0xd]  }
0x13e: {  	s20 =	rddreg [dreg:$0x18];
	s12 =	sor.u32 $0x1C0D, s21  }
0x13f: {  	[hbm:s20], [sflag:s12] =	dma.local [spmem:s19], $0x2800  }
0x140: {  	_ =	swait.ge [sflag:s17], $0x2800  }
0x141: {  	[sflag:s17] =	ssyncset.done $0x0  }
0x142: {  	s19 =	sshrl.u32 @!p2 s3, $0x3;
	s20 =	rddreg [dreg:$0xa];
	[sflag:s17] =	ssyncadd.s32 $0xFFFFD800  }
0x143: {  	[hbm:s20], [sflag:s12] =	dma.local @!p2 [spmem:s19], $0x500  }
0x144: {  	s19 =	simm.s32 @!p2 $0xD  }
0x145: {  	_ =	swait.ge @!p2 [sflag:s19], $0x500  }
0x146: {  	[sflag:s19] =	ssyncset.done @!p2 $0x0  }
0x147: {  	s20 =	rddreg [dreg:$0xb];
	[sflag:s19] =	ssyncadd.s32 @!p2 $0xFFFFFB00;
	s19 =	sshrl.u32 @p1 s3, $0x3  }
0x148: {  	[hbm:s20], [sflag:s12] =	dma.local @p1 [spmem:s19], $0x500  }
0x149: {  	s12 =	simm.s32 @p1 $0xD  }
0x14a: {  	_ =	swait.ge @p1 [sflag:s12], $0x500  }
0x14b: {  	s18 =	sadd.s32 $0x1, s18;
	s22 =	rddreg [dreg:$0x19]  }
0x14c: {  	p3 =	sne.s32 s18, s22  }
.Ltmp1:
0x14d: {  	_ = 	snop;
	(pc) =	sbr.rel @p3 .LBB2_1-.Ltmp1, $3  }
0x14e: {  	_ =	sdelay $0x1  }
0x14f: {  	[sflag:s12] =	ssyncset.done @p1 $0x0  }
0x150: {  	[sflag:s12] =	ssyncadd.s32 @p1 $0xFFFFFB00  }
0x151: {  	_ =	sfence.sel $0x180000  }
0x152: {  	[bflag:$0x0] =	sbarrier.arrive $0xFFFF  }
0x153: {  	_ =	strace $0x90000047  }
0x154: {  	[bflag:$0x2] =	sbarrier.arrive $0xFFFF  }
0x155: {  	s0 =	rddreg [dreg:$0x4]  }
0x156: {  	s0 =	sadd.s32 @!p0 $0x100000, s0  }
0x157: {  	[sflag:s0] =	ssyncadd.tile.s32 @!p0 $0x1;
	_ =	shalt  }
.Lfunc_end2:
_tile_overlayer_lowered:
.L_overlay_start_2:
0x158: {  	(tag) =	ssettag $0x2  }
0x159: {  	s0 =	rddreg [dreg:$0x0];
	s2 =	stileid.u32  }
0x15a: {  	s1 =	rddreg [dreg:$0x1];
	p0 =	sne.s32 s2, $0x0  }
0x15b: {  	s3 =	rddreg [dreg:$0x2];
	[bflag:$0x3] =	sbarrier.arrive $0xFFFF;
	s2 =	simm.s32 @!p0 $0x1C0D  }
0x15c: {  	[timem:s3], [sflag:s2] =	dma.local @!p0 [hbm:s0], s1  }
0x15d: {  	s0 =	simm.s32 @!p0 $0xD  }
0x15e: {  	_ =	swait.ge @!p0 [sflag:s0], s1  }
0x15f: {  	s1 =	ssub.s32 @!p0 $0x0, s1;
	[sflag:s0] =	ssyncset.done @!p0 $0x0  }
0x160: {  	[sflag:s0] =	ssyncadd.s32 @!p0 s1  }
0x161: {  	[bflag:$0x3] =	sbarrier.arrive $0xFFFF  }
0x162: {  	_ =	shalt  }

</sc_bundles>
